<compile_context>
chip_gen: v7x
topology: tpu7x:2x2x1
jax: 0.10.2.dev20260603
libtpu: 0.0.44.dev20260713+nightly
codegen_flags: <defaults>
</compile_context>

<pallas_src>
import functools

import jax
import jax.numpy as jnp
from jax import lax
from jax.experimental import pallas as pl
from jax.experimental.pallas import tpu as pltpu
from jax.experimental.pallas import tpu_sc as plsc

B = 16384
D = 768
_BM = 1024
_CHUNKS = (2048, 4096, 5120, 5120)
assert sum(_CHUNKS) == B



def _sc_gather(stu_ids, exer_in, stu_table, bert_table, bc, off):
    info = plsc.get_sparse_core_info()
    nw = info.num_cores * info.num_subcores
    nc = info.num_cores
    bpw = bc // nw
    nch = -(-bpw // 80)
    while bpw % nch:
        nch += 1
    ch = bpw // nch
    ntask = 2 * nch
    nbuf = min(2, ntask)

    mesh = plsc.VectorSubcoreMesh(core_axis_name="c", subcore_axis_name="s")

    @functools.partial(
        pl.kernel,
        mesh=mesh,
        out_type=[
            jax.ShapeDtypeStruct((bc, D), jnp.float32),
            jax.ShapeDtypeStruct((bc, D), jnp.float32),
        ],
        scratch_types=(
            [pltpu.VMEM((bpw,), jnp.int32)] * 2
            + [pltpu.VMEM((ch, D), jnp.float32)] * nbuf
            + [pltpu.SemaphoreType.DMA] * (2 * nbuf)
        ),
    )
    def gather_k(stu_ids_hbm, exer_in_hbm, stu_table_hbm, bert_table_hbm,
                 prof_out, exer_out, idx_s, idx_e, *rest):
        bufs = rest[:nbuf]
        gsems = rest[nbuf:2 * nbuf]
        wsems = rest[2 * nbuf:]
        wid = lax.axis_index("s") * nc + lax.axis_index("c")
        base = wid * bpw
        pltpu.sync_copy(stu_ids_hbm.at[pl.ds(off + base, bpw)], idx_s)
        pltpu.sync_copy(exer_in_hbm.at[pl.ds(off + base, bpw)], idx_e)

        tasks = []
        for c in range(nch):
            tasks.append((idx_s, stu_table_hbm, prof_out, c * ch))
            tasks.append((idx_e, bert_table_hbm, exer_out, c * ch))

        def issue_gather(t, slot):
            idx, table, _, o = tasks[t]
            return pltpu.async_copy(
                table.at[idx.at[pl.ds(o, ch)]], bufs[slot], gsems[slot])

        gcp = [None] * nbuf
        wcp = [None] * nbuf
        for t in range(nbuf):
            gcp[t] = issue_gather(t, t)
        for t in range(ntask):
            slot = t % nbuf
            gcp[slot].wait()
            _, _, out, o = tasks[t]
            wcp[slot] = pltpu.async_copy(
                bufs[slot], out.at[pl.ds(base + o, ch)], wsems[slot])
            nt = t + nbuf
            if nt < ntask:
                wcp[slot].wait()
                gcp[slot] = issue_gather(nt, slot)
        for t in range(max(0, ntask - nbuf), ntask):
            wcp[t % nbuf].wait()

    return gather_k(stu_ids, exer_in, stu_table, bert_table)



def _cast_body(w1_ref, w2_ref, w3_ref, o1_ref, o2_ref, o3_ref):
    o1_ref[...] = w1_ref[...].astype(jnp.bfloat16)
    o2_ref[...] = w2_ref[...].astype(jnp.bfloat16)
    o3_ref[...] = w3_ref[...].astype(jnp.bfloat16)


def _prep_weights(W1, W2, W3):
    g = 4
    r1 = 2 * D // g
    return pl.pallas_call(
        _cast_body,
        grid=(g,),
        in_specs=[
            pl.BlockSpec((r1, 2 * D), lambda i: (i, 0)),
            pl.BlockSpec((r1, D), lambda i: (i, 0)),
            pl.BlockSpec((D // g, 1), lambda i: (i, 0)),
        ],
        out_specs=[
            pl.BlockSpec((r1, 2 * D), lambda i: (i, 0)),
            pl.BlockSpec((r1, D), lambda i: (i, 0)),
            pl.BlockSpec((D // g, 1), lambda i: (i, 0)),
        ],
        out_shape=[
            jax.ShapeDtypeStruct((2 * D, 2 * D), jnp.bfloat16),
            jax.ShapeDtypeStruct((2 * D, D), jnp.bfloat16),
            jax.ShapeDtypeStruct((D, 1), jnp.bfloat16),
        ],
    )(W1, W2, W3)


def _sigmoid(x):
    return 0.5 * jnp.tanh(0.5 * x) + 0.5


def _mlp_impl(ex_ref, pr_ref, w1_ref, b1_ref, w2_ref, b2_ref,
              w3_ref, b3_ref, out_ref, exf_ref, prf_ref):
    ex = ex_ref[...]
    pr = pr_ref[...]
    exf_ref[...] = ex
    prf_ref[...] = pr
    x = jnp.concatenate(
        [ex.astype(jnp.bfloat16), pr.astype(jnp.bfloat16)], axis=1)
    h = jnp.dot(x, w1_ref[...], preferred_element_type=jnp.float32)
    h = _sigmoid(h + b1_ref[...]).astype(jnp.bfloat16)
    h = _sigmoid(
        jnp.dot(h, w2_ref[...], preferred_element_type=jnp.float32)
        + b2_ref[...]).astype(jnp.bfloat16)
    logits = (jnp.dot(h, w3_ref[...], preferred_element_type=jnp.float32)
              + b3_ref[...])
    out_ref[...] = _sigmoid(logits)


def _mlp_body_aliased(ex_ref, pr_ref, w1_ref, b1_ref, w2_ref,
                      b2_ref, w3_ref, b3_ref, of_in, ef_in, pf_in,
                      out_ref, exf_ref, prf_ref):
    del of_in, ef_in, pf_in
    _mlp_impl(ex_ref, pr_ref, w1_ref, b1_ref, w2_ref, b2_ref,
              w3_ref, b3_ref, out_ref, exf_ref, prf_ref)


_WEIGHT_SPECS = [
    pl.BlockSpec((2 * D, 2 * D), lambda i: (0, 0)),
    pl.BlockSpec((2 * D,), lambda i: (0,)),
    pl.BlockSpec((2 * D, D), lambda i: (0, 0)),
    pl.BlockSpec((D,), lambda i: (0,)),
    pl.BlockSpec((D, 1), lambda i: (0, 0)),
    pl.BlockSpec((1,), lambda i: (0,)),
]

_OUT_SHAPES = [
    jax.ShapeDtypeStruct((B, 1), jnp.float32),
    jax.ShapeDtypeStruct((B, D), jnp.float32),
    jax.ShapeDtypeStruct((B, D), jnp.float32),
]


def _tc_mlp_chunk(base, bc, ex_k, pr_k, w1, b1, w2, b2, w3, b3,
                  out_full=None, exer_full=None, prof_full=None):
    nsteps = bc // _BM
    boff = base // _BM

    _full = pl.BlockSpec(memory_space=pl.ANY)
    data_specs = [
        pl.BlockSpec((_BM, D), lambda i: (i, 0)),
        pl.BlockSpec((_BM, D), lambda i: (i, 0)),
    ]
    out_specs = [
        pl.BlockSpec((_BM, 1), lambda i: (boff + i, 0)),
        pl.BlockSpec((_BM, D), lambda i: (boff + i, 0)),
        pl.BlockSpec((_BM, D), lambda i: (boff + i, 0)),
    ]
    args = (ex_k, pr_k, w1, b1, w2, b2, w3, b3)
    if out_full is None:
        return pl.pallas_call(
            _mlp_impl,
            grid=(nsteps,),
            in_specs=data_specs + _WEIGHT_SPECS,
            out_specs=out_specs,
            out_shape=_OUT_SHAPES,
        )(*args)
    return pl.pallas_call(
        _mlp_body_aliased,
        grid=(nsteps,),
        in_specs=data_specs + _WEIGHT_SPECS + [_full, _full, _full],
        out_specs=out_specs,
        out_shape=_OUT_SHAPES,
        input_output_aliases={8: 0, 9: 1, 10: 2},
    )(*args, out_full, exer_full, prof_full)


def kernel(stu_ids, exer_in, bert_table, stu_table, W1, b1, W2, b2, W3, b3):
    w1, w2, w3 = _prep_weights(W1, W2, W3)

    offsets = []
    off = 0
    for bc in _CHUNKS:
        offsets.append(off)
        off += bc

    chunks = []
    for bc, off in zip(_CHUNKS, offsets):
        chunks.append(_sc_gather(stu_ids, exer_in,
                                 stu_table, bert_table, bc, off))

    out_full = exer_full = prof_full = None
    for (bc, off, (prof_k, exer_k)) in zip(_CHUNKS, offsets, chunks):
        out_full, exer_full, prof_full = _tc_mlp_chunk(
            off, bc, exer_k, prof_k, w1, b1, w2, b2, w3, b3,
            out_full=out_full, exer_full=exer_full, prof_full=prof_full)

    return out_full.reshape(B), exer_full, prof_full

# --- scband reference (transcript-rebuilt; emitter-appended) ---
"""Pipeline reference for scband-baseline-mlp-84670985274141 (READ-ONLY COPY).

The authoritative reference and input builder live on the scoring server;
editing this copy changes nothing except your own understanding.
"""

import jax, jax.numpy as jnp
import numpy as np

B = 16384
NUM_STUDENTS = 100000
NUM_EXERS = 100000
D = 768


def _xavier(k, fan_in, fan_out):
    lim = jnp.sqrt(6.0 / (fan_in + fan_out))
    return jax.random.uniform(k, (fan_in, fan_out), jnp.float32, -lim, lim)


def setup_inputs(seed: int = 0) -> dict:
    key = jax.random.key(seed)
    ks = jax.random.split(key, 8)
    stu_ids = jax.random.randint(ks[0], (B,), 0, NUM_STUDENTS)
    exer_in = jax.random.randint(ks[1], (B,), 0, NUM_EXERS)
    # frozen BERT exercise-text embedding table (stand-in for the .npy file)
    bert_table = jax.random.normal(ks[2], (NUM_EXERS, D), dtype=jnp.float32) * 0.02
    # student embedding, init normal(0, 0.1) as in initialize()
    stu_table = jax.random.normal(ks[3], (NUM_STUDENTS, D), dtype=jnp.float32) * 0.1
    W1 = _xavier(ks[4], 2 * D, 2 * D)
    b1 = jnp.zeros((2 * D,), jnp.float32)
    W2 = _xavier(ks[5], 2 * D, D)
    b2 = jnp.zeros((D,), jnp.float32)
    W3 = _xavier(ks[6], D, 1)
    b3 = jnp.zeros((1,), jnp.float32)
    return {"stu_ids": stu_ids, "exer_in": exer_in, "bert_table": bert_table,
            "stu_table": stu_table, "W1": W1, "b1": b1, "W2": W2, "b2": b2,
            "W3": W3, "b3": b3}


def reference(stu_ids, exer_in, bert_table, stu_table, W1, b1, W2, b2, W3, b3):
    proficiency = jnp.take(stu_table, stu_ids, axis=0)   # stu_emb lookup
    exer_emb = jnp.take(bert_table, exer_in, axis=0)     # frozen BERT lookup
    h = jnp.concatenate([exer_emb, proficiency], axis=1)
    h = jax.nn.sigmoid(h @ W1 + b1)   # Linear(2d,2d) + Sigmoid (Dropout is identity in eval)
    h = jax.nn.sigmoid(h @ W2 + b2)   # Linear(2d,d) + Sigmoid
    logits = h @ W3 + b3              # Linear(d,1)
    output = jax.nn.sigmoid(logits).squeeze(-1)
    return (output, exer_emb, proficiency)

if __name__ == "__main__":
    import jax
    _d = setup_inputs()
    print(jax.jit(kernel)(*tuple(_d.values())))

</pallas_src>

<mosaic_0001>
#map = affine_map<(d0, d1) -> (0)>
#map1 = affine_map<(d0, d1) -> (0, 0)>
module attributes {stable_mosaic.version = 14 : i64} {
  func.func @gather_k(%arg0: i32, %arg1: i32, %arg2: memref<16384xi32, #tpu.memory_space<hbm>>, %arg3: memref<16384xi32, #tpu.memory_space<hbm>>, %arg4: memref<100000x768xf32, #tpu.memory_space<hbm>>, %arg5: memref<100000x768xf32, #tpu.memory_space<hbm>>, %arg6: memref<5120x768xf32, #tpu.memory_space<hbm>>, %arg7: memref<5120x768xf32, #tpu.memory_space<hbm>>, %arg8: memref<160xi32, #tpu.memory_space<vmem>>, %arg9: memref<160xi32, #tpu.memory_space<vmem>>, %arg10: memref<80x768xf32, #tpu.memory_space<vmem>>, %arg11: memref<80x768xf32, #tpu.memory_space<vmem>>, %arg12: memref<!tpu.dma_semaphore, #tpu.memory_space<semaphore_mem>>, %arg13: memref<!tpu.dma_semaphore, #tpu.memory_space<semaphore_mem>>, %arg14: memref<!tpu.dma_semaphore, #tpu.memory_space<semaphore_mem>>, %arg15: memref<!tpu.dma_semaphore, #tpu.memory_space<semaphore_mem>>) attributes {dimension_semantics = [#tpu.dimension_semantics<core_parallel>, #tpu.dimension_semantics<subcore_parallel>], iteration_bounds = array<i64: 2, 16>, scalar_prefetch = 0 : i64, scratch_operands = 8 : i64, tpu.core_type = #tpu.core_type<sc_vector_subcore>, window_params = [{transform_indices = #map}, {transform_indices = #map}, {transform_indices = #map1}, {transform_indices = #map1}, {transform_indices = #map1}, {transform_indices = #map1}]} {
    %mul3A = arith.constant 2 : i32
    %mul3A_0 = arith.muli %arg1, %mul3A : i32
    %add3A = arith.addi %mul3A_0, %arg0 : i32
    %mul3A_1 = arith.constant 160 : i32
    %mul3A_2 = arith.muli %add3A, %mul3A_1 : i32
    %add3A_3 = arith.constant 6144 : i32
    %add3A_4 = arith.addi %add3A_3, %mul3A_2 : i32
    "tpu.region"() ({
      %run_scoped3A = tpu.sem_alloc : memref<!tpu.dma_semaphore, #tpu.memory_space<semaphore_mem>>
      %dma_start3A_85 = tpu.memref_slice %arg2[%add3A_4] : memref<16384xi32, #tpu.memory_space<hbm>> -> memref<160xi32, #tpu.memory_space<hbm>>
      %dma_start3A_86 = tpu.memref_slice %arg2[%add3A_4] : memref<16384xi32, #tpu.memory_space<hbm>> -> memref<160xi32, #tpu.memory_space<hbm>>
      tpu.enqueue_dma source(%dma_start3A_86 : memref<160xi32, #tpu.memory_space<hbm>>) target(%arg8 : memref<160xi32, #tpu.memory_space<vmem>>) target_semaphore(%run_scoped3A : memref<!tpu.dma_semaphore, #tpu.memory_space<semaphore_mem>>)
      %dma_wait3A_87 = tpu.memref_slice %arg2[%add3A_4] : memref<16384xi32, #tpu.memory_space<hbm>> -> memref<160xi32, #tpu.memory_space<hbm>>
      %dma_wait3A_88 = tpu.memref_slice %arg2[%add3A_4] : memref<16384xi32, #tpu.memory_space<hbm>> -> memref<160xi32, #tpu.memory_space<hbm>>
      tpu.wait_dma2 semaphore(%run_scoped3A : memref<!tpu.dma_semaphore, #tpu.memory_space<semaphore_mem>>) src(%dma_wait3A_88 : memref<160xi32, #tpu.memory_space<hbm>>) dst(%arg8 : memref<160xi32, #tpu.memory_space<vmem>>)
      tpu.yield
    }) : () -> ()
    %add3A_5 = arith.constant 6144 : i32
    %add3A_6 = arith.addi %add3A_5, %mul3A_2 : i32
    "tpu.region"() ({
      %run_scoped3A = tpu.sem_alloc : memref<!tpu.dma_semaphore, #tpu.memory_space<semaphore_mem>>
      %dma_start3A_85 = tpu.memref_slice %arg3[%add3A_6] : memref<16384xi32, #tpu.memory_space<hbm>> -> memref<160xi32, #tpu.memory_space<hbm>>
      %dma_start3A_86 = tpu.memref_slice %arg3[%add3A_6] : memref<16384xi32, #tpu.memory_space<hbm>> -> memref<160xi32, #tpu.memory_space<hbm>>
      tpu.enqueue_dma source(%dma_start3A_86 : memref<160xi32, #tpu.memory_space<hbm>>) target(%arg9 : memref<160xi32, #tpu.memory_space<vmem>>) target_semaphore(%run_scoped3A : memref<!tpu.dma_semaphore, #tpu.memory_space<semaphore_mem>>)
      %dma_wait3A_87 = tpu.memref_slice %arg3[%add3A_6] : memref<16384xi32, #tpu.memory_space<hbm>> -> memref<160xi32, #tpu.memory_space<hbm>>
      %dma_wait3A_88 = tpu.memref_slice %arg3[%add3A_6] : memref<16384xi32, #tpu.memory_space<hbm>> -> memref<160xi32, #tpu.memory_space<hbm>>
      tpu.wait_dma2 semaphore(%run_scoped3A : memref<!tpu.dma_semaphore, #tpu.memory_space<semaphore_mem>>) src(%dma_wait3A_88 : memref<160xi32, #tpu.memory_space<hbm>>) dst(%arg9 : memref<160xi32, #tpu.memory_space<vmem>>)
      tpu.yield
    }) : () -> ()
    %dma_start3A = arith.constant 0 : i32
    %dma_start3A_7 = tpu.memref_slice %arg8[%dma_start3A] : memref<160xi32, #tpu.memory_space<vmem>> -> memref<80xi32, #tpu.memory_space<vmem>>
    %dma_start3A_8 = arith.constant 0 : i32
    %dma_start3A_9 = arith.constant 0 : i32
    %dma_start3A_10 = tpu.memref_slice %arg4[%dma_start3A_8, %dma_start3A_9] : memref<100000x768xf32, #tpu.memory_space<hbm>> -> memref<100000x768xf32, #tpu.memory_space<hbm>>
    tpu.enqueue_indirect_dma source(%dma_start3A_10 : memref<100000x768xf32, #tpu.memory_space<hbm>>) target(%arg10 : memref<80x768xf32, #tpu.memory_space<vmem>>) offsets(%dma_start3A_7 : memref<80xi32, #tpu.memory_space<vmem>>) semaphore(%arg12 : memref<!tpu.dma_semaphore, #tpu.memory_space<semaphore_mem>>)
    %dma_start3A_11 = arith.constant 0 : i32
    %dma_start3A_12 = tpu.memref_slice %arg9[%dma_start3A_11] : memref<160xi32, #tpu.memory_space<vmem>> -> memref<80xi32, #tpu.memory_space<vmem>>
    %dma_start3A_13 = arith.constant 0 : i32
    %dma_start3A_14 = arith.constant 0 : i32
    %dma_start3A_15 = tpu.memref_slice %arg5[%dma_start3A_13, %dma_start3A_14] : memref<100000x768xf32, #tpu.memory_space<hbm>> -> memref<100000x768xf32, #tpu.memory_space<hbm>>
    tpu.enqueue_indirect_dma source(%dma_start3A_15 : memref<100000x768xf32, #tpu.memory_space<hbm>>) target(%arg11 : memref<80x768xf32, #tpu.memory_space<vmem>>) offsets(%dma_start3A_12 : memref<80xi32, #tpu.memory_space<vmem>>) semaphore(%arg13 : memref<!tpu.dma_semaphore, #tpu.memory_space<semaphore_mem>>)
    %dma_wait3A = arith.constant 0 : i32
    %dma_wait3A_16 = tpu.memref_slice %arg8[%dma_wait3A] : memref<160xi32, #tpu.memory_space<vmem>> -> memref<80xi32, #tpu.memory_space<vmem>>
    %dma_wait3A_17 = arith.constant 0 : i32
    %dma_wait3A_18 = arith.constant 0 : i32
    %dma_wait3A_19 = tpu.memref_slice %arg4[%dma_wait3A_17, %dma_wait3A_18] : memref<100000x768xf32, #tpu.memory_space<hbm>> -> memref<100000x768xf32, #tpu.memory_space<hbm>>
    tpu.wait_indirect_dma semaphore(%arg12 : memref<!tpu.dma_semaphore, #tpu.memory_space<semaphore_mem>>) src(%dma_wait3A_19 : memref<100000x768xf32, #tpu.memory_space<hbm>>) dst(%arg10 : memref<80x768xf32, #tpu.memory_space<vmem>>)
    %add3A_20 = arith.constant 0 : i32
    %add3A_21 = arith.addi %mul3A_2, %add3A_20 : i32
    %dma_start3A_22 = arith.constant 0 : i32
    %dma_start3A_23 = tpu.memref_slice %arg6[%add3A_21, %dma_start3A_22] : memref<5120x768xf32, #tpu.memory_space<hbm>> -> memref<80x768xf32, #tpu.memory_space<hbm>>
    %dma_start3A_24 = arith.constant 0 : i32
    %dma_start3A_25 = tpu.memref_slice %arg6[%add3A_21, %dma_start3A_24] : memref<5120x768xf32, #tpu.memory_space<hbm>> -> memref<80x768xf32, #tpu.memory_space<hbm>>
    tpu.enqueue_dma source(%arg10 : memref<80x768xf32, #tpu.memory_space<vmem>>) target(%dma_start3A_25 : memref<80x768xf32, #tpu.memory_space<hbm>>) target_semaphore(%arg14 : memref<!tpu.dma_semaphore, #tpu.memory_space<semaphore_mem>>)
    %dma_wait3A_26 = arith.constant 0 : i32
    %dma_wait3A_27 = tpu.memref_slice %arg6[%add3A_21, %dma_wait3A_26] : memref<5120x768xf32, #tpu.memory_space<hbm>> -> memref<80x768xf32, #tpu.memory_space<hbm>>
    %dma_wait3A_28 = arith.constant 0 : i32
    %dma_wait3A_29 = tpu.memref_slice %arg6[%add3A_21, %dma_wait3A_28] : memref<5120x768xf32, #tpu.memory_space<hbm>> -> memref<80x768xf32, #tpu.memory_space<hbm>>
    tpu.wait_dma2 semaphore(%arg14 : memref<!tpu.dma_semaphore, #tpu.memory_space<semaphore_mem>>) src(%arg10 : memref<80x768xf32, #tpu.memory_space<vmem>>) dst(%dma_wait3A_29 : memref<80x768xf32, #tpu.memory_space<hbm>>)
    %dma_start3A_30 = arith.constant 80 : i32
    %dma_start3A_31 = tpu.memref_slice %arg8[%dma_start3A_30] : memref<160xi32, #tpu.memory_space<vmem>> -> memref<80xi32, #tpu.memory_space<vmem>>
    %dma_start3A_32 = arith.constant 0 : i32
    %dma_start3A_33 = arith.constant 0 : i32
    %dma_start3A_34 = tpu.memref_slice %arg4[%dma_start3A_32, %dma_start3A_33] : memref<100000x768xf32, #tpu.memory_space<hbm>> -> memref<100000x768xf32, #tpu.memory_space<hbm>>
    tpu.enqueue_indirect_dma source(%dma_start3A_34 : memref<100000x768xf32, #tpu.memory_space<hbm>>) target(%arg10 : memref<80x768xf32, #tpu.memory_space<vmem>>) offsets(%dma_start3A_31 : memref<80xi32, #tpu.memory_space<vmem>>) semaphore(%arg12 : memref<!tpu.dma_semaphore, #tpu.memory_space<semaphore_mem>>)
    %dma_wait3A_35 = arith.constant 0 : i32
    %dma_wait3A_36 = tpu.memref_slice %arg9[%dma_wait3A_35] : memref<160xi32, #tpu.memory_space<vmem>> -> memref<80xi32, #tpu.memory_space<vmem>>
    %dma_wait3A_37 = arith.constant 0 : i32
    %dma_wait3A_38 = arith.constant 0 : i32
    %dma_wait3A_39 = tpu.memref_slice %arg5[%dma_wait3A_37, %dma_wait3A_38] : memref<100000x768xf32, #tpu.memory_space<hbm>> -> memref<100000x768xf32, #tpu.memory_space<hbm>>
    tpu.wait_indirect_dma semaphore(%arg13 : memref<!tpu.dma_semaphore, #tpu.memory_space<semaphore_mem>>) src(%dma_wait3A_39 : memref<100000x768xf32, #tpu.memory_space<hbm>>) dst(%arg11 : memref<80x768xf32, #tpu.memory_space<vmem>>)
    %add3A_40 = arith.constant 0 : i32
    %add3A_41 = arith.addi %mul3A_2, %add3A_40 : i32
    %dma_start3A_42 = arith.constant 0 : i32
    %dma_start3A_43 = tpu.memref_slice %arg7[%add3A_41, %dma_start3A_42] : memref<5120x768xf32, #tpu.memory_space<hbm>> -> memref<80x768xf32, #tpu.memory_space<hbm>>
    %dma_start3A_44 = arith.constant 0 : i32
    %dma_start3A_45 = tpu.memref_slice %arg7[%add3A_41, %dma_start3A_44] : memref<5120x768xf32, #tpu.memory_space<hbm>> -> memref<80x768xf32, #tpu.memory_space<hbm>>
    tpu.enqueue_dma source(%arg11 : memref<80x768xf32, #tpu.memory_space<vmem>>) target(%dma_start3A_45 : memref<80x768xf32, #tpu.memory_space<hbm>>) target_semaphore(%arg15 : memref<!tpu.dma_semaphore, #tpu.memory_space<semaphore_mem>>)
    %dma_wait3A_46 = arith.constant 0 : i32
    %dma_wait3A_47 = tpu.memref_slice %arg7[%add3A_41, %dma_wait3A_46] : memref<5120x768xf32, #tpu.memory_space<hbm>> -> memref<80x768xf32, #tpu.memory_space<hbm>>
    %dma_wait3A_48 = arith.constant 0 : i32
    %dma_wait3A_49 = tpu.memref_slice %arg7[%add3A_41, %dma_wait3A_48] : memref<5120x768xf32, #tpu.memory_space<hbm>> -> memref<80x768xf32, #tpu.memory_space<hbm>>
    tpu.wait_dma2 semaphore(%arg15 : memref<!tpu.dma_semaphore, #tpu.memory_space<semaphore_mem>>) src(%arg11 : memref<80x768xf32, #tpu.memory_space<vmem>>) dst(%dma_wait3A_49 : memref<80x768xf32, #tpu.memory_space<hbm>>)
    %dma_start3A_50 = arith.constant 80 : i32
    %dma_start3A_51 = tpu.memref_slice %arg9[%dma_start3A_50] : memref<160xi32, #tpu.memory_space<vmem>> -> memref<80xi32, #tpu.memory_space<vmem>>
    %dma_start3A_52 = arith.constant 0 : i32
    %dma_start3A_53 = arith.constant 0 : i32
    %dma_start3A_54 = tpu.memref_slice %arg5[%dma_start3A_52, %dma_start3A_53] : memref<100000x768xf32, #tpu.memory_space<hbm>> -> memref<100000x768xf32, #tpu.memory_space<hbm>>
    tpu.enqueue_indirect_dma source(%dma_start3A_54 : memref<100000x768xf32, #tpu.memory_space<hbm>>) target(%arg11 : memref<80x768xf32, #tpu.memory_space<vmem>>) offsets(%dma_start3A_51 : memref<80xi32, #tpu.memory_space<vmem>>) semaphore(%arg13 : memref<!tpu.dma_semaphore, #tpu.memory_space<semaphore_mem>>)
    %dma_wait3A_55 = arith.constant 80 : i32
    %dma_wait3A_56 = tpu.memref_slice %arg8[%dma_wait3A_55] : memref<160xi32, #tpu.memory_space<vmem>> -> memref<80xi32, #tpu.memory_space<vmem>>
    %dma_wait3A_57 = arith.constant 0 : i32
    %dma_wait3A_58 = arith.constant 0 : i32
    %dma_wait3A_59 = tpu.memref_slice %arg4[%dma_wait3A_57, %dma_wait3A_58] : memref<100000x768xf32, #tpu.memory_space<hbm>> -> memref<100000x768xf32, #tpu.memory_space<hbm>>
    tpu.wait_indirect_dma semaphore(%arg12 : memref<!tpu.dma_semaphore, #tpu.memory_space<semaphore_mem>>) src(%dma_wait3A_59 : memref<100000x768xf32, #tpu.memory_space<hbm>>) dst(%arg10 : memref<80x768xf32, #tpu.memory_space<vmem>>)
    %add3A_60 = arith.constant 80 : i32
    %add3A_61 = arith.addi %mul3A_2, %add3A_60 : i32
    %dma_start3A_62 = arith.constant 0 : i32
    %dma_start3A_63 = tpu.memref_slice %arg6[%add3A_61, %dma_start3A_62] : memref<5120x768xf32, #tpu.memory_space<hbm>> -> memref<80x768xf32, #tpu.memory_space<hbm>>
    %dma_start3A_64 = arith.constant 0 : i32
    %dma_start3A_65 = tpu.memref_slice %arg6[%add3A_61, %dma_start3A_64] : memref<5120x768xf32, #tpu.memory_space<hbm>> -> memref<80x768xf32, #tpu.memory_space<hbm>>
    tpu.enqueue_dma source(%arg10 : memref<80x768xf32, #tpu.memory_space<vmem>>) target(%dma_start3A_65 : memref<80x768xf32, #tpu.memory_space<hbm>>) target_semaphore(%arg14 : memref<!tpu.dma_semaphore, #tpu.memory_space<semaphore_mem>>)
    %dma_wait3A_66 = arith.constant 80 : i32
    %dma_wait3A_67 = tpu.memref_slice %arg9[%dma_wait3A_66] : memref<160xi32, #tpu.memory_space<vmem>> -> memref<80xi32, #tpu.memory_space<vmem>>
    %dma_wait3A_68 = arith.constant 0 : i32
    %dma_wait3A_69 = arith.constant 0 : i32
    %dma_wait3A_70 = tpu.memref_slice %arg5[%dma_wait3A_68, %dma_wait3A_69] : memref<100000x768xf32, #tpu.memory_space<hbm>> -> memref<100000x768xf32, #tpu.memory_space<hbm>>
    tpu.wait_indirect_dma semaphore(%arg13 : memref<!tpu.dma_semaphore, #tpu.memory_space<semaphore_mem>>) src(%dma_wait3A_70 : memref<100000x768xf32, #tpu.memory_space<hbm>>) dst(%arg11 : memref<80x768xf32, #tpu.memory_space<vmem>>)
    %add3A_71 = arith.constant 80 : i32
    %add3A_72 = arith.addi %mul3A_2, %add3A_71 : i32
    %dma_start3A_73 = arith.constant 0 : i32
    %dma_start3A_74 = tpu.memref_slice %arg7[%add3A_72, %dma_start3A_73] : memref<5120x768xf32, #tpu.memory_space<hbm>> -> memref<80x768xf32, #tpu.memory_space<hbm>>
    %dma_start3A_75 = arith.constant 0 : i32
    %dma_start3A_76 = tpu.memref_slice %arg7[%add3A_72, %dma_start3A_75] : memref<5120x768xf32, #tpu.memory_space<hbm>> -> memref<80x768xf32, #tpu.memory_space<hbm>>
    tpu.enqueue_dma source(%arg11 : memref<80x768xf32, #tpu.memory_space<vmem>>) target(%dma_start3A_76 : memref<80x768xf32, #tpu.memory_space<hbm>>) target_semaphore(%arg15 : memref<!tpu.dma_semaphore, #tpu.memory_space<semaphore_mem>>)
    %dma_wait3A_77 = arith.constant 0 : i32
    %dma_wait3A_78 = tpu.memref_slice %arg6[%add3A_61, %dma_wait3A_77] : memref<5120x768xf32, #tpu.memory_space<hbm>> -> memref<80x768xf32, #tpu.memory_space<hbm>>
    %dma_wait3A_79 = arith.constant 0 : i32
    %dma_wait3A_80 = tpu.memref_slice %arg6[%add3A_61, %dma_wait3A_79] : memref<5120x768xf32, #tpu.memory_space<hbm>> -> memref<80x768xf32, #tpu.memory_space<hbm>>
    tpu.wait_dma2 semaphore(%arg14 : memref<!tpu.dma_semaphore, #tpu.memory_space<semaphore_mem>>) src(%arg10 : memref<80x768xf32, #tpu.memory_space<vmem>>) dst(%dma_wait3A_80 : memref<80x768xf32, #tpu.memory_space<hbm>>)
    %dma_wait3A_81 = arith.constant 0 : i32
    %dma_wait3A_82 = tpu.memref_slice %arg7[%add3A_72, %dma_wait3A_81] : memref<5120x768xf32, #tpu.memory_space<hbm>> -> memref<80x768xf32, #tpu.memory_space<hbm>>
    %dma_wait3A_83 = arith.constant 0 : i32
    %dma_wait3A_84 = tpu.memref_slice %arg7[%add3A_72, %dma_wait3A_83] : memref<5120x768xf32, #tpu.memory_space<hbm>> -> memref<80x768xf32, #tpu.memory_space<hbm>>
    tpu.wait_dma2 semaphore(%arg15 : memref<!tpu.dma_semaphore, #tpu.memory_space<semaphore_mem>>) src(%arg11 : memref<80x768xf32, #tpu.memory_space<vmem>>) dst(%dma_wait3A_84 : memref<80x768xf32, #tpu.memory_space<hbm>>)
    return
  }
}

#map = affine_map<(d0, d1) -> (0)>
#map1 = affine_map<(d0, d1) -> (0, 0)>
module attributes {stable_mosaic.version = 14 : i64} {
  func.func @gather_k(%arg0: i32, %arg1: i32, %arg2: memref<16384xi32, #tpu.memory_space<hbm>>, %arg3: memref<16384xi32, #tpu.memory_space<hbm>>, %arg4: memref<100000x768xf32, #tpu.memory_space<hbm>>, %arg5: memref<100000x768xf32, #tpu.memory_space<hbm>>, %arg6: memref<4096x768xf32, #tpu.memory_space<hbm>>, %arg7: memref<4096x768xf32, #tpu.memory_space<hbm>>, %arg8: memref<128xi32, #tpu.memory_space<vmem>>, %arg9: memref<128xi32, #tpu.memory_space<vmem>>, %arg10: memref<64x768xf32, #tpu.memory_space<vmem>>, %arg11: memref<64x768xf32, #tpu.memory_space<vmem>>, %arg12: memref<!tpu.dma_semaphore, #tpu.memory_space<semaphore_mem>>, %arg13: memref<!tpu.dma_semaphore, #tpu.memory_space<semaphore_mem>>, %arg14: memref<!tpu.dma_semaphore, #tpu.memory_space<semaphore_mem>>, %arg15: memref<!tpu.dma_semaphore, #tpu.memory_space<semaphore_mem>>) attributes {dimension_semantics = [#tpu.dimension_semantics<core_parallel>, #tpu.dimension_semantics<subcore_parallel>], iteration_bounds = array<i64: 2, 16>, scalar_prefetch = 0 : i64, scratch_operands = 8 : i64, tpu.core_type = #tpu.core_type<sc_vector_subcore>, window_params = [{transform_indices = #map}, {transform_indices = #map}, {transform_indices = #map1}, {transform_indices = #map1}, {transform_indices = #map1}, {transform_indices = #map1}]} {
    %mul3A = arith.constant 2 : i32
    %mul3A_0 = arith.muli %arg1, %mul3A : i32
    %add3A = arith.addi %mul3A_0, %arg0 : i32
    %mul3A_1 = arith.constant 128 : i32
    %mul3A_2 = arith.muli %add3A, %mul3A_1 : i32
    %add3A_3 = arith.constant 2048 : i32
    %add3A_4 = arith.addi %add3A_3, %mul3A_2 : i32
    "tpu.region"() ({
      %run_scoped3A = tpu.sem_alloc : memref<!tpu.dma_semaphore, #tpu.memory_space<semaphore_mem>>
      %dma_start3A_85 = tpu.memref_slice %arg2[%add3A_4] : memref<16384xi32, #tpu.memory_space<hbm>> -> memref<128xi32, #tpu.memory_space<hbm>>
      %dma_start3A_86 = tpu.memref_slice %arg2[%add3A_4] : memref<16384xi32, #tpu.memory_space<hbm>> -> memref<128xi32, #tpu.memory_space<hbm>>
      tpu.enqueue_dma source(%dma_start3A_86 : memref<128xi32, #tpu.memory_space<hbm>>) target(%arg8 : memref<128xi32, #tpu.memory_space<vmem>>) target_semaphore(%run_scoped3A : memref<!tpu.dma_semaphore, #tpu.memory_space<semaphore_mem>>)
      %dma_wait3A_87 = tpu.memref_slice %arg2[%add3A_4] : memref<16384xi32, #tpu.memory_space<hbm>> -> memref<128xi32, #tpu.memory_space<hbm>>
      %dma_wait3A_88 = tpu.memref_slice %arg2[%add3A_4] : memref<16384xi32, #tpu.memory_space<hbm>> -> memref<128xi32, #tpu.memory_space<hbm>>
      tpu.wait_dma2 semaphore(%run_scoped3A : memref<!tpu.dma_semaphore, #tpu.memory_space<semaphore_mem>>) src(%dma_wait3A_88 : memref<128xi32, #tpu.memory_space<hbm>>) dst(%arg8 : memref<128xi32, #tpu.memory_space<vmem>>)
      tpu.yield
    }) : () -> ()
    %add3A_5 = arith.constant 2048 : i32
    %add3A_6 = arith.addi %add3A_5, %mul3A_2 : i32
    "tpu.region"() ({
      %run_scoped3A = tpu.sem_alloc : memref<!tpu.dma_semaphore, #tpu.memory_space<semaphore_mem>>
      %dma_start3A_85 = tpu.memref_slice %arg3[%add3A_6] : memref<16384xi32, #tpu.memory_space<hbm>> -> memref<128xi32, #tpu.memory_space<hbm>>
      %dma_start3A_86 = tpu.memref_slice %arg3[%add3A_6] : memref<16384xi32, #tpu.memory_space<hbm>> -> memref<128xi32, #tpu.memory_space<hbm>>
      tpu.enqueue_dma source(%dma_start3A_86 : memref<128xi32, #tpu.memory_space<hbm>>) target(%arg9 : memref<128xi32, #tpu.memory_space<vmem>>) target_semaphore(%run_scoped3A : memref<!tpu.dma_semaphore, #tpu.memory_space<semaphore_mem>>)
      %dma_wait3A_87 = tpu.memref_slice %arg3[%add3A_6] : memref<16384xi32, #tpu.memory_space<hbm>> -> memref<128xi32, #tpu.memory_space<hbm>>
      %dma_wait3A_88 = tpu.memref_slice %arg3[%add3A_6] : memref<16384xi32, #tpu.memory_space<hbm>> -> memref<128xi32, #tpu.memory_space<hbm>>
      tpu.wait_dma2 semaphore(%run_scoped3A : memref<!tpu.dma_semaphore, #tpu.memory_space<semaphore_mem>>) src(%dma_wait3A_88 : memref<128xi32, #tpu.memory_space<hbm>>) dst(%arg9 : memref<128xi32, #tpu.memory_space<vmem>>)
      tpu.yield
    }) : () -> ()
    %dma_start3A = arith.constant 0 : i32
    %dma_start3A_7 = tpu.memref_slice %arg8[%dma_start3A] : memref<128xi32, #tpu.memory_space<vmem>> -> memref<64xi32, #tpu.memory_space<vmem>>
    %dma_start3A_8 = arith.constant 0 : i32
    %dma_start3A_9 = arith.constant 0 : i32
    %dma_start3A_10 = tpu.memref_slice %arg4[%dma_start3A_8, %dma_start3A_9] : memref<100000x768xf32, #tpu.memory_space<hbm>> -> memref<100000x768xf32, #tpu.memory_space<hbm>>
    tpu.enqueue_indirect_dma source(%dma_start3A_10 : memref<100000x768xf32, #tpu.memory_space<hbm>>) target(%arg10 : memref<64x768xf32, #tpu.memory_space<vmem>>) offsets(%dma_start3A_7 : memref<64xi32, #tpu.memory_space<vmem>>) semaphore(%arg12 : memref<!tpu.dma_semaphore, #tpu.memory_space<semaphore_mem>>)
    %dma_start3A_11 = arith.constant 0 : i32
    %dma_start3A_12 = tpu.memref_slice %arg9[%dma_start3A_11] : memref<128xi32, #tpu.memory_space<vmem>> -> memref<64xi32, #tpu.memory_space<vmem>>
    %dma_start3A_13 = arith.constant 0 : i32
    %dma_start3A_14 = arith.constant 0 : i32
    %dma_start3A_15 = tpu.memref_slice %arg5[%dma_start3A_13, %dma_start3A_14] : memref<100000x768xf32, #tpu.memory_space<hbm>> -> memref<100000x768xf32, #tpu.memory_space<hbm>>
    tpu.enqueue_indirect_dma source(%dma_start3A_15 : memref<100000x768xf32, #tpu.memory_space<hbm>>) target(%arg11 : memref<64x768xf32, #tpu.memory_space<vmem>>) offsets(%dma_start3A_12 : memref<64xi32, #tpu.memory_space<vmem>>) semaphore(%arg13 : memref<!tpu.dma_semaphore, #tpu.memory_space<semaphore_mem>>)
    %dma_wait3A = arith.constant 0 : i32
    %dma_wait3A_16 = tpu.memref_slice %arg8[%dma_wait3A] : memref<128xi32, #tpu.memory_space<vmem>> -> memref<64xi32, #tpu.memory_space<vmem>>
    %dma_wait3A_17 = arith.constant 0 : i32
    %dma_wait3A_18 = arith.constant 0 : i32
    %dma_wait3A_19 = tpu.memref_slice %arg4[%dma_wait3A_17, %dma_wait3A_18] : memref<100000x768xf32, #tpu.memory_space<hbm>> -> memref<100000x768xf32, #tpu.memory_space<hbm>>
    tpu.wait_indirect_dma semaphore(%arg12 : memref<!tpu.dma_semaphore, #tpu.memory_space<semaphore_mem>>) src(%dma_wait3A_19 : memref<100000x768xf32, #tpu.memory_space<hbm>>) dst(%arg10 : memref<64x768xf32, #tpu.memory_space<vmem>>)
    %add3A_20 = arith.constant 0 : i32
    %add3A_21 = arith.addi %mul3A_2, %add3A_20 : i32
    %dma_start3A_22 = arith.constant 0 : i32
    %dma_start3A_23 = tpu.memref_slice %arg6[%add3A_21, %dma_start3A_22] : memref<4096x768xf32, #tpu.memory_space<hbm>> -> memref<64x768xf32, #tpu.memory_space<hbm>>
    %dma_start3A_24 = arith.constant 0 : i32
    %dma_start3A_25 = tpu.memref_slice %arg6[%add3A_21, %dma_start3A_24] : memref<4096x768xf32, #tpu.memory_space<hbm>> -> memref<64x768xf32, #tpu.memory_space<hbm>>
    tpu.enqueue_dma source(%arg10 : memref<64x768xf32, #tpu.memory_space<vmem>>) target(%dma_start3A_25 : memref<64x768xf32, #tpu.memory_space<hbm>>) target_semaphore(%arg14 : memref<!tpu.dma_semaphore, #tpu.memory_space<semaphore_mem>>)
    %dma_wait3A_26 = arith.constant 0 : i32
    %dma_wait3A_27 = tpu.memref_slice %arg6[%add3A_21, %dma_wait3A_26] : memref<4096x768xf32, #tpu.memory_space<hbm>> -> memref<64x768xf32, #tpu.memory_space<hbm>>
    %dma_wait3A_28 = arith.constant 0 : i32
    %dma_wait3A_29 = tpu.memref_slice %arg6[%add3A_21, %dma_wait3A_28] : memref<4096x768xf32, #tpu.memory_space<hbm>> -> memref<64x768xf32, #tpu.memory_space<hbm>>
    tpu.wait_dma2 semaphore(%arg14 : memref<!tpu.dma_semaphore, #tpu.memory_space<semaphore_mem>>) src(%arg10 : memref<64x768xf32, #tpu.memory_space<vmem>>) dst(%dma_wait3A_29 : memref<64x768xf32, #tpu.memory_space<hbm>>)
    %dma_start3A_30 = arith.constant 64 : i32
    %dma_start3A_31 = tpu.memref_slice %arg8[%dma_start3A_30] : memref<128xi32, #tpu.memory_space<vmem>> -> memref<64xi32, #tpu.memory_space<vmem>>
    %dma_start3A_32 = arith.constant 0 : i32
    %dma_start3A_33 = arith.constant 0 : i32
    %dma_start3A_34 = tpu.memref_slice %arg4[%dma_start3A_32, %dma_start3A_33] : memref<100000x768xf32, #tpu.memory_space<hbm>> -> memref<100000x768xf32, #tpu.memory_space<hbm>>
    tpu.enqueue_indirect_dma source(%dma_start3A_34 : memref<100000x768xf32, #tpu.memory_space<hbm>>) target(%arg10 : memref<64x768xf32, #tpu.memory_space<vmem>>) offsets(%dma_start3A_31 : memref<64xi32, #tpu.memory_space<vmem>>) semaphore(%arg12 : memref<!tpu.dma_semaphore, #tpu.memory_space<semaphore_mem>>)
    %dma_wait3A_35 = arith.constant 0 : i32
    %dma_wait3A_36 = tpu.memref_slice %arg9[%dma_wait3A_35] : memref<128xi32, #tpu.memory_space<vmem>> -> memref<64xi32, #tpu.memory_space<vmem>>
    %dma_wait3A_37 = arith.constant 0 : i32
    %dma_wait3A_38 = arith.constant 0 : i32
    %dma_wait3A_39 = tpu.memref_slice %arg5[%dma_wait3A_37, %dma_wait3A_38] : memref<100000x768xf32, #tpu.memory_space<hbm>> -> memref<100000x768xf32, #tpu.memory_space<hbm>>
    tpu.wait_indirect_dma semaphore(%arg13 : memref<!tpu.dma_semaphore, #tpu.memory_space<semaphore_mem>>) src(%dma_wait3A_39 : memref<100000x768xf32, #tpu.memory_space<hbm>>) dst(%arg11 : memref<64x768xf32, #tpu.memory_space<vmem>>)
    %add3A_40 = arith.constant 0 : i32
    %add3A_41 = arith.addi %mul3A_2, %add3A_40 : i32
    %dma_start3A_42 = arith.constant 0 : i32
    %dma_start3A_43 = tpu.memref_slice %arg7[%add3A_41, %dma_start3A_42] : memref<4096x768xf32, #tpu.memory_space<hbm>> -> memref<64x768xf32, #tpu.memory_space<hbm>>
    %dma_start3A_44 = arith.constant 0 : i32
    %dma_start3A_45 = tpu.memref_slice %arg7[%add3A_41, %dma_start3A_44] : memref<4096x768xf32, #tpu.memory_space<hbm>> -> memref<64x768xf32, #tpu.memory_space<hbm>>
    tpu.enqueue_dma source(%arg11 : memref<64x768xf32, #tpu.memory_space<vmem>>) target(%dma_start3A_45 : memref<64x768xf32, #tpu.memory_space<hbm>>) target_semaphore(%arg15 : memref<!tpu.dma_semaphore, #tpu.memory_space<semaphore_mem>>)
    %dma_wait3A_46 = arith.constant 0 : i32
    %dma_wait3A_47 = tpu.memref_slice %arg7[%add3A_41, %dma_wait3A_46] : memref<4096x768xf32, #tpu.memory_space<hbm>> -> memref<64x768xf32, #tpu.memory_space<hbm>>
    %dma_wait3A_48 = arith.constant 0 : i32
    %dma_wait3A_49 = tpu.memref_slice %arg7[%add3A_41, %dma_wait3A_48] : memref<4096x768xf32, #tpu.memory_space<hbm>> -> memref<64x768xf32, #tpu.memory_space<hbm>>
    tpu.wait_dma2 semaphore(%arg15 : memref<!tpu.dma_semaphore, #tpu.memory_space<semaphore_mem>>) src(%arg11 : memref<64x768xf32, #tpu.memory_space<vmem>>) dst(%dma_wait3A_49 : memref<64x768xf32, #tpu.memory_space<hbm>>)
    %dma_start3A_50 = arith.constant 64 : i32
    %dma_start3A_51 = tpu.memref_slice %arg9[%dma_start3A_50] : memref<128xi32, #tpu.memory_space<vmem>> -> memref<64xi32, #tpu.memory_space<vmem>>
    %dma_start3A_52 = arith.constant 0 : i32
    %dma_start3A_53 = arith.constant 0 : i32
    %dma_start3A_54 = tpu.memref_slice %arg5[%dma_start3A_52, %dma_start3A_53] : memref<100000x768xf32, #tpu.memory_space<hbm>> -> memref<100000x768xf32, #tpu.memory_space<hbm>>
    tpu.enqueue_indirect_dma source(%dma_start3A_54 : memref<100000x768xf32, #tpu.memory_space<hbm>>) target(%arg11 : memref<64x768xf32, #tpu.memory_space<vmem>>) offsets(%dma_start3A_51 : memref<64xi32, #tpu.memory_space<vmem>>) semaphore(%arg13 : memref<!tpu.dma_semaphore, #tpu.memory_space<semaphore_mem>>)
    %dma_wait3A_55 = arith.constant 64 : i32
    %dma_wait3A_56 = tpu.memref_slice %arg8[%dma_wait3A_55] : memref<128xi32, #tpu.memory_space<vmem>> -> memref<64xi32, #tpu.memory_space<vmem>>
    %dma_wait3A_57 = arith.constant 0 : i32
    %dma_wait3A_58 = arith.constant 0 : i32
    %dma_wait3A_59 = tpu.memref_slice %arg4[%dma_wait3A_57, %dma_wait3A_58] : memref<100000x768xf32, #tpu.memory_space<hbm>> -> memref<100000x768xf32, #tpu.memory_space<hbm>>
    tpu.wait_indirect_dma semaphore(%arg12 : memref<!tpu.dma_semaphore, #tpu.memory_space<semaphore_mem>>) src(%dma_wait3A_59 : memref<100000x768xf32, #tpu.memory_space<hbm>>) dst(%arg10 : memref<64x768xf32, #tpu.memory_space<vmem>>)
    %add3A_60 = arith.constant 64 : i32
    %add3A_61 = arith.addi %mul3A_2, %add3A_60 : i32
    %dma_start3A_62 = arith.constant 0 : i32
    %dma_start3A_63 = tpu.memref_slice %arg6[%add3A_61, %dma_start3A_62] : memref<4096x768xf32, #tpu.memory_space<hbm>> -> memref<64x768xf32, #tpu.memory_space<hbm>>
    %dma_start3A_64 = arith.constant 0 : i32
    %dma_start3A_65 = tpu.memref_slice %arg6[%add3A_61, %dma_start3A_64] : memref<4096x768xf32, #tpu.memory_space<hbm>> -> memref<64x768xf32, #tpu.memory_space<hbm>>
    tpu.enqueue_dma source(%arg10 : memref<64x768xf32, #tpu.memory_space<vmem>>) target(%dma_start3A_65 : memref<64x768xf32, #tpu.memory_space<hbm>>) target_semaphore(%arg14 : memref<!tpu.dma_semaphore, #tpu.memory_space<semaphore_mem>>)
    %dma_wait3A_66 = arith.constant 64 : i32
    %dma_wait3A_67 = tpu.memref_slice %arg9[%dma_wait3A_66] : memref<128xi32, #tpu.memory_space<vmem>> -> memref<64xi32, #tpu.memory_space<vmem>>
    %dma_wait3A_68 = arith.constant 0 : i32
    %dma_wait3A_69 = arith.constant 0 : i32
    %dma_wait3A_70 = tpu.memref_slice %arg5[%dma_wait3A_68, %dma_wait3A_69] : memref<100000x768xf32, #tpu.memory_space<hbm>> -> memref<100000x768xf32, #tpu.memory_space<hbm>>
    tpu.wait_indirect_dma semaphore(%arg13 : memref<!tpu.dma_semaphore, #tpu.memory_space<semaphore_mem>>) src(%dma_wait3A_70 : memref<100000x768xf32, #tpu.memory_space<hbm>>) dst(%arg11 : memref<64x768xf32, #tpu.memory_space<vmem>>)
    %add3A_71 = arith.constant 64 : i32
    %add3A_72 = arith.addi %mul3A_2, %add3A_71 : i32
    %dma_start3A_73 = arith.constant 0 : i32
    %dma_start3A_74 = tpu.memref_slice %arg7[%add3A_72, %dma_start3A_73] : memref<4096x768xf32, #tpu.memory_space<hbm>> -> memref<64x768xf32, #tpu.memory_space<hbm>>
    %dma_start3A_75 = arith.constant 0 : i32
    %dma_start3A_76 = tpu.memref_slice %arg7[%add3A_72, %dma_start3A_75] : memref<4096x768xf32, #tpu.memory_space<hbm>> -> memref<64x768xf32, #tpu.memory_space<hbm>>
    tpu.enqueue_dma source(%arg11 : memref<64x768xf32, #tpu.memory_space<vmem>>) target(%dma_start3A_76 : memref<64x768xf32, #tpu.memory_space<hbm>>) target_semaphore(%arg15 : memref<!tpu.dma_semaphore, #tpu.memory_space<semaphore_mem>>)
    %dma_wait3A_77 = arith.constant 0 : i32
    %dma_wait3A_78 = tpu.memref_slice %arg6[%add3A_61, %dma_wait3A_77] : memref<4096x768xf32, #tpu.memory_space<hbm>> -> memref<64x768xf32, #tpu.memory_space<hbm>>
    %dma_wait3A_79 = arith.constant 0 : i32
    %dma_wait3A_80 = tpu.memref_slice %arg6[%add3A_61, %dma_wait3A_79] : memref<4096x768xf32, #tpu.memory_space<hbm>> -> memref<64x768xf32, #tpu.memory_space<hbm>>
    tpu.wait_dma2 semaphore(%arg14 : memref<!tpu.dma_semaphore, #tpu.memory_space<semaphore_mem>>) src(%arg10 : memref<64x768xf32, #tpu.memory_space<vmem>>) dst(%dma_wait3A_80 : memref<64x768xf32, #tpu.memory_space<hbm>>)
    %dma_wait3A_81 = arith.constant 0 : i32
    %dma_wait3A_82 = tpu.memref_slice %arg7[%add3A_72, %dma_wait3A_81] : memref<4096x768xf32, #tpu.memory_space<hbm>> -> memref<64x768xf32, #tpu.memory_space<hbm>>
    %dma_wait3A_83 = arith.constant 0 : i32
    %dma_wait3A_84 = tpu.memref_slice %arg7[%add3A_72, %dma_wait3A_83] : memref<4096x768xf32, #tpu.memory_space<hbm>> -> memref<64x768xf32, #tpu.memory_space<hbm>>
    tpu.wait_dma2 semaphore(%arg15 : memref<!tpu.dma_semaphore, #tpu.memory_space<semaphore_mem>>) src(%arg11 : memref<64x768xf32, #tpu.memory_space<vmem>>) dst(%dma_wait3A_84 : memref<64x768xf32, #tpu.memory_space<hbm>>)
    return
  }
}

#map = affine_map<(d0, d1) -> (0)>
#map1 = affine_map<(d0, d1) -> (0, 0)>
module attributes {stable_mosaic.version = 14 : i64} {
  func.func @gather_k(%arg0: i32, %arg1: i32, %arg2: memref<16384xi32, #tpu.memory_space<hbm>>, %arg3: memref<16384xi32, #tpu.memory_space<hbm>>, %arg4: memref<100000x768xf32, #tpu.memory_space<hbm>>, %arg5: memref<100000x768xf32, #tpu.memory_space<hbm>>, %arg6: memref<2048x768xf32, #tpu.memory_space<hbm>>, %arg7: memref<2048x768xf32, #tpu.memory_space<hbm>>, %arg8: memref<64xi32, #tpu.memory_space<vmem>>, %arg9: memref<64xi32, #tpu.memory_space<vmem>>, %arg10: memref<64x768xf32, #tpu.memory_space<vmem>>, %arg11: memref<64x768xf32, #tpu.memory_space<vmem>>, %arg12: memref<!tpu.dma_semaphore, #tpu.memory_space<semaphore_mem>>, %arg13: memref<!tpu.dma_semaphore, #tpu.memory_space<semaphore_mem>>, %arg14: memref<!tpu.dma_semaphore, #tpu.memory_space<semaphore_mem>>, %arg15: memref<!tpu.dma_semaphore, #tpu.memory_space<semaphore_mem>>) attributes {dimension_semantics = [#tpu.dimension_semantics<core_parallel>, #tpu.dimension_semantics<subcore_parallel>], iteration_bounds = array<i64: 2, 16>, scalar_prefetch = 0 : i64, scratch_operands = 8 : i64, tpu.core_type = #tpu.core_type<sc_vector_subcore>, window_params = [{transform_indices = #map}, {transform_indices = #map}, {transform_indices = #map1}, {transform_indices = #map1}, {transform_indices = #map1}, {transform_indices = #map1}]} {
    %mul3A = arith.constant 2 : i32
    %mul3A_0 = arith.muli %arg1, %mul3A : i32
    %add3A = arith.addi %mul3A_0, %arg0 : i32
    %mul3A_1 = arith.constant 64 : i32
    %mul3A_2 = arith.muli %add3A, %mul3A_1 : i32
    %add3A_3 = arith.constant 0 : i32
    %add3A_4 = arith.addi %add3A_3, %mul3A_2 : i32
    "tpu.region"() ({
      %run_scoped3A = tpu.sem_alloc : memref<!tpu.dma_semaphore, #tpu.memory_space<semaphore_mem>>
      %dma_start3A_45 = tpu.memref_slice %arg2[%add3A_4] : memref<16384xi32, #tpu.memory_space<hbm>> -> memref<64xi32, #tpu.memory_space<hbm>>
      %dma_start3A_46 = tpu.memref_slice %arg2[%add3A_4] : memref<16384xi32, #tpu.memory_space<hbm>> -> memref<64xi32, #tpu.memory_space<hbm>>
      tpu.enqueue_dma source(%dma_start3A_46 : memref<64xi32, #tpu.memory_space<hbm>>) target(%arg8 : memref<64xi32, #tpu.memory_space<vmem>>) target_semaphore(%run_scoped3A : memref<!tpu.dma_semaphore, #tpu.memory_space<semaphore_mem>>)
      %dma_wait3A_47 = tpu.memref_slice %arg2[%add3A_4] : memref<16384xi32, #tpu.memory_space<hbm>> -> memref<64xi32, #tpu.memory_space<hbm>>
      %dma_wait3A_48 = tpu.memref_slice %arg2[%add3A_4] : memref<16384xi32, #tpu.memory_space<hbm>> -> memref<64xi32, #tpu.memory_space<hbm>>
      tpu.wait_dma2 semaphore(%run_scoped3A : memref<!tpu.dma_semaphore, #tpu.memory_space<semaphore_mem>>) src(%dma_wait3A_48 : memref<64xi32, #tpu.memory_space<hbm>>) dst(%arg8 : memref<64xi32, #tpu.memory_space<vmem>>)
      tpu.yield
    }) : () -> ()
    %add3A_5 = arith.constant 0 : i32
    %add3A_6 = arith.addi %add3A_5, %mul3A_2 : i32
    "tpu.region"() ({
      %run_scoped3A = tpu.sem_alloc : memref<!tpu.dma_semaphore, #tpu.memory_space<semaphore_mem>>
      %dma_start3A_45 = tpu.memref_slice %arg3[%add3A_6] : memref<16384xi32, #tpu.memory_space<hbm>> -> memref<64xi32, #tpu.memory_space<hbm>>
      %dma_start3A_46 = tpu.memref_slice %arg3[%add3A_6] : memref<16384xi32, #tpu.memory_space<hbm>> -> memref<64xi32, #tpu.memory_space<hbm>>
      tpu.enqueue_dma source(%dma_start3A_46 : memref<64xi32, #tpu.memory_space<hbm>>) target(%arg9 : memref<64xi32, #tpu.memory_space<vmem>>) target_semaphore(%run_scoped3A : memref<!tpu.dma_semaphore, #tpu.memory_space<semaphore_mem>>)
      %dma_wait3A_47 = tpu.memref_slice %arg3[%add3A_6] : memref<16384xi32, #tpu.memory_space<hbm>> -> memref<64xi32, #tpu.memory_space<hbm>>
      %dma_wait3A_48 = tpu.memref_slice %arg3[%add3A_6] : memref<16384xi32, #tpu.memory_space<hbm>> -> memref<64xi32, #tpu.memory_space<hbm>>
      tpu.wait_dma2 semaphore(%run_scoped3A : memref<!tpu.dma_semaphore, #tpu.memory_space<semaphore_mem>>) src(%dma_wait3A_48 : memref<64xi32, #tpu.memory_space<hbm>>) dst(%arg9 : memref<64xi32, #tpu.memory_space<vmem>>)
      tpu.yield
    }) : () -> ()
    %dma_start3A = arith.constant 0 : i32
    %dma_start3A_7 = tpu.memref_slice %arg8[%dma_start3A] : memref<64xi32, #tpu.memory_space<vmem>> -> memref<64xi32, #tpu.memory_space<vmem>>
    %dma_start3A_8 = arith.constant 0 : i32
    %dma_start3A_9 = arith.constant 0 : i32
    %dma_start3A_10 = tpu.memref_slice %arg4[%dma_start3A_8, %dma_start3A_9] : memref<100000x768xf32, #tpu.memory_space<hbm>> -> memref<100000x768xf32, #tpu.memory_space<hbm>>
    tpu.enqueue_indirect_dma source(%dma_start3A_10 : memref<100000x768xf32, #tpu.memory_space<hbm>>) target(%arg10 : memref<64x768xf32, #tpu.memory_space<vmem>>) offsets(%dma_start3A_7 : memref<64xi32, #tpu.memory_space<vmem>>) semaphore(%arg12 : memref<!tpu.dma_semaphore, #tpu.memory_space<semaphore_mem>>)
    %dma_start3A_11 = arith.constant 0 : i32
    %dma_start3A_12 = tpu.memref_slice %arg9[%dma_start3A_11] : memref<64xi32, #tpu.memory_space<vmem>> -> memref<64xi32, #tpu.memory_space<vmem>>
    %dma_start3A_13 = arith.constant 0 : i32
    %dma_start3A_14 = arith.constant 0 : i32
    %dma_start3A_15 = tpu.memref_slice %arg5[%dma_start3A_13, %dma_start3A_14] : memref<100000x768xf32, #tpu.memory_space<hbm>> -> memref<100000x768xf32, #tpu.memory_space<hbm>>
    tpu.enqueue_indirect_dma source(%dma_start3A_15 : memref<100000x768xf32, #tpu.memory_space<hbm>>) target(%arg11 : memref<64x768xf32, #tpu.memory_space<vmem>>) offsets(%dma_start3A_12 : memref<64xi32, #tpu.memory_space<vmem>>) semaphore(%arg13 : memref<!tpu.dma_semaphore, #tpu.memory_space<semaphore_mem>>)
    %dma_wait3A = arith.constant 0 : i32
    %dma_wait3A_16 = tpu.memref_slice %arg8[%dma_wait3A] : memref<64xi32, #tpu.memory_space<vmem>> -> memref<64xi32, #tpu.memory_space<vmem>>
    %dma_wait3A_17 = arith.constant 0 : i32
    %dma_wait3A_18 = arith.constant 0 : i32
    %dma_wait3A_19 = tpu.memref_slice %arg4[%dma_wait3A_17, %dma_wait3A_18] : memref<100000x768xf32, #tpu.memory_space<hbm>> -> memref<100000x768xf32, #tpu.memory_space<hbm>>
    tpu.wait_indirect_dma semaphore(%arg12 : memref<!tpu.dma_semaphore, #tpu.memory_space<semaphore_mem>>) src(%dma_wait3A_19 : memref<100000x768xf32, #tpu.memory_space<hbm>>) dst(%arg10 : memref<64x768xf32, #tpu.memory_space<vmem>>)
    %add3A_20 = arith.constant 0 : i32
    %add3A_21 = arith.addi %mul3A_2, %add3A_20 : i32
    %dma_start3A_22 = arith.constant 0 : i32
    %dma_start3A_23 = tpu.memref_slice %arg6[%add3A_21, %dma_start3A_22] : memref<2048x768xf32, #tpu.memory_space<hbm>> -> memref<64x768xf32, #tpu.memory_space<hbm>>
    %dma_start3A_24 = arith.constant 0 : i32
    %dma_start3A_25 = tpu.memref_slice %arg6[%add3A_21, %dma_start3A_24] : memref<2048x768xf32, #tpu.memory_space<hbm>> -> memref<64x768xf32, #tpu.memory_space<hbm>>
    tpu.enqueue_dma source(%arg10 : memref<64x768xf32, #tpu.memory_space<vmem>>) target(%dma_start3A_25 : memref<64x768xf32, #tpu.memory_space<hbm>>) target_semaphore(%arg14 : memref<!tpu.dma_semaphore, #tpu.memory_space<semaphore_mem>>)
    %dma_wait3A_26 = arith.constant 0 : i32
    %dma_wait3A_27 = tpu.memref_slice %arg9[%dma_wait3A_26] : memref<64xi32, #tpu.memory_space<vmem>> -> memref<64xi32, #tpu.memory_space<vmem>>
    %dma_wait3A_28 = arith.constant 0 : i32
    %dma_wait3A_29 = arith.constant 0 : i32
    %dma_wait3A_30 = tpu.memref_slice %arg5[%dma_wait3A_28, %dma_wait3A_29] : memref<100000x768xf32, #tpu.memory_space<hbm>> -> memref<100000x768xf32, #tpu.memory_space<hbm>>
    tpu.wait_indirect_dma semaphore(%arg13 : memref<!tpu.dma_semaphore, #tpu.memory_space<semaphore_mem>>) src(%dma_wait3A_30 : memref<100000x768xf32, #tpu.memory_space<hbm>>) dst(%arg11 : memref<64x768xf32, #tpu.memory_space<vmem>>)
    %add3A_31 = arith.constant 0 : i32
    %add3A_32 = arith.addi %mul3A_2, %add3A_31 : i32
    %dma_start3A_33 = arith.constant 0 : i32
    %dma_start3A_34 = tpu.memref_slice %arg7[%add3A_32, %dma_start3A_33] : memref<2048x768xf32, #tpu.memory_space<hbm>> -> memref<64x768xf32, #tpu.memory_space<hbm>>
    %dma_start3A_35 = arith.constant 0 : i32
    %dma_start3A_36 = tpu.memref_slice %arg7[%add3A_32, %dma_start3A_35] : memref<2048x768xf32, #tpu.memory_space<hbm>> -> memref<64x768xf32, #tpu.memory_space<hbm>>
    tpu.enqueue_dma source(%arg11 : memref<64x768xf32, #tpu.memory_space<vmem>>) target(%dma_start3A_36 : memref<64x768xf32, #tpu.memory_space<hbm>>) target_semaphore(%arg15 : memref<!tpu.dma_semaphore, #tpu.memory_space<semaphore_mem>>)
    %dma_wait3A_37 = arith.constant 0 : i32
    %dma_wait3A_38 = tpu.memref_slice %arg6[%add3A_21, %dma_wait3A_37] : memref<2048x768xf32, #tpu.memory_space<hbm>> -> memref<64x768xf32, #tpu.memory_space<hbm>>
    %dma_wait3A_39 = arith.constant 0 : i32
    %dma_wait3A_40 = tpu.memref_slice %arg6[%add3A_21, %dma_wait3A_39] : memref<2048x768xf32, #tpu.memory_space<hbm>> -> memref<64x768xf32, #tpu.memory_space<hbm>>
    tpu.wait_dma2 semaphore(%arg14 : memref<!tpu.dma_semaphore, #tpu.memory_space<semaphore_mem>>) src(%arg10 : memref<64x768xf32, #tpu.memory_space<vmem>>) dst(%dma_wait3A_40 : memref<64x768xf32, #tpu.memory_space<hbm>>)
    %dma_wait3A_41 = arith.constant 0 : i32
    %dma_wait3A_42 = tpu.memref_slice %arg7[%add3A_32, %dma_wait3A_41] : memref<2048x768xf32, #tpu.memory_space<hbm>> -> memref<64x768xf32, #tpu.memory_space<hbm>>
    %dma_wait3A_43 = arith.constant 0 : i32
    %dma_wait3A_44 = tpu.memref_slice %arg7[%add3A_32, %dma_wait3A_43] : memref<2048x768xf32, #tpu.memory_space<hbm>> -> memref<64x768xf32, #tpu.memory_space<hbm>>
    tpu.wait_dma2 semaphore(%arg15 : memref<!tpu.dma_semaphore, #tpu.memory_space<semaphore_mem>>) src(%arg11 : memref<64x768xf32, #tpu.memory_space<vmem>>) dst(%dma_wait3A_44 : memref<64x768xf32, #tpu.memory_space<hbm>>)
    return
  }
}

#map = affine_map<(d0, d1) -> (0)>
#map1 = affine_map<(d0, d1) -> (0, 0)>
module attributes {stable_mosaic.version = 14 : i64} {
  func.func @gather_k(%arg0: i32, %arg1: i32, %arg2: memref<16384xi32, #tpu.memory_space<hbm>>, %arg3: memref<16384xi32, #tpu.memory_space<hbm>>, %arg4: memref<100000x768xf32, #tpu.memory_space<hbm>>, %arg5: memref<100000x768xf32, #tpu.memory_space<hbm>>, %arg6: memref<5120x768xf32, #tpu.memory_space<hbm>>, %arg7: memref<5120x768xf32, #tpu.memory_space<hbm>>, %arg8: memref<160xi32, #tpu.memory_space<vmem>>, %arg9: memref<160xi32, #tpu.memory_space<vmem>>, %arg10: memref<80x768xf32, #tpu.memory_space<vmem>>, %arg11: memref<80x768xf32, #tpu.memory_space<vmem>>, %arg12: memref<!tpu.dma_semaphore, #tpu.memory_space<semaphore_mem>>, %arg13: memref<!tpu.dma_semaphore, #tpu.memory_space<semaphore_mem>>, %arg14: memref<!tpu.dma_semaphore, #tpu.memory_space<semaphore_mem>>, %arg15: memref<!tpu.dma_semaphore, #tpu.memory_space<semaphore_mem>>) attributes {dimension_semantics = [#tpu.dimension_semantics<core_parallel>, #tpu.dimension_semantics<subcore_parallel>], iteration_bounds = array<i64: 2, 16>, scalar_prefetch = 0 : i64, scratch_operands = 8 : i64, tpu.core_type = #tpu.core_type<sc_vector_subcore>, window_params = [{transform_indices = #map}, {transform_indices = #map}, {transform_indices = #map1}, {transform_indices = #map1}, {transform_indices = #map1}, {transform_indices = #map1}]} {
    %mul3A = arith.constant 2 : i32
    %mul3A_0 = arith.muli %arg1, %mul3A : i32
    %add3A = arith.addi %mul3A_0, %arg0 : i32
    %mul3A_1 = arith.constant 160 : i32
    %mul3A_2 = arith.muli %add3A, %mul3A_1 : i32
    %add3A_3 = arith.constant 11264 : i32
    %add3A_4 = arith.addi %add3A_3, %mul3A_2 : i32
    "tpu.region"() ({
      %run_scoped3A = tpu.sem_alloc : memref<!tpu.dma_semaphore, #tpu.memory_space<semaphore_mem>>
      %dma_start3A_85 = tpu.memref_slice %arg2[%add3A_4] : memref<16384xi32, #tpu.memory_space<hbm>> -> memref<160xi32, #tpu.memory_space<hbm>>
      %dma_start3A_86 = tpu.memref_slice %arg2[%add3A_4] : memref<16384xi32, #tpu.memory_space<hbm>> -> memref<160xi32, #tpu.memory_space<hbm>>
      tpu.enqueue_dma source(%dma_start3A_86 : memref<160xi32, #tpu.memory_space<hbm>>) target(%arg8 : memref<160xi32, #tpu.memory_space<vmem>>) target_semaphore(%run_scoped3A : memref<!tpu.dma_semaphore, #tpu.memory_space<semaphore_mem>>)
      %dma_wait3A_87 = tpu.memref_slice %arg2[%add3A_4] : memref<16384xi32, #tpu.memory_space<hbm>> -> memref<160xi32, #tpu.memory_space<hbm>>
      %dma_wait3A_88 = tpu.memref_slice %arg2[%add3A_4] : memref<16384xi32, #tpu.memory_space<hbm>> -> memref<160xi32, #tpu.memory_space<hbm>>
      tpu.wait_dma2 semaphore(%run_scoped3A : memref<!tpu.dma_semaphore, #tpu.memory_space<semaphore_mem>>) src(%dma_wait3A_88 : memref<160xi32, #tpu.memory_space<hbm>>) dst(%arg8 : memref<160xi32, #tpu.memory_space<vmem>>)
      tpu.yield
    }) : () -> ()
    %add3A_5 = arith.constant 11264 : i32
    %add3A_6 = arith.addi %add3A_5, %mul3A_2 : i32
    "tpu.region"() ({
      %run_scoped3A = tpu.sem_alloc : memref<!tpu.dma_semaphore, #tpu.memory_space<semaphore_mem>>
      %dma_start3A_85 = tpu.memref_slice %arg3[%add3A_6] : memref<16384xi32, #tpu.memory_space<hbm>> -> memref<160xi32, #tpu.memory_space<hbm>>
      %dma_start3A_86 = tpu.memref_slice %arg3[%add3A_6] : memref<16384xi32, #tpu.memory_space<hbm>> -> memref<160xi32, #tpu.memory_space<hbm>>
      tpu.enqueue_dma source(%dma_start3A_86 : memref<160xi32, #tpu.memory_space<hbm>>) target(%arg9 : memref<160xi32, #tpu.memory_space<vmem>>) target_semaphore(%run_scoped3A : memref<!tpu.dma_semaphore, #tpu.memory_space<semaphore_mem>>)
      %dma_wait3A_87 = tpu.memref_slice %arg3[%add3A_6] : memref<16384xi32, #tpu.memory_space<hbm>> -> memref<160xi32, #tpu.memory_space<hbm>>
      %dma_wait3A_88 = tpu.memref_slice %arg3[%add3A_6] : memref<16384xi32, #tpu.memory_space<hbm>> -> memref<160xi32, #tpu.memory_space<hbm>>
      tpu.wait_dma2 semaphore(%run_scoped3A : memref<!tpu.dma_semaphore, #tpu.memory_space<semaphore_mem>>) src(%dma_wait3A_88 : memref<160xi32, #tpu.memory_space<hbm>>) dst(%arg9 : memref<160xi32, #tpu.memory_space<vmem>>)
      tpu.yield
    }) : () -> ()
    %dma_start3A = arith.constant 0 : i32
    %dma_start3A_7 = tpu.memref_slice %arg8[%dma_start3A] : memref<160xi32, #tpu.memory_space<vmem>> -> memref<80xi32, #tpu.memory_space<vmem>>
    %dma_start3A_8 = arith.constant 0 : i32
    %dma_start3A_9 = arith.constant 0 : i32
    %dma_start3A_10 = tpu.memref_slice %arg4[%dma_start3A_8, %dma_start3A_9] : memref<100000x768xf32, #tpu.memory_space<hbm>> -> memref<100000x768xf32, #tpu.memory_space<hbm>>
    tpu.enqueue_indirect_dma source(%dma_start3A_10 : memref<100000x768xf32, #tpu.memory_space<hbm>>) target(%arg10 : memref<80x768xf32, #tpu.memory_space<vmem>>) offsets(%dma_start3A_7 : memref<80xi32, #tpu.memory_space<vmem>>) semaphore(%arg12 : memref<!tpu.dma_semaphore, #tpu.memory_space<semaphore_mem>>)
    %dma_start3A_11 = arith.constant 0 : i32
    %dma_start3A_12 = tpu.memref_slice %arg9[%dma_start3A_11] : memref<160xi32, #tpu.memory_space<vmem>> -> memref<80xi32, #tpu.memory_space<vmem>>
    %dma_start3A_13 = arith.constant 0 : i32
    %dma_start3A_14 = arith.constant 0 : i32
    %dma_start3A_15 = tpu.memref_slice %arg5[%dma_start3A_13, %dma_start3A_14] : memref<100000x768xf32, #tpu.memory_space<hbm>> -> memref<100000x768xf32, #tpu.memory_space<hbm>>
    tpu.enqueue_indirect_dma source(%dma_start3A_15 : memref<100000x768xf32, #tpu.memory_space<hbm>>) target(%arg11 : memref<80x768xf32, #tpu.memory_space<vmem>>) offsets(%dma_start3A_12 : memref<80xi32, #tpu.memory_space<vmem>>) semaphore(%arg13 : memref<!tpu.dma_semaphore, #tpu.memory_space<semaphore_mem>>)
    %dma_wait3A = arith.constant 0 : i32
    %dma_wait3A_16 = tpu.memref_slice %arg8[%dma_wait3A] : memref<160xi32, #tpu.memory_space<vmem>> -> memref<80xi32, #tpu.memory_space<vmem>>
    %dma_wait3A_17 = arith.constant 0 : i32
    %dma_wait3A_18 = arith.constant 0 : i32
    %dma_wait3A_19 = tpu.memref_slice %arg4[%dma_wait3A_17, %dma_wait3A_18] : memref<100000x768xf32, #tpu.memory_space<hbm>> -> memref<100000x768xf32, #tpu.memory_space<hbm>>
    tpu.wait_indirect_dma semaphore(%arg12 : memref<!tpu.dma_semaphore, #tpu.memory_space<semaphore_mem>>) src(%dma_wait3A_19 : memref<100000x768xf32, #tpu.memory_space<hbm>>) dst(%arg10 : memref<80x768xf32, #tpu.memory_space<vmem>>)
    %add3A_20 = arith.constant 0 : i32
    %add3A_21 = arith.addi %mul3A_2, %add3A_20 : i32
    %dma_start3A_22 = arith.constant 0 : i32
    %dma_start3A_23 = tpu.memref_slice %arg6[%add3A_21, %dma_start3A_22] : memref<5120x768xf32, #tpu.memory_space<hbm>> -> memref<80x768xf32, #tpu.memory_space<hbm>>
    %dma_start3A_24 = arith.constant 0 : i32
    %dma_start3A_25 = tpu.memref_slice %arg6[%add3A_21, %dma_start3A_24] : memref<5120x768xf32, #tpu.memory_space<hbm>> -> memref<80x768xf32, #tpu.memory_space<hbm>>
    tpu.enqueue_dma source(%arg10 : memref<80x768xf32, #tpu.memory_space<vmem>>) target(%dma_start3A_25 : memref<80x768xf32, #tpu.memory_space<hbm>>) target_semaphore(%arg14 : memref<!tpu.dma_semaphore, #tpu.memory_space<semaphore_mem>>)
    %dma_wait3A_26 = arith.constant 0 : i32
    %dma_wait3A_27 = tpu.memref_slice %arg6[%add3A_21, %dma_wait3A_26] : memref<5120x768xf32, #tpu.memory_space<hbm>> -> memref<80x768xf32, #tpu.memory_space<hbm>>
    %dma_wait3A_28 = arith.constant 0 : i32
    %dma_wait3A_29 = tpu.memref_slice %arg6[%add3A_21, %dma_wait3A_28] : memref<5120x768xf32, #tpu.memory_space<hbm>> -> memref<80x768xf32, #tpu.memory_space<hbm>>
    tpu.wait_dma2 semaphore(%arg14 : memref<!tpu.dma_semaphore, #tpu.memory_space<semaphore_mem>>) src(%arg10 : memref<80x768xf32, #tpu.memory_space<vmem>>) dst(%dma_wait3A_29 : memref<80x768xf32, #tpu.memory_space<hbm>>)
    %dma_start3A_30 = arith.constant 80 : i32
    %dma_start3A_31 = tpu.memref_slice %arg8[%dma_start3A_30] : memref<160xi32, #tpu.memory_space<vmem>> -> memref<80xi32, #tpu.memory_space<vmem>>
    %dma_start3A_32 = arith.constant 0 : i32
    %dma_start3A_33 = arith.constant 0 : i32
    %dma_start3A_34 = tpu.memref_slice %arg4[%dma_start3A_32, %dma_start3A_33] : memref<100000x768xf32, #tpu.memory_space<hbm>> -> memref<100000x768xf32, #tpu.memory_space<hbm>>
    tpu.enqueue_indirect_dma source(%dma_start3A_34 : memref<100000x768xf32, #tpu.memory_space<hbm>>) target(%arg10 : memref<80x768xf32, #tpu.memory_space<vmem>>) offsets(%dma_start3A_31 : memref<80xi32, #tpu.memory_space<vmem>>) semaphore(%arg12 : memref<!tpu.dma_semaphore, #tpu.memory_space<semaphore_mem>>)
    %dma_wait3A_35 = arith.constant 0 : i32
    %dma_wait3A_36 = tpu.memref_slice %arg9[%dma_wait3A_35] : memref<160xi32, #tpu.memory_space<vmem>> -> memref<80xi32, #tpu.memory_space<vmem>>
    %dma_wait3A_37 = arith.constant 0 : i32
    %dma_wait3A_38 = arith.constant 0 : i32
    %dma_wait3A_39 = tpu.memref_slice %arg5[%dma_wait3A_37, %dma_wait3A_38] : memref<100000x768xf32, #tpu.memory_space<hbm>> -> memref<100000x768xf32, #tpu.memory_space<hbm>>
    tpu.wait_indirect_dma semaphore(%arg13 : memref<!tpu.dma_semaphore, #tpu.memory_space<semaphore_mem>>) src(%dma_wait3A_39 : memref<100000x768xf32, #tpu.memory_space<hbm>>) dst(%arg11 : memref<80x768xf32, #tpu.memory_space<vmem>>)
    %add3A_40 = arith.constant 0 : i32
    %add3A_41 = arith.addi %mul3A_2, %add3A_40 : i32
    %dma_start3A_42 = arith.constant 0 : i32
    %dma_start3A_43 = tpu.memref_slice %arg7[%add3A_41, %dma_start3A_42] : memref<5120x768xf32, #tpu.memory_space<hbm>> -> memref<80x768xf32, #tpu.memory_space<hbm>>
    %dma_start3A_44 = arith.constant 0 : i32
    %dma_start3A_45 = tpu.memref_slice %arg7[%add3A_41, %dma_start3A_44] : memref<5120x768xf32, #tpu.memory_space<hbm>> -> memref<80x768xf32, #tpu.memory_space<hbm>>
    tpu.enqueue_dma source(%arg11 : memref<80x768xf32, #tpu.memory_space<vmem>>) target(%dma_start3A_45 : memref<80x768xf32, #tpu.memory_space<hbm>>) target_semaphore(%arg15 : memref<!tpu.dma_semaphore, #tpu.memory_space<semaphore_mem>>)
    %dma_wait3A_46 = arith.constant 0 : i32
    %dma_wait3A_47 = tpu.memref_slice %arg7[%add3A_41, %dma_wait3A_46] : memref<5120x768xf32, #tpu.memory_space<hbm>> -> memref<80x768xf32, #tpu.memory_space<hbm>>
    %dma_wait3A_48 = arith.constant 0 : i32
    %dma_wait3A_49 = tpu.memref_slice %arg7[%add3A_41, %dma_wait3A_48] : memref<5120x768xf32, #tpu.memory_space<hbm>> -> memref<80x768xf32, #tpu.memory_space<hbm>>
    tpu.wait_dma2 semaphore(%arg15 : memref<!tpu.dma_semaphore, #tpu.memory_space<semaphore_mem>>) src(%arg11 : memref<80x768xf32, #tpu.memory_space<vmem>>) dst(%dma_wait3A_49 : memref<80x768xf32, #tpu.memory_space<hbm>>)
    %dma_start3A_50 = arith.constant 80 : i32
    %dma_start3A_51 = tpu.memref_slice %arg9[%dma_start3A_50] : memref<160xi32, #tpu.memory_space<vmem>> -> memref<80xi32, #tpu.memory_space<vmem>>
    %dma_start3A_52 = arith.constant 0 : i32
    %dma_start3A_53 = arith.constant 0 : i32
    %dma_start3A_54 = tpu.memref_slice %arg5[%dma_start3A_52, %dma_start3A_53] : memref<100000x768xf32, #tpu.memory_space<hbm>> -> memref<100000x768xf32, #tpu.memory_space<hbm>>
    tpu.enqueue_indirect_dma source(%dma_start3A_54 : memref<100000x768xf32, #tpu.memory_space<hbm>>) target(%arg11 : memref<80x768xf32, #tpu.memory_space<vmem>>) offsets(%dma_start3A_51 : memref<80xi32, #tpu.memory_space<vmem>>) semaphore(%arg13 : memref<!tpu.dma_semaphore, #tpu.memory_space<semaphore_mem>>)
    %dma_wait3A_55 = arith.constant 80 : i32
    %dma_wait3A_56 = tpu.memref_slice %arg8[%dma_wait3A_55] : memref<160xi32, #tpu.memory_space<vmem>> -> memref<80xi32, #tpu.memory_space<vmem>>
    %dma_wait3A_57 = arith.constant 0 : i32
    %dma_wait3A_58 = arith.constant 0 : i32
    %dma_wait3A_59 = tpu.memref_slice %arg4[%dma_wait3A_57, %dma_wait3A_58] : memref<100000x768xf32, #tpu.memory_space<hbm>> -> memref<100000x768xf32, #tpu.memory_space<hbm>>
    tpu.wait_indirect_dma semaphore(%arg12 : memref<!tpu.dma_semaphore, #tpu.memory_space<semaphore_mem>>) src(%dma_wait3A_59 : memref<100000x768xf32, #tpu.memory_space<hbm>>) dst(%arg10 : memref<80x768xf32, #tpu.memory_space<vmem>>)
    %add3A_60 = arith.constant 80 : i32
    %add3A_61 = arith.addi %mul3A_2, %add3A_60 : i32
    %dma_start3A_62 = arith.constant 0 : i32
    %dma_start3A_63 = tpu.memref_slice %arg6[%add3A_61, %dma_start3A_62] : memref<5120x768xf32, #tpu.memory_space<hbm>> -> memref<80x768xf32, #tpu.memory_space<hbm>>
    %dma_start3A_64 = arith.constant 0 : i32
    %dma_start3A_65 = tpu.memref_slice %arg6[%add3A_61, %dma_start3A_64] : memref<5120x768xf32, #tpu.memory_space<hbm>> -> memref<80x768xf32, #tpu.memory_space<hbm>>
    tpu.enqueue_dma source(%arg10 : memref<80x768xf32, #tpu.memory_space<vmem>>) target(%dma_start3A_65 : memref<80x768xf32, #tpu.memory_space<hbm>>) target_semaphore(%arg14 : memref<!tpu.dma_semaphore, #tpu.memory_space<semaphore_mem>>)
    %dma_wait3A_66 = arith.constant 80 : i32
    %dma_wait3A_67 = tpu.memref_slice %arg9[%dma_wait3A_66] : memref<160xi32, #tpu.memory_space<vmem>> -> memref<80xi32, #tpu.memory_space<vmem>>
    %dma_wait3A_68 = arith.constant 0 : i32
    %dma_wait3A_69 = arith.constant 0 : i32
    %dma_wait3A_70 = tpu.memref_slice %arg5[%dma_wait3A_68, %dma_wait3A_69] : memref<100000x768xf32, #tpu.memory_space<hbm>> -> memref<100000x768xf32, #tpu.memory_space<hbm>>
    tpu.wait_indirect_dma semaphore(%arg13 : memref<!tpu.dma_semaphore, #tpu.memory_space<semaphore_mem>>) src(%dma_wait3A_70 : memref<100000x768xf32, #tpu.memory_space<hbm>>) dst(%arg11 : memref<80x768xf32, #tpu.memory_space<vmem>>)
    %add3A_71 = arith.constant 80 : i32
    %add3A_72 = arith.addi %mul3A_2, %add3A_71 : i32
    %dma_start3A_73 = arith.constant 0 : i32
    %dma_start3A_74 = tpu.memref_slice %arg7[%add3A_72, %dma_start3A_73] : memref<5120x768xf32, #tpu.memory_space<hbm>> -> memref<80x768xf32, #tpu.memory_space<hbm>>
    %dma_start3A_75 = arith.constant 0 : i32
    %dma_start3A_76 = tpu.memref_slice %arg7[%add3A_72, %dma_start3A_75] : memref<5120x768xf32, #tpu.memory_space<hbm>> -> memref<80x768xf32, #tpu.memory_space<hbm>>
    tpu.enqueue_dma source(%arg11 : memref<80x768xf32, #tpu.memory_space<vmem>>) target(%dma_start3A_76 : memref<80x768xf32, #tpu.memory_space<hbm>>) target_semaphore(%arg15 : memref<!tpu.dma_semaphore, #tpu.memory_space<semaphore_mem>>)
    %dma_wait3A_77 = arith.constant 0 : i32
    %dma_wait3A_78 = tpu.memref_slice %arg6[%add3A_61, %dma_wait3A_77] : memref<5120x768xf32, #tpu.memory_space<hbm>> -> memref<80x768xf32, #tpu.memory_space<hbm>>
    %dma_wait3A_79 = arith.constant 0 : i32
    %dma_wait3A_80 = tpu.memref_slice %arg6[%add3A_61, %dma_wait3A_79] : memref<5120x768xf32, #tpu.memory_space<hbm>> -> memref<80x768xf32, #tpu.memory_space<hbm>>
    tpu.wait_dma2 semaphore(%arg14 : memref<!tpu.dma_semaphore, #tpu.memory_space<semaphore_mem>>) src(%arg10 : memref<80x768xf32, #tpu.memory_space<vmem>>) dst(%dma_wait3A_80 : memref<80x768xf32, #tpu.memory_space<hbm>>)
    %dma_wait3A_81 = arith.constant 0 : i32
    %dma_wait3A_82 = tpu.memref_slice %arg7[%add3A_72, %dma_wait3A_81] : memref<5120x768xf32, #tpu.memory_space<hbm>> -> memref<80x768xf32, #tpu.memory_space<hbm>>
    %dma_wait3A_83 = arith.constant 0 : i32
    %dma_wait3A_84 = tpu.memref_slice %arg7[%add3A_72, %dma_wait3A_83] : memref<5120x768xf32, #tpu.memory_space<hbm>> -> memref<80x768xf32, #tpu.memory_space<hbm>>
    tpu.wait_dma2 semaphore(%arg15 : memref<!tpu.dma_semaphore, #tpu.memory_space<semaphore_mem>>) src(%arg11 : memref<80x768xf32, #tpu.memory_space<vmem>>) dst(%dma_wait3A_84 : memref<80x768xf32, #tpu.memory_space<hbm>>)
    return
  }
}

module attributes {stable_mosaic.version = 14 : i64} {
  func.func @_mlp_body_aliased(%arg0: i32, %arg1: memref<1024x768xf32, #tpu.memory_space<vmem>>, %arg2: memref<1024x768xf32, #tpu.memory_space<vmem>>, %arg3: memref<1536x1536xbf16, #tpu.memory_space<vmem>>, %arg4: memref<1536xf32, #tpu.memory_space<vmem>>, %arg5: memref<1536x768xbf16, #tpu.memory_space<vmem>>, %arg6: memref<768xf32, #tpu.memory_space<vmem>>, %arg7: memref<768x1xbf16, #tpu.memory_space<vmem>>, %arg8: memref<1xf32, #tpu.memory_space<vmem>>, %arg9: memref<16384x1xf32, #tpu.memory_space<any>>, %arg10: memref<16384x768xf32, #tpu.memory_space<any>>, %arg11: memref<16384x768xf32, #tpu.memory_space<any>>, %arg12: memref<1024x1xf32, #tpu.memory_space<vmem>>, %arg13: memref<1024x768xf32, #tpu.memory_space<vmem>>, %arg14: memref<1024x768xf32, #tpu.memory_space<vmem>>) attributes {dimension_semantics = [#tpu.dimension_semantics<arbitrary>], iteration_bounds = array<i64: 4>, scalar_prefetch = 0 : i64, scratch_operands = 0 : i64, tpu.core_type = #tpu.core_type<tc>, window_params = [{transform_indices = @transform_0, window_bounds = array<i64: 1024, 768>}, {transform_indices = @transform_1, window_bounds = array<i64: 1024, 768>}, {pipeline_mode = #tpu.pipeline_mode<synchronous>, transform_indices = @transform_2, window_bounds = array<i64: 1536, 1536>}, {pipeline_mode = #tpu.pipeline_mode<synchronous>, transform_indices = @transform_3, window_bounds = array<i64: 1536>}, {pipeline_mode = #tpu.pipeline_mode<synchronous>, transform_indices = @transform_4, window_bounds = array<i64: 1536, 768>}, {pipeline_mode = #tpu.pipeline_mode<synchronous>, transform_indices = @transform_5, window_bounds = array<i64: 768>}, {pipeline_mode = #tpu.pipeline_mode<synchronous>, transform_indices = @transform_6, window_bounds = array<i64: 768, 1>}, {pipeline_mode = #tpu.pipeline_mode<synchronous>, transform_indices = @transform_7, window_bounds = array<i64: 1>}, {}, {}, {}, {transform_indices = @transform_11, window_bounds = array<i64: 1024, 1>}, {transform_indices = @transform_12, window_bounds = array<i64: 1024, 768>}, {transform_indices = @transform_13, window_bounds = array<i64: 1024, 768>}]} {
    %get3A = arith.constant 0 : index
    %get3A_0 = arith.constant 0 : index
    %get3A_1 = vector.load %arg1[%get3A, %get3A_0] : memref<1024x768xf32, #tpu.memory_space<vmem>>, vector<1024x768xf32>
    %get3A_2 = arith.constant 0 : index
    %get3A_3 = arith.constant 0 : index
    %get3A_4 = vector.load %arg2[%get3A_2, %get3A_3] : memref<1024x768xf32, #tpu.memory_space<vmem>>, vector<1024x768xf32>
    %swap3A = arith.constant 0 : index
    %swap3A_5 = arith.constant 0 : index
    %swap3A_6 = vector.load %arg13[%swap3A, %swap3A_5] : memref<1024x768xf32, #tpu.memory_space<vmem>>, vector<1024x768xf32>
    tpu.vector_store %arg13[%swap3A, %swap3A_5], %get3A_1 {strides = array<i32>} : memref<1024x768xf32, #tpu.memory_space<vmem>>, vector<1024x768xf32>,
    %swap3A_7 = arith.constant 0 : index
    %swap3A_8 = arith.constant 0 : index
    %swap3A_9 = vector.load %arg14[%swap3A_7, %swap3A_8] : memref<1024x768xf32, #tpu.memory_space<vmem>>, vector<1024x768xf32>
    tpu.vector_store %arg14[%swap3A_7, %swap3A_8], %get3A_4 {strides = array<i32>} : memref<1024x768xf32, #tpu.memory_space<vmem>>, vector<1024x768xf32>,
    %convert_element_type3A = arith.truncf %get3A_1 : vector<1024x768xf32> to vector<1024x768xbf16>
    %convert_element_type3A_10 = arith.truncf %get3A_4 : vector<1024x768xf32> to vector<1024x768xbf16>
    %concatenate3A = tpu.concatenate %convert_element_type3A, %convert_element_type3A_10 in 1 : vector<1024x768xbf16>, vector<1024x768xbf16> -> vector<1024x1536xbf16>
    %get3A_11 = arith.constant 0 : index
    %get3A_12 = arith.constant 0 : index
    %get3A_13 = vector.load %arg3[%get3A_11, %get3A_12] : memref<1536x1536xbf16, #tpu.memory_space<vmem>>, vector<1536x1536xbf16>
    %dot_general3A = arith.constant dense<0.000000e+00> : vector<1024x1536xf32>
    %dot_general3A_14 = tpu.matmul %concatenate3A, %get3A_13, %dot_general3A {dimension_numbers = #tpu.dot_dimension_numbers<[1], [0], [0], [1], [0, 0, 1, 1], [], []>, transpose_lhs_hint = false} : vector<1024x1536xbf16>, vector<1536x1536xbf16>, vector<1024x1536xf32> -> vector<1024x1536xf32>
    %get3A_15 = arith.constant 0 : index
    %get3A_16 = vector.load %arg4[%get3A_15] : memref<1536xf32, #tpu.memory_space<vmem>>, vector<1536xf32>
    %broadcast_in_dim3A = vector.shape_cast %get3A_16 : vector<1536xf32> to vector<1x1536xf32>
    %add3A = vector.broadcast %broadcast_in_dim3A : vector<1x1536xf32> to vector<1024x1536xf32>
    %add3A_17 = arith.addf %dot_general3A_14, %add3A : vector<1024x1536xf32>
    %mul3A = arith.constant 5.000000e-01 : f32
    %mul3A_18 = vector.broadcast %mul3A : f32 to vector<1024x1536xf32>
    %mul3A_19 = arith.mulf %mul3A_18, %add3A_17 : vector<1024x1536xf32>
    %tanh3A = math.tanh %mul3A_19 : vector<1024x1536xf32>
    %mul3A_20 = arith.constant 5.000000e-01 : f32
    %mul3A_21 = vector.broadcast %mul3A_20 : f32 to vector<1024x1536xf32>
    %mul3A_22 = arith.mulf %mul3A_21, %tanh3A : vector<1024x1536xf32>
    %add3A_23 = arith.constant 5.000000e-01 : f32
    %add3A_24 = vector.broadcast %add3A_23 : f32 to vector<1024x1536xf32>
    %add3A_25 = arith.addf %mul3A_22, %add3A_24 : vector<1024x1536xf32>
    %convert_element_type3A_26 = arith.truncf %add3A_25 : vector<1024x1536xf32> to vector<1024x1536xbf16>
    %get3A_27 = arith.constant 0 : index
    %get3A_28 = arith.constant 0 : index
    %get3A_29 = vector.load %arg5[%get3A_27, %get3A_28] : memref<1536x768xbf16, #tpu.memory_space<vmem>>, vector<1536x768xbf16>
    %dot_general3A_30 = arith.constant dense<0.000000e+00> : vector<1024x768xf32>
    %dot_general3A_31 = tpu.matmul %convert_element_type3A_26, %get3A_29, %dot_general3A_30 {dimension_numbers = #tpu.dot_dimension_numbers<[1], [0], [0], [1], [0, 0, 1, 1], [], []>, transpose_lhs_hint = false} : vector<1024x1536xbf16>, vector<1536x768xbf16>, vector<1024x768xf32> -> vector<1024x768xf32>
    %get3A_32 = arith.constant 0 : index
    %get3A_33 = vector.load %arg6[%get3A_32] : memref<768xf32, #tpu.memory_space<vmem>>, vector<768xf32>
    %broadcast_in_dim3A_34 = vector.shape_cast %get3A_33 : vector<768xf32> to vector<1x768xf32>
    %add3A_35 = vector.broadcast %broadcast_in_dim3A_34 : vector<1x768xf32> to vector<1024x768xf32>
    %add3A_36 = arith.addf %dot_general3A_31, %add3A_35 : vector<1024x768xf32>
    %mul3A_37 = arith.constant 5.000000e-01 : f32
    %mul3A_38 = vector.broadcast %mul3A_37 : f32 to vector<1024x768xf32>
    %mul3A_39 = arith.mulf %mul3A_38, %add3A_36 : vector<1024x768xf32>
    %tanh3A_40 = math.tanh %mul3A_39 : vector<1024x768xf32>
    %mul3A_41 = arith.constant 5.000000e-01 : f32
    %mul3A_42 = vector.broadcast %mul3A_41 : f32 to vector<1024x768xf32>
    %mul3A_43 = arith.mulf %mul3A_42, %tanh3A_40 : vector<1024x768xf32>
    %add3A_44 = arith.constant 5.000000e-01 : f32
    %add3A_45 = vector.broadcast %add3A_44 : f32 to vector<1024x768xf32>
    %add3A_46 = arith.addf %mul3A_43, %add3A_45 : vector<1024x768xf32>
    %convert_element_type3A_47 = arith.truncf %add3A_46 : vector<1024x768xf32> to vector<1024x768xbf16>
    %get3A_48 = arith.constant 0 : index
    %get3A_49 = arith.constant 0 : index
    %get3A_50 = vector.load %arg7[%get3A_48, %get3A_49] : memref<768x1xbf16, #tpu.memory_space<vmem>>, vector<768x1xbf16>
    %dot_general3A_51 = arith.constant dense<0.000000e+00> : vector<1024x1xf32>
    %dot_general3A_52 = tpu.matmul %convert_element_type3A_47, %get3A_50, %dot_general3A_51 {dimension_numbers = #tpu.dot_dimension_numbers<[1], [0], [0], [1], [0, 0, 1, 1], [], []>, transpose_lhs_hint = false} : vector<1024x768xbf16>, vector<768x1xbf16>, vector<1024x1xf32> -> vector<1024x1xf32>
    %get3A_53 = arith.constant 0 : index
    %get3A_54 = vector.load %arg8[%get3A_53] : memref<1xf32, #tpu.memory_space<vmem>>, vector<1xf32>
    %broadcast_in_dim3A_55 = vector.shape_cast %get3A_54 : vector<1xf32> to vector<1x1xf32>
    %add3A_56 = vector.broadcast %broadcast_in_dim3A_55 : vector<1x1xf32> to vector<1024x1xf32>
    %add3A_57 = arith.addf %dot_general3A_52, %add3A_56 : vector<1024x1xf32>
    %mul3A_58 = arith.constant 5.000000e-01 : f32
    %mul3A_59 = vector.broadcast %mul3A_58 : f32 to vector<1024x1xf32>
    %mul3A_60 = arith.mulf %mul3A_59, %add3A_57 : vector<1024x1xf32>
    %tanh3A_61 = math.tanh %mul3A_60 : vector<1024x1xf32>
    %mul3A_62 = arith.constant 5.000000e-01 : f32
    %mul3A_63 = vector.broadcast %mul3A_62 : f32 to vector<1024x1xf32>
    %mul3A_64 = arith.mulf %mul3A_63, %tanh3A_61 : vector<1024x1xf32>
    %add3A_65 = arith.constant 5.000000e-01 : f32
    %add3A_66 = vector.broadcast %add3A_65 : f32 to vector<1024x1xf32>
    %add3A_67 = arith.addf %mul3A_64, %add3A_66 : vector<1024x1xf32>
    %swap3A_68 = arith.constant 0 : index
    %swap3A_69 = arith.constant 0 : index
    %swap3A_70 = vector.load %arg12[%swap3A_68, %swap3A_69] : memref<1024x1xf32, #tpu.memory_space<vmem>>, vector<1024x1xf32>
    tpu.vector_store %arg12[%swap3A_68, %swap3A_69], %add3A_67 {strides = array<i32>} : memref<1024x1xf32, #tpu.memory_space<vmem>>, vector<1024x1xf32>,
    return
  }
  func.func @transform_0(%arg0: i32) -> (i32, i32) {
    %c0_i32 = arith.constant 0 : i32
    %c0_i32_0 = arith.constant 0 : i32
    return %arg0, %c0_i32 : i32, i32
  }
  func.func @transform_1(%arg0: i32) -> (i32, i32) {
    %c0_i32 = arith.constant 0 : i32
    %c0_i32_0 = arith.constant 0 : i32
    return %arg0, %c0_i32 : i32, i32
  }
  func.func @transform_2(%arg0: i32) -> (i32, i32) {
    %c0_i32 = arith.constant 0 : i32
    %c0_i32_0 = arith.constant 0 : i32
    %c0_i32_1 = arith.constant 0 : i32
    return %c0_i32, %c0_i32_0 : i32, i32
  }
  func.func @transform_3(%arg0: i32) -> i32 {
    %c0_i32 = arith.constant 0 : i32
    %c0_i32_0 = arith.constant 0 : i32
    return %c0_i32 : i32
  }
  func.func @transform_4(%arg0: i32) -> (i32, i32) {
    %c0_i32 = arith.constant 0 : i32
    %c0_i32_0 = arith.constant 0 : i32
    %c0_i32_1 = arith.constant 0 : i32
    return %c0_i32, %c0_i32_0 : i32, i32
  }
  func.func @transform_5(%arg0: i32) -> i32 {
    %c0_i32 = arith.constant 0 : i32
    %c0_i32_0 = arith.constant 0 : i32
    return %c0_i32 : i32
  }
  func.func @transform_6(%arg0: i32) -> (i32, i32) {
    %c0_i32 = arith.constant 0 : i32
    %c0_i32_0 = arith.constant 0 : i32
    %c0_i32_1 = arith.constant 0 : i32
    return %c0_i32, %c0_i32_0 : i32, i32
  }
  func.func @transform_7(%arg0: i32) -> i32 {
    %c0_i32 = arith.constant 0 : i32
    %c0_i32_0 = arith.constant 0 : i32
    return %c0_i32 : i32
  }
  func.func @transform_11(%arg0: i32) -> (i32, i32) {
    %add3A = arith.constant 2 : i32
    %add3A_0 = arith.addi %add3A, %arg0 : i32
    %c0_i32 = arith.constant 0 : i32
    %c0_i32_1 = arith.constant 0 : i32
    return %add3A_0, %c0_i32 : i32, i32
  }
  func.func @transform_12(%arg0: i32) -> (i32, i32) {
    %add3A = arith.constant 2 : i32
    %add3A_0 = arith.addi %add3A, %arg0 : i32
    %c0_i32 = arith.constant 0 : i32
    %c0_i32_1 = arith.constant 0 : i32
    return %add3A_0, %c0_i32 : i32, i32
  }
  func.func @transform_13(%arg0: i32) -> (i32, i32) {
    %add3A = arith.constant 2 : i32
    %add3A_0 = arith.addi %add3A, %arg0 : i32
    %c0_i32 = arith.constant 0 : i32
    %c0_i32_1 = arith.constant 0 : i32
    return %add3A_0, %c0_i32 : i32, i32
  }
}

module attributes {stable_mosaic.version = 14 : i64} {
  func.func @_cast_body(%arg0: i32, %arg1: memref<384x1536xf32, #tpu.memory_space<vmem>>, %arg2: memref<384x768xf32, #tpu.memory_space<vmem>>, %arg3: memref<192x1xf32, #tpu.memory_space<vmem>>, %arg4: memref<384x1536xbf16, #tpu.memory_space<vmem>>, %arg5: memref<384x768xbf16, #tpu.memory_space<vmem>>, %arg6: memref<192x1xbf16, #tpu.memory_space<vmem>>) attributes {dimension_semantics = [#tpu.dimension_semantics<arbitrary>], iteration_bounds = array<i64: 4>, scalar_prefetch = 0 : i64, scratch_operands = 0 : i64, tpu.core_type = #tpu.core_type<tc>, window_params = [{transform_indices = @transform_0, window_bounds = array<i64: 384, 1536>}, {transform_indices = @transform_1, window_bounds = array<i64: 384, 768>}, {transform_indices = @transform_2, window_bounds = array<i64: 192, 1>}, {transform_indices = @transform_3, window_bounds = array<i64: 384, 1536>}, {transform_indices = @transform_4, window_bounds = array<i64: 384, 768>}, {transform_indices = @transform_5, window_bounds = array<i64: 192, 1>}]} {
    %get3A = arith.constant 0 : index
    %get3A_0 = arith.constant 0 : index
    %get3A_1 = vector.load %arg1[%get3A, %get3A_0] : memref<384x1536xf32, #tpu.memory_space<vmem>>, vector<384x1536xf32>
    %convert_element_type3A = arith.truncf %get3A_1 : vector<384x1536xf32> to vector<384x1536xbf16>
    %swap3A = arith.constant 0 : index
    %swap3A_2 = arith.constant 0 : index
    %swap3A_3 = vector.load %arg4[%swap3A, %swap3A_2] : memref<384x1536xbf16, #tpu.memory_space<vmem>>, vector<384x1536xbf16>
    tpu.vector_store %arg4[%swap3A, %swap3A_2], %convert_element_type3A {strides = array<i32>} : memref<384x1536xbf16, #tpu.memory_space<vmem>>, vector<384x1536xbf16>,
    %get3A_4 = arith.constant 0 : index
    %get3A_5 = arith.constant 0 : index
    %get3A_6 = vector.load %arg2[%get3A_4, %get3A_5] : memref<384x768xf32, #tpu.memory_space<vmem>>, vector<384x768xf32>
    %convert_element_type3A_7 = arith.truncf %get3A_6 : vector<384x768xf32> to vector<384x768xbf16>
    %swap3A_8 = arith.constant 0 : index
    %swap3A_9 = arith.constant 0 : index
    %swap3A_10 = vector.load %arg5[%swap3A_8, %swap3A_9] : memref<384x768xbf16, #tpu.memory_space<vmem>>, vector<384x768xbf16>
    tpu.vector_store %arg5[%swap3A_8, %swap3A_9], %convert_element_type3A_7 {strides = array<i32>} : memref<384x768xbf16, #tpu.memory_space<vmem>>, vector<384x768xbf16>,
    %get3A_11 = arith.constant 0 : index
    %get3A_12 = arith.constant 0 : index
    %get3A_13 = vector.load %arg3[%get3A_11, %get3A_12] : memref<192x1xf32, #tpu.memory_space<vmem>>, vector<192x1xf32>
    %convert_element_type3A_14 = arith.truncf %get3A_13 : vector<192x1xf32> to vector<192x1xbf16>
    %swap3A_15 = arith.constant 0 : index
    %swap3A_16 = arith.constant 0 : index
    %swap3A_17 = vector.load %arg6[%swap3A_15, %swap3A_16] : memref<192x1xbf16, #tpu.memory_space<vmem>>, vector<192x1xbf16>
    tpu.vector_store %arg6[%swap3A_15, %swap3A_16], %convert_element_type3A_14 {strides = array<i32>} : memref<192x1xbf16, #tpu.memory_space<vmem>>, vector<192x1xbf16>,
    return
  }
  func.func @transform_0(%arg0: i32) -> (i32, i32) {
    %c0_i32 = arith.constant 0 : i32
    %c0_i32_0 = arith.constant 0 : i32
    return %arg0, %c0_i32 : i32, i32
  }
  func.func @transform_1(%arg0: i32) -> (i32, i32) {
    %c0_i32 = arith.constant 0 : i32
    %c0_i32_0 = arith.constant 0 : i32
    return %arg0, %c0_i32 : i32, i32
  }
  func.func @transform_2(%arg0: i32) -> (i32, i32) {
    %c0_i32 = arith.constant 0 : i32
    %c0_i32_0 = arith.constant 0 : i32
    return %arg0, %c0_i32 : i32, i32
  }
  func.func @transform_3(%arg0: i32) -> (i32, i32) {
    %c0_i32 = arith.constant 0 : i32
    %c0_i32_0 = arith.constant 0 : i32
    return %arg0, %c0_i32 : i32, i32
  }
  func.func @transform_4(%arg0: i32) -> (i32, i32) {
    %c0_i32 = arith.constant 0 : i32
    %c0_i32_0 = arith.constant 0 : i32
    return %arg0, %c0_i32 : i32, i32
  }
  func.func @transform_5(%arg0: i32) -> (i32, i32) {
    %c0_i32 = arith.constant 0 : i32
    %c0_i32_0 = arith.constant 0 : i32
    return %arg0, %c0_i32 : i32, i32
  }
}

module attributes {stable_mosaic.version = 14 : i64} {
  func.func @_mlp_impl(%arg0: i32, %arg1: memref<1024x768xf32, #tpu.memory_space<vmem>>, %arg2: memref<1024x768xf32, #tpu.memory_space<vmem>>, %arg3: memref<1536x1536xbf16, #tpu.memory_space<vmem>>, %arg4: memref<1536xf32, #tpu.memory_space<vmem>>, %arg5: memref<1536x768xbf16, #tpu.memory_space<vmem>>, %arg6: memref<768xf32, #tpu.memory_space<vmem>>, %arg7: memref<768x1xbf16, #tpu.memory_space<vmem>>, %arg8: memref<1xf32, #tpu.memory_space<vmem>>, %arg9: memref<1024x1xf32, #tpu.memory_space<vmem>>, %arg10: memref<1024x768xf32, #tpu.memory_space<vmem>>, %arg11: memref<1024x768xf32, #tpu.memory_space<vmem>>) attributes {dimension_semantics = [#tpu.dimension_semantics<arbitrary>], iteration_bounds = array<i64: 2>, scalar_prefetch = 0 : i64, scratch_operands = 0 : i64, tpu.core_type = #tpu.core_type<tc>, window_params = [{transform_indices = @transform_0, window_bounds = array<i64: 1024, 768>}, {transform_indices = @transform_1, window_bounds = array<i64: 1024, 768>}, {pipeline_mode = #tpu.pipeline_mode<synchronous>, transform_indices = @transform_2, window_bounds = array<i64: 1536, 1536>}, {pipeline_mode = #tpu.pipeline_mode<synchronous>, transform_indices = @transform_3, window_bounds = array<i64: 1536>}, {pipeline_mode = #tpu.pipeline_mode<synchronous>, transform_indices = @transform_4, window_bounds = array<i64: 1536, 768>}, {pipeline_mode = #tpu.pipeline_mode<synchronous>, transform_indices = @transform_5, window_bounds = array<i64: 768>}, {pipeline_mode = #tpu.pipeline_mode<synchronous>, transform_indices = @transform_6, window_bounds = array<i64: 768, 1>}, {pipeline_mode = #tpu.pipeline_mode<synchronous>, transform_indices = @transform_7, window_bounds = array<i64: 1>}, {transform_indices = @transform_8, window_bounds = array<i64: 1024, 1>}, {transform_indices = @transform_9, window_bounds = array<i64: 1024, 768>}, {transform_indices = @transform_10, window_bounds = array<i64: 1024, 768>}]} {
    %get3A = arith.constant 0 : index
    %get3A_0 = arith.constant 0 : index
    %get3A_1 = vector.load %arg1[%get3A, %get3A_0] : memref<1024x768xf32, #tpu.memory_space<vmem>>, vector<1024x768xf32>
    %get3A_2 = arith.constant 0 : index
    %get3A_3 = arith.constant 0 : index
    %get3A_4 = vector.load %arg2[%get3A_2, %get3A_3] : memref<1024x768xf32, #tpu.memory_space<vmem>>, vector<1024x768xf32>
    %swap3A = arith.constant 0 : index
    %swap3A_5 = arith.constant 0 : index
    %swap3A_6 = vector.load %arg10[%swap3A, %swap3A_5] : memref<1024x768xf32, #tpu.memory_space<vmem>>, vector<1024x768xf32>
    tpu.vector_store %arg10[%swap3A, %swap3A_5], %get3A_1 {strides = array<i32>} : memref<1024x768xf32, #tpu.memory_space<vmem>>, vector<1024x768xf32>,
    %swap3A_7 = arith.constant 0 : index
    %swap3A_8 = arith.constant 0 : index
    %swap3A_9 = vector.load %arg11[%swap3A_7, %swap3A_8] : memref<1024x768xf32, #tpu.memory_space<vmem>>, vector<1024x768xf32>
    tpu.vector_store %arg11[%swap3A_7, %swap3A_8], %get3A_4 {strides = array<i32>} : memref<1024x768xf32, #tpu.memory_space<vmem>>, vector<1024x768xf32>,
    %convert_element_type3A = arith.truncf %get3A_1 : vector<1024x768xf32> to vector<1024x768xbf16>
    %convert_element_type3A_10 = arith.truncf %get3A_4 : vector<1024x768xf32> to vector<1024x768xbf16>
    %concatenate3A = tpu.concatenate %convert_element_type3A, %convert_element_type3A_10 in 1 : vector<1024x768xbf16>, vector<1024x768xbf16> -> vector<1024x1536xbf16>
    %get3A_11 = arith.constant 0 : index
    %get3A_12 = arith.constant 0 : index
    %get3A_13 = vector.load %arg3[%get3A_11, %get3A_12] : memref<1536x1536xbf16, #tpu.memory_space<vmem>>, vector<1536x1536xbf16>
    %dot_general3A = arith.constant dense<0.000000e+00> : vector<1024x1536xf32>
    %dot_general3A_14 = tpu.matmul %concatenate3A, %get3A_13, %dot_general3A {dimension_numbers = #tpu.dot_dimension_numbers<[1], [0], [0], [1], [0, 0, 1, 1], [], []>, transpose_lhs_hint = false} : vector<1024x1536xbf16>, vector<1536x1536xbf16>, vector<1024x1536xf32> -> vector<1024x1536xf32>
    %get3A_15 = arith.constant 0 : index
    %get3A_16 = vector.load %arg4[%get3A_15] : memref<1536xf32, #tpu.memory_space<vmem>>, vector<1536xf32>
    %broadcast_in_dim3A = vector.shape_cast %get3A_16 : vector<1536xf32> to vector<1x1536xf32>
    %add3A = vector.broadcast %broadcast_in_dim3A : vector<1x1536xf32> to vector<1024x1536xf32>
    %add3A_17 = arith.addf %dot_general3A_14, %add3A : vector<1024x1536xf32>
    %mul3A = arith.constant 5.000000e-01 : f32
    %mul3A_18 = vector.broadcast %mul3A : f32 to vector<1024x1536xf32>
    %mul3A_19 = arith.mulf %mul3A_18, %add3A_17 : vector<1024x1536xf32>
    %tanh3A = math.tanh %mul3A_19 : vector<1024x1536xf32>
    %mul3A_20 = arith.constant 5.000000e-01 : f32
    %mul3A_21 = vector.broadcast %mul3A_20 : f32 to vector<1024x1536xf32>
    %mul3A_22 = arith.mulf %mul3A_21, %tanh3A : vector<1024x1536xf32>
    %add3A_23 = arith.constant 5.000000e-01 : f32
    %add3A_24 = vector.broadcast %add3A_23 : f32 to vector<1024x1536xf32>
    %add3A_25 = arith.addf %mul3A_22, %add3A_24 : vector<1024x1536xf32>
    %convert_element_type3A_26 = arith.truncf %add3A_25 : vector<1024x1536xf32> to vector<1024x1536xbf16>
    %get3A_27 = arith.constant 0 : index
    %get3A_28 = arith.constant 0 : index
    %get3A_29 = vector.load %arg5[%get3A_27, %get3A_28] : memref<1536x768xbf16, #tpu.memory_space<vmem>>, vector<1536x768xbf16>
    %dot_general3A_30 = arith.constant dense<0.000000e+00> : vector<1024x768xf32>
    %dot_general3A_31 = tpu.matmul %convert_element_type3A_26, %get3A_29, %dot_general3A_30 {dimension_numbers = #tpu.dot_dimension_numbers<[1], [0], [0], [1], [0, 0, 1, 1], [], []>, transpose_lhs_hint = false} : vector<1024x1536xbf16>, vector<1536x768xbf16>, vector<1024x768xf32> -> vector<1024x768xf32>
    %get3A_32 = arith.constant 0 : index
    %get3A_33 = vector.load %arg6[%get3A_32] : memref<768xf32, #tpu.memory_space<vmem>>, vector<768xf32>
    %broadcast_in_dim3A_34 = vector.shape_cast %get3A_33 : vector<768xf32> to vector<1x768xf32>
    %add3A_35 = vector.broadcast %broadcast_in_dim3A_34 : vector<1x768xf32> to vector<1024x768xf32>
    %add3A_36 = arith.addf %dot_general3A_31, %add3A_35 : vector<1024x768xf32>
    %mul3A_37 = arith.constant 5.000000e-01 : f32
    %mul3A_38 = vector.broadcast %mul3A_37 : f32 to vector<1024x768xf32>
    %mul3A_39 = arith.mulf %mul3A_38, %add3A_36 : vector<1024x768xf32>
    %tanh3A_40 = math.tanh %mul3A_39 : vector<1024x768xf32>
    %mul3A_41 = arith.constant 5.000000e-01 : f32
    %mul3A_42 = vector.broadcast %mul3A_41 : f32 to vector<1024x768xf32>
    %mul3A_43 = arith.mulf %mul3A_42, %tanh3A_40 : vector<1024x768xf32>
    %add3A_44 = arith.constant 5.000000e-01 : f32
    %add3A_45 = vector.broadcast %add3A_44 : f32 to vector<1024x768xf32>
    %add3A_46 = arith.addf %mul3A_43, %add3A_45 : vector<1024x768xf32>
    %convert_element_type3A_47 = arith.truncf %add3A_46 : vector<1024x768xf32> to vector<1024x768xbf16>
    %get3A_48 = arith.constant 0 : index
    %get3A_49 = arith.constant 0 : index
    %get3A_50 = vector.load %arg7[%get3A_48, %get3A_49] : memref<768x1xbf16, #tpu.memory_space<vmem>>, vector<768x1xbf16>
    %dot_general3A_51 = arith.constant dense<0.000000e+00> : vector<1024x1xf32>
    %dot_general3A_52 = tpu.matmul %convert_element_type3A_47, %get3A_50, %dot_general3A_51 {dimension_numbers = #tpu.dot_dimension_numbers<[1], [0], [0], [1], [0, 0, 1, 1], [], []>, transpose_lhs_hint = false} : vector<1024x768xbf16>, vector<768x1xbf16>, vector<1024x1xf32> -> vector<1024x1xf32>
    %get3A_53 = arith.constant 0 : index
    %get3A_54 = vector.load %arg8[%get3A_53] : memref<1xf32, #tpu.memory_space<vmem>>, vector<1xf32>
    %broadcast_in_dim3A_55 = vector.shape_cast %get3A_54 : vector<1xf32> to vector<1x1xf32>
    %add3A_56 = vector.broadcast %broadcast_in_dim3A_55 : vector<1x1xf32> to vector<1024x1xf32>
    %add3A_57 = arith.addf %dot_general3A_52, %add3A_56 : vector<1024x1xf32>
    %mul3A_58 = arith.constant 5.000000e-01 : f32
    %mul3A_59 = vector.broadcast %mul3A_58 : f32 to vector<1024x1xf32>
    %mul3A_60 = arith.mulf %mul3A_59, %add3A_57 : vector<1024x1xf32>
    %tanh3A_61 = math.tanh %mul3A_60 : vector<1024x1xf32>
    %mul3A_62 = arith.constant 5.000000e-01 : f32
    %mul3A_63 = vector.broadcast %mul3A_62 : f32 to vector<1024x1xf32>
    %mul3A_64 = arith.mulf %mul3A_63, %tanh3A_61 : vector<1024x1xf32>
    %add3A_65 = arith.constant 5.000000e-01 : f32
    %add3A_66 = vector.broadcast %add3A_65 : f32 to vector<1024x1xf32>
    %add3A_67 = arith.addf %mul3A_64, %add3A_66 : vector<1024x1xf32>
    %swap3A_68 = arith.constant 0 : index
    %swap3A_69 = arith.constant 0 : index
    %swap3A_70 = vector.load %arg9[%swap3A_68, %swap3A_69] : memref<1024x1xf32, #tpu.memory_space<vmem>>, vector<1024x1xf32>
    tpu.vector_store %arg9[%swap3A_68, %swap3A_69], %add3A_67 {strides = array<i32>} : memref<1024x1xf32, #tpu.memory_space<vmem>>, vector<1024x1xf32>,
    return
  }
  func.func @transform_0(%arg0: i32) -> (i32, i32) {
    %c0_i32 = arith.constant 0 : i32
    %c0_i32_0 = arith.constant 0 : i32
    return %arg0, %c0_i32 : i32, i32
  }
  func.func @transform_1(%arg0: i32) -> (i32, i32) {
    %c0_i32 = arith.constant 0 : i32
    %c0_i32_0 = arith.constant 0 : i32
    return %arg0, %c0_i32 : i32, i32
  }
  func.func @transform_2(%arg0: i32) -> (i32, i32) {
    %c0_i32 = arith.constant 0 : i32
    %c0_i32_0 = arith.constant 0 : i32
    %c0_i32_1 = arith.constant 0 : i32
    return %c0_i32, %c0_i32_0 : i32, i32
  }
  func.func @transform_3(%arg0: i32) -> i32 {
    %c0_i32 = arith.constant 0 : i32
    %c0_i32_0 = arith.constant 0 : i32
    return %c0_i32 : i32
  }
  func.func @transform_4(%arg0: i32) -> (i32, i32) {
    %c0_i32 = arith.constant 0 : i32
    %c0_i32_0 = arith.constant 0 : i32
    %c0_i32_1 = arith.constant 0 : i32
    return %c0_i32, %c0_i32_0 : i32, i32
  }
  func.func @transform_5(%arg0: i32) -> i32 {
    %c0_i32 = arith.constant 0 : i32
    %c0_i32_0 = arith.constant 0 : i32
    return %c0_i32 : i32
  }
  func.func @transform_6(%arg0: i32) -> (i32, i32) {
    %c0_i32 = arith.constant 0 : i32
    %c0_i32_0 = arith.constant 0 : i32
    %c0_i32_1 = arith.constant 0 : i32
    return %c0_i32, %c0_i32_0 : i32, i32
  }
  func.func @transform_7(%arg0: i32) -> i32 {
    %c0_i32 = arith.constant 0 : i32
    %c0_i32_0 = arith.constant 0 : i32
    return %c0_i32 : i32
  }
  func.func @transform_8(%arg0: i32) -> (i32, i32) {
    %add3A = arith.constant 0 : i32
    %add3A_0 = arith.addi %add3A, %arg0 : i32
    %c0_i32 = arith.constant 0 : i32
    %c0_i32_1 = arith.constant 0 : i32
    return %add3A_0, %c0_i32 : i32, i32
  }
  func.func @transform_9(%arg0: i32) -> (i32, i32) {
    %add3A = arith.constant 0 : i32
    %add3A_0 = arith.addi %add3A, %arg0 : i32
    %c0_i32 = arith.constant 0 : i32
    %c0_i32_1 = arith.constant 0 : i32
    return %add3A_0, %c0_i32 : i32, i32
  }
  func.func @transform_10(%arg0: i32) -> (i32, i32) {
    %add3A = arith.constant 0 : i32
    %add3A_0 = arith.addi %add3A, %arg0 : i32
    %c0_i32 = arith.constant 0 : i32
    %c0_i32_1 = arith.constant 0 : i32
    return %add3A_0, %c0_i32 : i32, i32
  }
}

module attributes {stable_mosaic.version = 14 : i64} {
  func.func @_mlp_body_aliased(%arg0: i32, %arg1: memref<1024x768xf32, #tpu.memory_space<vmem>>, %arg2: memref<1024x768xf32, #tpu.memory_space<vmem>>, %arg3: memref<1536x1536xbf16, #tpu.memory_space<vmem>>, %arg4: memref<1536xf32, #tpu.memory_space<vmem>>, %arg5: memref<1536x768xbf16, #tpu.memory_space<vmem>>, %arg6: memref<768xf32, #tpu.memory_space<vmem>>, %arg7: memref<768x1xbf16, #tpu.memory_space<vmem>>, %arg8: memref<1xf32, #tpu.memory_space<vmem>>, %arg9: memref<16384x1xf32, #tpu.memory_space<any>>, %arg10: memref<16384x768xf32, #tpu.memory_space<any>>, %arg11: memref<16384x768xf32, #tpu.memory_space<any>>, %arg12: memref<1024x1xf32, #tpu.memory_space<vmem>>, %arg13: memref<1024x768xf32, #tpu.memory_space<vmem>>, %arg14: memref<1024x768xf32, #tpu.memory_space<vmem>>) attributes {dimension_semantics = [#tpu.dimension_semantics<arbitrary>], iteration_bounds = array<i64: 5>, scalar_prefetch = 0 : i64, scratch_operands = 0 : i64, tpu.core_type = #tpu.core_type<tc>, window_params = [{transform_indices = @transform_0, window_bounds = array<i64: 1024, 768>}, {transform_indices = @transform_1, window_bounds = array<i64: 1024, 768>}, {pipeline_mode = #tpu.pipeline_mode<synchronous>, transform_indices = @transform_2, window_bounds = array<i64: 1536, 1536>}, {pipeline_mode = #tpu.pipeline_mode<synchronous>, transform_indices = @transform_3, window_bounds = array<i64: 1536>}, {pipeline_mode = #tpu.pipeline_mode<synchronous>, transform_indices = @transform_4, window_bounds = array<i64: 1536, 768>}, {pipeline_mode = #tpu.pipeline_mode<synchronous>, transform_indices = @transform_5, window_bounds = array<i64: 768>}, {pipeline_mode = #tpu.pipeline_mode<synchronous>, transform_indices = @transform_6, window_bounds = array<i64: 768, 1>}, {pipeline_mode = #tpu.pipeline_mode<synchronous>, transform_indices = @transform_7, window_bounds = array<i64: 1>}, {}, {}, {}, {transform_indices = @transform_11, window_bounds = array<i64: 1024, 1>}, {transform_indices = @transform_12, window_bounds = array<i64: 1024, 768>}, {transform_indices = @transform_13, window_bounds = array<i64: 1024, 768>}]} {
    %get3A = arith.constant 0 : index
    %get3A_0 = arith.constant 0 : index
    %get3A_1 = vector.load %arg1[%get3A, %get3A_0] : memref<1024x768xf32, #tpu.memory_space<vmem>>, vector<1024x768xf32>
    %get3A_2 = arith.constant 0 : index
    %get3A_3 = arith.constant 0 : index
    %get3A_4 = vector.load %arg2[%get3A_2, %get3A_3] : memref<1024x768xf32, #tpu.memory_space<vmem>>, vector<1024x768xf32>
    %swap3A = arith.constant 0 : index
    %swap3A_5 = arith.constant 0 : index
    %swap3A_6 = vector.load %arg13[%swap3A, %swap3A_5] : memref<1024x768xf32, #tpu.memory_space<vmem>>, vector<1024x768xf32>
    tpu.vector_store %arg13[%swap3A, %swap3A_5], %get3A_1 {strides = array<i32>} : memref<1024x768xf32, #tpu.memory_space<vmem>>, vector<1024x768xf32>,
    %swap3A_7 = arith.constant 0 : index
    %swap3A_8 = arith.constant 0 : index
    %swap3A_9 = vector.load %arg14[%swap3A_7, %swap3A_8] : memref<1024x768xf32, #tpu.memory_space<vmem>>, vector<1024x768xf32>
    tpu.vector_store %arg14[%swap3A_7, %swap3A_8], %get3A_4 {strides = array<i32>} : memref<1024x768xf32, #tpu.memory_space<vmem>>, vector<1024x768xf32>,
    %convert_element_type3A = arith.truncf %get3A_1 : vector<1024x768xf32> to vector<1024x768xbf16>
    %convert_element_type3A_10 = arith.truncf %get3A_4 : vector<1024x768xf32> to vector<1024x768xbf16>
    %concatenate3A = tpu.concatenate %convert_element_type3A, %convert_element_type3A_10 in 1 : vector<1024x768xbf16>, vector<1024x768xbf16> -> vector<1024x1536xbf16>
    %get3A_11 = arith.constant 0 : index
    %get3A_12 = arith.constant 0 : index
    %get3A_13 = vector.load %arg3[%get3A_11, %get3A_12] : memref<1536x1536xbf16, #tpu.memory_space<vmem>>, vector<1536x1536xbf16>
    %dot_general3A = arith.constant dense<0.000000e+00> : vector<1024x1536xf32>
    %dot_general3A_14 = tpu.matmul %concatenate3A, %get3A_13, %dot_general3A {dimension_numbers = #tpu.dot_dimension_numbers<[1], [0], [0], [1], [0, 0, 1, 1], [], []>, transpose_lhs_hint = false} : vector<1024x1536xbf16>, vector<1536x1536xbf16>, vector<1024x1536xf32> -> vector<1024x1536xf32>
    %get3A_15 = arith.constant 0 : index
    %get3A_16 = vector.load %arg4[%get3A_15] : memref<1536xf32, #tpu.memory_space<vmem>>, vector<1536xf32>
    %broadcast_in_dim3A = vector.shape_cast %get3A_16 : vector<1536xf32> to vector<1x1536xf32>
    %add3A = vector.broadcast %broadcast_in_dim3A : vector<1x1536xf32> to vector<1024x1536xf32>
    %add3A_17 = arith.addf %dot_general3A_14, %add3A : vector<1024x1536xf32>
    %mul3A = arith.constant 5.000000e-01 : f32
    %mul3A_18 = vector.broadcast %mul3A : f32 to vector<1024x1536xf32>
    %mul3A_19 = arith.mulf %mul3A_18, %add3A_17 : vector<1024x1536xf32>
    %tanh3A = math.tanh %mul3A_19 : vector<1024x1536xf32>
    %mul3A_20 = arith.constant 5.000000e-01 : f32
    %mul3A_21 = vector.broadcast %mul3A_20 : f32 to vector<1024x1536xf32>
    %mul3A_22 = arith.mulf %mul3A_21, %tanh3A : vector<1024x1536xf32>
    %add3A_23 = arith.constant 5.000000e-01 : f32
    %add3A_24 = vector.broadcast %add3A_23 : f32 to vector<1024x1536xf32>
    %add3A_25 = arith.addf %mul3A_22, %add3A_24 : vector<1024x1536xf32>
    %convert_element_type3A_26 = arith.truncf %add3A_25 : vector<1024x1536xf32> to vector<1024x1536xbf16>
    %get3A_27 = arith.constant 0 : index
    %get3A_28 = arith.constant 0 : index
    %get3A_29 = vector.load %arg5[%get3A_27, %get3A_28] : memref<1536x768xbf16, #tpu.memory_space<vmem>>, vector<1536x768xbf16>
    %dot_general3A_30 = arith.constant dense<0.000000e+00> : vector<1024x768xf32>
    %dot_general3A_31 = tpu.matmul %convert_element_type3A_26, %get3A_29, %dot_general3A_30 {dimension_numbers = #tpu.dot_dimension_numbers<[1], [0], [0], [1], [0, 0, 1, 1], [], []>, transpose_lhs_hint = false} : vector<1024x1536xbf16>, vector<1536x768xbf16>, vector<1024x768xf32> -> vector<1024x768xf32>
    %get3A_32 = arith.constant 0 : index
    %get3A_33 = vector.load %arg6[%get3A_32] : memref<768xf32, #tpu.memory_space<vmem>>, vector<768xf32>
    %broadcast_in_dim3A_34 = vector.shape_cast %get3A_33 : vector<768xf32> to vector<1x768xf32>
    %add3A_35 = vector.broadcast %broadcast_in_dim3A_34 : vector<1x768xf32> to vector<1024x768xf32>
    %add3A_36 = arith.addf %dot_general3A_31, %add3A_35 : vector<1024x768xf32>
    %mul3A_37 = arith.constant 5.000000e-01 : f32
    %mul3A_38 = vector.broadcast %mul3A_37 : f32 to vector<1024x768xf32>
    %mul3A_39 = arith.mulf %mul3A_38, %add3A_36 : vector<1024x768xf32>
    %tanh3A_40 = math.tanh %mul3A_39 : vector<1024x768xf32>
    %mul3A_41 = arith.constant 5.000000e-01 : f32
    %mul3A_42 = vector.broadcast %mul3A_41 : f32 to vector<1024x768xf32>
    %mul3A_43 = arith.mulf %mul3A_42, %tanh3A_40 : vector<1024x768xf32>
    %add3A_44 = arith.constant 5.000000e-01 : f32
    %add3A_45 = vector.broadcast %add3A_44 : f32 to vector<1024x768xf32>
    %add3A_46 = arith.addf %mul3A_43, %add3A_45 : vector<1024x768xf32>
    %convert_element_type3A_47 = arith.truncf %add3A_46 : vector<1024x768xf32> to vector<1024x768xbf16>
    %get3A_48 = arith.constant 0 : index
    %get3A_49 = arith.constant 0 : index
    %get3A_50 = vector.load %arg7[%get3A_48, %get3A_49] : memref<768x1xbf16, #tpu.memory_space<vmem>>, vector<768x1xbf16>
    %dot_general3A_51 = arith.constant dense<0.000000e+00> : vector<1024x1xf32>
    %dot_general3A_52 = tpu.matmul %convert_element_type3A_47, %get3A_50, %dot_general3A_51 {dimension_numbers = #tpu.dot_dimension_numbers<[1], [0], [0], [1], [0, 0, 1, 1], [], []>, transpose_lhs_hint = false} : vector<1024x768xbf16>, vector<768x1xbf16>, vector<1024x1xf32> -> vector<1024x1xf32>
    %get3A_53 = arith.constant 0 : index
    %get3A_54 = vector.load %arg8[%get3A_53] : memref<1xf32, #tpu.memory_space<vmem>>, vector<1xf32>
    %broadcast_in_dim3A_55 = vector.shape_cast %get3A_54 : vector<1xf32> to vector<1x1xf32>
    %add3A_56 = vector.broadcast %broadcast_in_dim3A_55 : vector<1x1xf32> to vector<1024x1xf32>
    %add3A_57 = arith.addf %dot_general3A_52, %add3A_56 : vector<1024x1xf32>
    %mul3A_58 = arith.constant 5.000000e-01 : f32
    %mul3A_59 = vector.broadcast %mul3A_58 : f32 to vector<1024x1xf32>
    %mul3A_60 = arith.mulf %mul3A_59, %add3A_57 : vector<1024x1xf32>
    %tanh3A_61 = math.tanh %mul3A_60 : vector<1024x1xf32>
    %mul3A_62 = arith.constant 5.000000e-01 : f32
    %mul3A_63 = vector.broadcast %mul3A_62 : f32 to vector<1024x1xf32>
    %mul3A_64 = arith.mulf %mul3A_63, %tanh3A_61 : vector<1024x1xf32>
    %add3A_65 = arith.constant 5.000000e-01 : f32
    %add3A_66 = vector.broadcast %add3A_65 : f32 to vector<1024x1xf32>
    %add3A_67 = arith.addf %mul3A_64, %add3A_66 : vector<1024x1xf32>
    %swap3A_68 = arith.constant 0 : index
    %swap3A_69 = arith.constant 0 : index
    %swap3A_70 = vector.load %arg12[%swap3A_68, %swap3A_69] : memref<1024x1xf32, #tpu.memory_space<vmem>>, vector<1024x1xf32>
    tpu.vector_store %arg12[%swap3A_68, %swap3A_69], %add3A_67 {strides = array<i32>} : memref<1024x1xf32, #tpu.memory_space<vmem>>, vector<1024x1xf32>,
    return
  }
  func.func @transform_0(%arg0: i32) -> (i32, i32) {
    %c0_i32 = arith.constant 0 : i32
    %c0_i32_0 = arith.constant 0 : i32
    return %arg0, %c0_i32 : i32, i32
  }
  func.func @transform_1(%arg0: i32) -> (i32, i32) {
    %c0_i32 = arith.constant 0 : i32
    %c0_i32_0 = arith.constant 0 : i32
    return %arg0, %c0_i32 : i32, i32
  }
  func.func @transform_2(%arg0: i32) -> (i32, i32) {
    %c0_i32 = arith.constant 0 : i32
    %c0_i32_0 = arith.constant 0 : i32
    %c0_i32_1 = arith.constant 0 : i32
    return %c0_i32, %c0_i32_0 : i32, i32
  }
  func.func @transform_3(%arg0: i32) -> i32 {
    %c0_i32 = arith.constant 0 : i32
    %c0_i32_0 = arith.constant 0 : i32
    return %c0_i32 : i32
  }
  func.func @transform_4(%arg0: i32) -> (i32, i32) {
    %c0_i32 = arith.constant 0 : i32
    %c0_i32_0 = arith.constant 0 : i32
    %c0_i32_1 = arith.constant 0 : i32
    return %c0_i32, %c0_i32_0 : i32, i32
  }
  func.func @transform_5(%arg0: i32) -> i32 {
    %c0_i32 = arith.constant 0 : i32
    %c0_i32_0 = arith.constant 0 : i32
    return %c0_i32 : i32
  }
  func.func @transform_6(%arg0: i32) -> (i32, i32) {
    %c0_i32 = arith.constant 0 : i32
    %c0_i32_0 = arith.constant 0 : i32
    %c0_i32_1 = arith.constant 0 : i32
    return %c0_i32, %c0_i32_0 : i32, i32
  }
  func.func @transform_7(%arg0: i32) -> i32 {
    %c0_i32 = arith.constant 0 : i32
    %c0_i32_0 = arith.constant 0 : i32
    return %c0_i32 : i32
  }
  func.func @transform_11(%arg0: i32) -> (i32, i32) {
    %add3A = arith.constant 6 : i32
    %add3A_0 = arith.addi %add3A, %arg0 : i32
    %c0_i32 = arith.constant 0 : i32
    %c0_i32_1 = arith.constant 0 : i32
    return %add3A_0, %c0_i32 : i32, i32
  }
  func.func @transform_12(%arg0: i32) -> (i32, i32) {
    %add3A = arith.constant 6 : i32
    %add3A_0 = arith.addi %add3A, %arg0 : i32
    %c0_i32 = arith.constant 0 : i32
    %c0_i32_1 = arith.constant 0 : i32
    return %add3A_0, %c0_i32 : i32, i32
  }
  func.func @transform_13(%arg0: i32) -> (i32, i32) {
    %add3A = arith.constant 6 : i32
    %add3A_0 = arith.addi %add3A, %arg0 : i32
    %c0_i32 = arith.constant 0 : i32
    %c0_i32_1 = arith.constant 0 : i32
    return %add3A_0, %c0_i32 : i32, i32
  }
}

module attributes {stable_mosaic.version = 14 : i64} {
  func.func @_mlp_body_aliased(%arg0: i32, %arg1: memref<1024x768xf32, #tpu.memory_space<vmem>>, %arg2: memref<1024x768xf32, #tpu.memory_space<vmem>>, %arg3: memref<1536x1536xbf16, #tpu.memory_space<vmem>>, %arg4: memref<1536xf32, #tpu.memory_space<vmem>>, %arg5: memref<1536x768xbf16, #tpu.memory_space<vmem>>, %arg6: memref<768xf32, #tpu.memory_space<vmem>>, %arg7: memref<768x1xbf16, #tpu.memory_space<vmem>>, %arg8: memref<1xf32, #tpu.memory_space<vmem>>, %arg9: memref<16384x1xf32, #tpu.memory_space<any>>, %arg10: memref<16384x768xf32, #tpu.memory_space<any>>, %arg11: memref<16384x768xf32, #tpu.memory_space<any>>, %arg12: memref<1024x1xf32, #tpu.memory_space<vmem>>, %arg13: memref<1024x768xf32, #tpu.memory_space<vmem>>, %arg14: memref<1024x768xf32, #tpu.memory_space<vmem>>) attributes {dimension_semantics = [#tpu.dimension_semantics<arbitrary>], iteration_bounds = array<i64: 5>, scalar_prefetch = 0 : i64, scratch_operands = 0 : i64, tpu.core_type = #tpu.core_type<tc>, window_params = [{transform_indices = @transform_0, window_bounds = array<i64: 1024, 768>}, {transform_indices = @transform_1, window_bounds = array<i64: 1024, 768>}, {pipeline_mode = #tpu.pipeline_mode<synchronous>, transform_indices = @transform_2, window_bounds = array<i64: 1536, 1536>}, {pipeline_mode = #tpu.pipeline_mode<synchronous>, transform_indices = @transform_3, window_bounds = array<i64: 1536>}, {pipeline_mode = #tpu.pipeline_mode<synchronous>, transform_indices = @transform_4, window_bounds = array<i64: 1536, 768>}, {pipeline_mode = #tpu.pipeline_mode<synchronous>, transform_indices = @transform_5, window_bounds = array<i64: 768>}, {pipeline_mode = #tpu.pipeline_mode<synchronous>, transform_indices = @transform_6, window_bounds = array<i64: 768, 1>}, {pipeline_mode = #tpu.pipeline_mode<synchronous>, transform_indices = @transform_7, window_bounds = array<i64: 1>}, {}, {}, {}, {transform_indices = @transform_11, window_bounds = array<i64: 1024, 1>}, {transform_indices = @transform_12, window_bounds = array<i64: 1024, 768>}, {transform_indices = @transform_13, window_bounds = array<i64: 1024, 768>}]} {
    %get3A = arith.constant 0 : index
    %get3A_0 = arith.constant 0 : index
    %get3A_1 = vector.load %arg1[%get3A, %get3A_0] : memref<1024x768xf32, #tpu.memory_space<vmem>>, vector<1024x768xf32>
    %get3A_2 = arith.constant 0 : index
    %get3A_3 = arith.constant 0 : index
    %get3A_4 = vector.load %arg2[%get3A_2, %get3A_3] : memref<1024x768xf32, #tpu.memory_space<vmem>>, vector<1024x768xf32>
    %swap3A = arith.constant 0 : index
    %swap3A_5 = arith.constant 0 : index
    %swap3A_6 = vector.load %arg13[%swap3A, %swap3A_5] : memref<1024x768xf32, #tpu.memory_space<vmem>>, vector<1024x768xf32>
    tpu.vector_store %arg13[%swap3A, %swap3A_5], %get3A_1 {strides = array<i32>} : memref<1024x768xf32, #tpu.memory_space<vmem>>, vector<1024x768xf32>,
    %swap3A_7 = arith.constant 0 : index
    %swap3A_8 = arith.constant 0 : index
    %swap3A_9 = vector.load %arg14[%swap3A_7, %swap3A_8] : memref<1024x768xf32, #tpu.memory_space<vmem>>, vector<1024x768xf32>
    tpu.vector_store %arg14[%swap3A_7, %swap3A_8], %get3A_4 {strides = array<i32>} : memref<1024x768xf32, #tpu.memory_space<vmem>>, vector<1024x768xf32>,
    %convert_element_type3A = arith.truncf %get3A_1 : vector<1024x768xf32> to vector<1024x768xbf16>
    %convert_element_type3A_10 = arith.truncf %get3A_4 : vector<1024x768xf32> to vector<1024x768xbf16>
    %concatenate3A = tpu.concatenate %convert_element_type3A, %convert_element_type3A_10 in 1 : vector<1024x768xbf16>, vector<1024x768xbf16> -> vector<1024x1536xbf16>
    %get3A_11 = arith.constant 0 : index
    %get3A_12 = arith.constant 0 : index
    %get3A_13 = vector.load %arg3[%get3A_11, %get3A_12] : memref<1536x1536xbf16, #tpu.memory_space<vmem>>, vector<1536x1536xbf16>
    %dot_general3A = arith.constant dense<0.000000e+00> : vector<1024x1536xf32>
    %dot_general3A_14 = tpu.matmul %concatenate3A, %get3A_13, %dot_general3A {dimension_numbers = #tpu.dot_dimension_numbers<[1], [0], [0], [1], [0, 0, 1, 1], [], []>, transpose_lhs_hint = false} : vector<1024x1536xbf16>, vector<1536x1536xbf16>, vector<1024x1536xf32> -> vector<1024x1536xf32>
    %get3A_15 = arith.constant 0 : index
    %get3A_16 = vector.load %arg4[%get3A_15] : memref<1536xf32, #tpu.memory_space<vmem>>, vector<1536xf32>
    %broadcast_in_dim3A = vector.shape_cast %get3A_16 : vector<1536xf32> to vector<1x1536xf32>
    %add3A = vector.broadcast %broadcast_in_dim3A : vector<1x1536xf32> to vector<1024x1536xf32>
    %add3A_17 = arith.addf %dot_general3A_14, %add3A : vector<1024x1536xf32>
    %mul3A = arith.constant 5.000000e-01 : f32
    %mul3A_18 = vector.broadcast %mul3A : f32 to vector<1024x1536xf32>
    %mul3A_19 = arith.mulf %mul3A_18, %add3A_17 : vector<1024x1536xf32>
    %tanh3A = math.tanh %mul3A_19 : vector<1024x1536xf32>
    %mul3A_20 = arith.constant 5.000000e-01 : f32
    %mul3A_21 = vector.broadcast %mul3A_20 : f32 to vector<1024x1536xf32>
    %mul3A_22 = arith.mulf %mul3A_21, %tanh3A : vector<1024x1536xf32>
    %add3A_23 = arith.constant 5.000000e-01 : f32
    %add3A_24 = vector.broadcast %add3A_23 : f32 to vector<1024x1536xf32>
    %add3A_25 = arith.addf %mul3A_22, %add3A_24 : vector<1024x1536xf32>
    %convert_element_type3A_26 = arith.truncf %add3A_25 : vector<1024x1536xf32> to vector<1024x1536xbf16>
    %get3A_27 = arith.constant 0 : index
    %get3A_28 = arith.constant 0 : index
    %get3A_29 = vector.load %arg5[%get3A_27, %get3A_28] : memref<1536x768xbf16, #tpu.memory_space<vmem>>, vector<1536x768xbf16>
    %dot_general3A_30 = arith.constant dense<0.000000e+00> : vector<1024x768xf32>
    %dot_general3A_31 = tpu.matmul %convert_element_type3A_26, %get3A_29, %dot_general3A_30 {dimension_numbers = #tpu.dot_dimension_numbers<[1], [0], [0], [1], [0, 0, 1, 1], [], []>, transpose_lhs_hint = false} : vector<1024x1536xbf16>, vector<1536x768xbf16>, vector<1024x768xf32> -> vector<1024x768xf32>
    %get3A_32 = arith.constant 0 : index
    %get3A_33 = vector.load %arg6[%get3A_32] : memref<768xf32, #tpu.memory_space<vmem>>, vector<768xf32>
    %broadcast_in_dim3A_34 = vector.shape_cast %get3A_33 : vector<768xf32> to vector<1x768xf32>
    %add3A_35 = vector.broadcast %broadcast_in_dim3A_34 : vector<1x768xf32> to vector<1024x768xf32>
    %add3A_36 = arith.addf %dot_general3A_31, %add3A_35 : vector<1024x768xf32>
    %mul3A_37 = arith.constant 5.000000e-01 : f32
    %mul3A_38 = vector.broadcast %mul3A_37 : f32 to vector<1024x768xf32>
    %mul3A_39 = arith.mulf %mul3A_38, %add3A_36 : vector<1024x768xf32>
    %tanh3A_40 = math.tanh %mul3A_39 : vector<1024x768xf32>
    %mul3A_41 = arith.constant 5.000000e-01 : f32
    %mul3A_42 = vector.broadcast %mul3A_41 : f32 to vector<1024x768xf32>
    %mul3A_43 = arith.mulf %mul3A_42, %tanh3A_40 : vector<1024x768xf32>
    %add3A_44 = arith.constant 5.000000e-01 : f32
    %add3A_45 = vector.broadcast %add3A_44 : f32 to vector<1024x768xf32>
    %add3A_46 = arith.addf %mul3A_43, %add3A_45 : vector<1024x768xf32>
    %convert_element_type3A_47 = arith.truncf %add3A_46 : vector<1024x768xf32> to vector<1024x768xbf16>
    %get3A_48 = arith.constant 0 : index
    %get3A_49 = arith.constant 0 : index
    %get3A_50 = vector.load %arg7[%get3A_48, %get3A_49] : memref<768x1xbf16, #tpu.memory_space<vmem>>, vector<768x1xbf16>
    %dot_general3A_51 = arith.constant dense<0.000000e+00> : vector<1024x1xf32>
    %dot_general3A_52 = tpu.matmul %convert_element_type3A_47, %get3A_50, %dot_general3A_51 {dimension_numbers = #tpu.dot_dimension_numbers<[1], [0], [0], [1], [0, 0, 1, 1], [], []>, transpose_lhs_hint = false} : vector<1024x768xbf16>, vector<768x1xbf16>, vector<1024x1xf32> -> vector<1024x1xf32>
    %get3A_53 = arith.constant 0 : index
    %get3A_54 = vector.load %arg8[%get3A_53] : memref<1xf32, #tpu.memory_space<vmem>>, vector<1xf32>
    %broadcast_in_dim3A_55 = vector.shape_cast %get3A_54 : vector<1xf32> to vector<1x1xf32>
    %add3A_56 = vector.broadcast %broadcast_in_dim3A_55 : vector<1x1xf32> to vector<1024x1xf32>
    %add3A_57 = arith.addf %dot_general3A_52, %add3A_56 : vector<1024x1xf32>
    %mul3A_58 = arith.constant 5.000000e-01 : f32
    %mul3A_59 = vector.broadcast %mul3A_58 : f32 to vector<1024x1xf32>
    %mul3A_60 = arith.mulf %mul3A_59, %add3A_57 : vector<1024x1xf32>
    %tanh3A_61 = math.tanh %mul3A_60 : vector<1024x1xf32>
    %mul3A_62 = arith.constant 5.000000e-01 : f32
    %mul3A_63 = vector.broadcast %mul3A_62 : f32 to vector<1024x1xf32>
    %mul3A_64 = arith.mulf %mul3A_63, %tanh3A_61 : vector<1024x1xf32>
    %add3A_65 = arith.constant 5.000000e-01 : f32
    %add3A_66 = vector.broadcast %add3A_65 : f32 to vector<1024x1xf32>
    %add3A_67 = arith.addf %mul3A_64, %add3A_66 : vector<1024x1xf32>
    %swap3A_68 = arith.constant 0 : index
    %swap3A_69 = arith.constant 0 : index
    %swap3A_70 = vector.load %arg12[%swap3A_68, %swap3A_69] : memref<1024x1xf32, #tpu.memory_space<vmem>>, vector<1024x1xf32>
    tpu.vector_store %arg12[%swap3A_68, %swap3A_69], %add3A_67 {strides = array<i32>} : memref<1024x1xf32, #tpu.memory_space<vmem>>, vector<1024x1xf32>,
    return
  }
  func.func @transform_0(%arg0: i32) -> (i32, i32) {
    %c0_i32 = arith.constant 0 : i32
    %c0_i32_0 = arith.constant 0 : i32
    return %arg0, %c0_i32 : i32, i32
  }
  func.func @transform_1(%arg0: i32) -> (i32, i32) {
    %c0_i32 = arith.constant 0 : i32
    %c0_i32_0 = arith.constant 0 : i32
    return %arg0, %c0_i32 : i32, i32
  }
  func.func @transform_2(%arg0: i32) -> (i32, i32) {
    %c0_i32 = arith.constant 0 : i32
    %c0_i32_0 = arith.constant 0 : i32
    %c0_i32_1 = arith.constant 0 : i32
    return %c0_i32, %c0_i32_0 : i32, i32
  }
  func.func @transform_3(%arg0: i32) -> i32 {
    %c0_i32 = arith.constant 0 : i32
    %c0_i32_0 = arith.constant 0 : i32
    return %c0_i32 : i32
  }
  func.func @transform_4(%arg0: i32) -> (i32, i32) {
    %c0_i32 = arith.constant 0 : i32
    %c0_i32_0 = arith.constant 0 : i32
    %c0_i32_1 = arith.constant 0 : i32
    return %c0_i32, %c0_i32_0 : i32, i32
  }
  func.func @transform_5(%arg0: i32) -> i32 {
    %c0_i32 = arith.constant 0 : i32
    %c0_i32_0 = arith.constant 0 : i32
    return %c0_i32 : i32
  }
  func.func @transform_6(%arg0: i32) -> (i32, i32) {
    %c0_i32 = arith.constant 0 : i32
    %c0_i32_0 = arith.constant 0 : i32
    %c0_i32_1 = arith.constant 0 : i32
    return %c0_i32, %c0_i32_0 : i32, i32
  }
  func.func @transform_7(%arg0: i32) -> i32 {
    %c0_i32 = arith.constant 0 : i32
    %c0_i32_0 = arith.constant 0 : i32
    return %c0_i32 : i32
  }
  func.func @transform_11(%arg0: i32) -> (i32, i32) {
    %add3A = arith.constant 11 : i32
    %add3A_0 = arith.addi %add3A, %arg0 : i32
    %c0_i32 = arith.constant 0 : i32
    %c0_i32_1 = arith.constant 0 : i32
    return %add3A_0, %c0_i32 : i32, i32
  }
  func.func @transform_12(%arg0: i32) -> (i32, i32) {
    %add3A = arith.constant 11 : i32
    %add3A_0 = arith.addi %add3A, %arg0 : i32
    %c0_i32 = arith.constant 0 : i32
    %c0_i32_1 = arith.constant 0 : i32
    return %add3A_0, %c0_i32 : i32, i32
  }
  func.func @transform_13(%arg0: i32) -> (i32, i32) {
    %add3A = arith.constant 11 : i32
    %add3A_0 = arith.addi %add3A, %arg0 : i32
    %c0_i32 = arith.constant 0 : i32
    %c0_i32_1 = arith.constant 0 : i32
    return %add3A_0, %c0_i32 : i32, i32
  }
}

</mosaic_0001>

<sc_bundles>
// kernel: kernel.11.cloned.1.call-start
scs
__scs_entry_jumppad:
0x0: {  	(pc) =	sbr.rel $0x88, $3  }
0x1: {  	(tag) =	ssettag $0x0;
	lr =	simm.s32 $0x1  }
0x2: {  	[smem:$0x3F97] =	sst lr;
	_ =	strace $0xD0000000  }
0x3: {  	_ = 	snop  }
0x4: {  	_ = 	snop  }
0x5: {  	_ = 	snop  }
0x6: {  	_ = 	snop  }
0x7: {  	_ = 	snop  }
__scs_overlays_trampoline_lowered:
0x8: {  	[smem:$0x3FA6] =	sst s0  }
0x9: {  	[smem:$0x3FA7] =	sst s1  }
0xa: {  	[smem:$0x3FA8] =	sst s2  }
0xb: {  	[smem:$0x3FA9] =	sst s3  }
0xc: {  	[smem:$0x3FAA] =	sst s4  }
0xd: {  	[smem:$0x3FAB] =	sst s5  }
0xe: {  	[smem:$0x3FAC] =	sst s6  }
0xf: {  	[smem:$0x3FAD] =	sst s7  }
0x10: {  	[smem:$0x3FAE] =	sst s8  }
0x11: {  	[smem:$0x3FAF] =	sst s9;
	s0 =	simm.s32 @!p0 $0x0  }
0x12: {  	s1 =	sld [smem:$0x3F95];
	s0 =	simm.s32 @p0 $0x1  }
0x13: {  	[smem:$0x3FB0] =	sst s0;
	s0 =	simm.s32 @!p1 $0x0  }
0x14: {  	s2 =	sld [smem:$0x3F94];
	s0 =	simm.s32 @p1 $0x1  }
0x15: {  	[smem:$0x3FB1] =	sst s0;
	s0 =	simm.s32 @!p2 $0x0  }
0x16: {  	s3 =	sld [smem:$0x3FDB];
	s0 =	simm.s32 @p2 $0x1  }
0x17: {  	s4 =	simm.s32 $0x1BF5;
	[smem:$0x3FB3] =	sst s0  }
0x18: {  	s0 =	sld [smem:$0x3F96];
	_ =	swait.ge [sflag:s4], $0x0  }
0x19: {  	s7 =	sld [smem:$0x3F97]  }
0x1a: {  	s8 =	sadd.s32 $0xFFFFE003, lr  }
0x1b: {  	s9 =	sadd.s32 $0xFFFFFEF7, lr;
	s5 =	simm.s32 $0xFFFFFFFF;
	p2 =	slt.u32 s8, $0xFFFFF086  }
0x1c: {  	p1 =	slt.u32 s9, $0xF7A;
	s5 =	simm.s32 @!p2 $0x0  }
0x1d: {  	s5 =	simm.s32 @p1 $0x1;
	p0 =	seq.s32 s7, s2  }
0x1e: {  	s7 =	smul.u32 @!p0 $0xF7A, s2;
	p2 =	seq.s32 @!p0 s5, $0x0  }
0x1f: {  	s9 =	smul.u32 $0xF7A, s1;
	s8 =	simm.s32 @!p0 $0x1BF5;
	p2 =	por !p2, p0  }
0x20: {  	[sflag:s8] =	ssyncset.s32 @!p0 $0xFFFFF086;
	s6 =	sadd.s32 @!p0 s3, s7;
	s7 =	simm.s32 @!p0 $0x108  }
0x21: {  	s3 =	sadd.s32 s3, s9;
	s6 =	sadd.s32 @!p0 $0x88, s6;
	s7 =	simm.s32 @p2 $0x1082  }
0x22: {  	[simem:s7], [sflag:s8] =	dma.local @!p0 [hbm:s6], $0xF7A  }
0x23: {  	s9 =	sor.u32 $0xD0000000, s2;
	s6 =	simm.s32 $0x108;
	_ =	swait.ge @!p0 [sflag:s8], $0x0  }
0x24: {  	s3 =	sadd.s32 $0x88, s3;
	s6 =	simm.s32 @!p1 $0x1082;
	[sflag:s4] =	ssyncset.s32 $0xFFFFF086  }
0x25: {  	[simem:s6], [sflag:s4] =	dma.local [hbm:s3], $0xF7A  }
0x26: {  	[smem:$0x3F97] =	sst s1;
	(tag) =	ssettag s2;
	_ =	strace s9  }
0x27: {  	s1 =	sld [smem:$0x3FA7]  }
0x28: {  	s2 =	sld [smem:$0x3FA8]  }
0x29: {  	s4 =	sld [smem:$0x3FAA]  }
0x2a: {  	p0 =	seq.s32 s5, $0x0;
	s5 =	sld [smem:$0x3FAB]  }
0x2b: {  	s6 =	sld [smem:$0x3FAC]  }
0x2c: {  	s7 =	sld [smem:$0x3FAD]  }
0x2d: {  	s3 =	simm.s32 $0x108;
	s8 =	sld [smem:$0x3FAE]  }
0x2e: {  	s3 =	simm.s32 @!p0 $0x1082;
	s9 =	sld [smem:$0x3FAF]  }
0x2f: {  	lr =	sadd.s32 s0, s3;
	s0 =	sld [smem:$0x3FA6]  }
0x30: {  	s3 =	sld [smem:$0x3FA9]  }
0x31: {  	[smem:$0x3FB2] =	sst s10  }
0x32: {  	s10 =	sld [smem:$0x3FB0];
	_ =	sdelay $0x3  }
0x33: {  	p0 =	seq.s32 s10, $0x1;
	s10 =	sld [smem:$0x3FB2];
	_ =	sdelay $0x3  }
0x34: {  	[smem:$0x3FB2] =	sst s10  }
0x35: {  	s10 =	sld [smem:$0x3FB1];
	_ =	sdelay $0x3  }
0x36: {  	p1 =	seq.s32 s10, $0x1;
	s10 =	sld [smem:$0x3FB2];
	_ =	sdelay $0x3  }
0x37: {  	[smem:$0x3FB2] =	sst s10  }
0x38: {  	s10 =	sld [smem:$0x3FB3]  }
0x39: {  	_ = 	snop;
	(pc) =	sbr.ind lr, $3  }
0x3a: {  	_ = 	snop  }
0x3b: {  	_ = 	snop  }
0x3c: {  	p2 =	seq.s32 s10, $0x1;
	s10 =	sld [smem:$0x3FB2]  }
0x3d: {  	_ =	shalt  }
0x3e: {  	_ =	shalt  }
0x3f: {  	_ =	shalt  }
0x40: {  	_ =	shalt  }
0x41: {  	_ =	shalt  }
0x42: {  	_ =	shalt  }
0x43: {  	_ =	shalt  }
0x44: {  	_ =	shalt  }
0x45: {  	_ =	shalt  }
0x46: {  	_ =	shalt  }
0x47: {  	_ =	shalt  }
0x48: {  	_ =	shalt  }
0x49: {  	_ =	shalt  }
0x4a: {  	_ =	shalt  }
0x4b: {  	_ =	shalt  }
0x4c: {  	_ =	shalt  }
0x4d: {  	_ =	shalt  }
0x4e: {  	_ =	shalt  }
0x4f: {  	_ =	shalt  }
0x50: {  	_ =	shalt  }
0x51: {  	_ =	shalt  }
0x52: {  	_ =	shalt  }
0x53: {  	_ =	shalt  }
0x54: {  	_ =	shalt  }
0x55: {  	_ =	shalt  }
0x56: {  	_ =	shalt  }
0x57: {  	_ =	shalt  }
0x58: {  	_ =	shalt  }
0x59: {  	_ =	shalt  }
0x5a: {  	_ =	shalt  }
0x5b: {  	_ =	shalt  }
0x5c: {  	_ =	shalt  }
0x5d: {  	_ =	shalt  }
0x5e: {  	_ =	shalt  }
0x5f: {  	_ =	shalt  }
0x60: {  	_ =	shalt  }
0x61: {  	_ =	shalt  }
0x62: {  	_ =	shalt  }
0x63: {  	_ =	shalt  }
0x64: {  	_ =	shalt  }
0x65: {  	_ =	shalt  }
0x66: {  	_ =	shalt  }
0x67: {  	_ =	shalt  }
0x68: {  	_ =	shalt  }
0x69: {  	_ =	shalt  }
0x6a: {  	_ =	shalt  }
0x6b: {  	_ =	shalt  }
0x6c: {  	_ =	shalt  }
0x6d: {  	_ =	shalt  }
0x6e: {  	_ =	shalt  }
0x6f: {  	_ =	shalt  }
0x70: {  	_ =	shalt  }
0x71: {  	_ =	shalt  }
0x72: {  	_ =	shalt  }
0x73: {  	_ =	shalt  }
0x74: {  	_ =	shalt  }
0x75: {  	_ =	shalt  }
0x76: {  	_ =	shalt  }
0x77: {  	_ =	shalt  }
0x78: {  	_ =	shalt  }
0x79: {  	_ =	shalt  }
0x7a: {  	_ =	shalt  }
0x7b: {  	_ =	shalt  }
0x7c: {  	_ =	shalt  }
0x7d: {  	_ =	shalt  }
0x7e: {  	_ =	shalt  }
0x7f: {  	_ =	shalt  }
0x80: {  	_ =	shalt  }
0x81: {  	_ =	shalt  }
0x82: {  	_ =	shalt  }
0x83: {  	_ =	shalt  }
0x84: {  	_ =	shalt  }
0x85: {  	_ =	shalt  }
0x86: {  	_ =	shalt  }
0x87: {  	_ =	shalt  }
.Lfunc_end0:
.L_simem_size_0:
called_computation_lowered:
.L_overlay_start_0:
0x88: {  	s2 =	sld [smem:$0x3FD9]  }
0x89: {  	s3 =	sld [smem:$0x3FFE];
	_ =	sdelay $0x1  }
0x8a: {  	s1 =	srdreg.scid  }
0x8b: {  	s0 =	sand.u32 $0x1, s1  }
0x8c: {  	s15 =	sshll.u32 s0, $0xA;
	s2 =	sadd.s32 s3, s2  }
0x8d: {  	s2 =	sadd.s32 s2, s15  }
0x8e: {  	[smem:$0x3FBE] =	sst s2  }
0x8f: {  	_ = 	snop  }
0x90: {  	s2 =	sld [smem:$0x3FC9]  }
0x91: {  	s16 =	sld [smem:$0x3FD0]  }
0x92: {  	s4 =	sld [smem:$0x3FC8]  }
0x93: {  	s5 =	sld [smem:$0x3FC7]  }
0x94: {  	s7 =	simm.s32 $0xD;
	s8 =	simm.s32 $0x10;
	s6 =	sld [smem:$0x3FC6]  }
0x95: {  	[smem:s8], [sflag:s7] =	dma.local [hbm:s16], $0x1  }
0x96: {  	_ =	swait.eq [sflag:s7], $0x1  }
0x97: {  	[sflag:s7] =	ssyncset.done $0x0  }
0x98: {  	s17 =	sld [smem:$0x11];
	[sflag:s7] =	ssyncadd.s32 $0xFFFFFFFF  }
0x99: {  	s18 =	sld [smem:$0x12];
	(tm) =	ssettm $0x1  }
0x9a: {  	s19 =	sld [smem:$0x3FFB];
	_ =	sdelay $0x3  }
0x9b: {  	_ =	strace s19  }
0x9c: {  	s8 =	sld [smem:$0x3FFC];
	_ =	sdelay $0x3  }
0x9d: {  	_ =	strace s8  }
0x9e: {  	s8 =	sld [smem:$0x3FFD];
	_ =	sdelay $0x3  }
0x9f: {  	_ =	strace s8  }
0xa0: {  	_ =	strace $0x8FFFFFFF  }
0xa1: {  	s20 =	sld [smem:$0x3FDB];
	_ =	sdelay $0x1  }
0xa2: {  	s9 =	simm.s32 $_scs_section_size  }
0xa3: {  	s10 =	simm.s32 $_size__tile_overlayer_lowered;
	s11 =	simm.s32 $_tile_overlayer_lowered  }
0xa4: {  	s23 =	simm.s32 $0x1BFF;
	s22 =	sshll.u32 s11, $0x1;
	s8 =	sadd.s32 s9, s20  }
0xa5: {  	s12 =	simm.s32 $0x0;
	s21 =	sshll.u32 s10, $0x1;
	s10 =	sadd.s32 s22, s8  }
0xa6: {  	[timem:s12], [sflag:s23] =	dma.local [hbm:s10], s21  }
0xa7: {  	_ =	swait.ge [sflag:s23], s21  }
0xa8: {  	s9 =	ssub.s32 $0x0, s21;
	[sflag:s23] =	ssyncset.done $0x0  }
0xa9: {  	[sflag:s23] =	ssyncadd.s32 s9;
	_ =	sdelay $0x1  }
0xaa: {  	s24 =	simm.s32 $0x1B8B  }
0xab: {  	_ =	swait.ge [sflag:s24], $0x1  }
0xac: {  	[sflag:s24] =	ssyncset.done $0x0  }
0xad: {  	s25 =	simm.s32 $0x1B8E;
	[sflag:s24] =	ssyncadd.s32 $0xFFFFFFFF  }
0xae: {  	s26 =	simm.s32 $execute0_lowered;
	[smem:$0x3FD2] =	sst s25  }
0xaf: {  	s9 =	sshll.u32 s26, $0x1;
	_ =	strace $0x80000046;
	[dreg:$0x1] =	wrdreg $0xFFFFFFFF  }
0xb0: {  	s28 =	simm.s32 $_size_execute0_lowered;
	s8 =	sadd.s32 s8, s9;
	[dreg:$0x0] =	wrdreg $0x0  }
0xb1: {  	s9 =	sshll.u32 s28, $0x1;
	[dreg:$0x2] =	wrdreg s8  }
0xb2: {  	[dreg:$0x3] =	wrdreg s9  }
0xb3: {  	[dreg:$0x4] =	wrdreg $0xC0  }
0xb4: {  	_ =	task [dreg:s12], $0x5FFFF  }
0xb5: {  	[dreg:$0x1] =	wrdreg $0xFFFFFFFF  }
0xb6: {  	[dreg:$0x0] =	wrdreg $0x60  }
0xb7: {  	[dreg:$0x2] =	wrdreg s2  }
0xb8: {  	[dreg:$0x3] =	wrdreg s4  }
0xb9: {  	[dreg:$0x4] =	wrdreg s6  }
0xba: {  	[dreg:$0x5] =	wrdreg s5  }
0xbb: {  	[dreg:$0x6] =	wrdreg s18  }
0xbc: {  	[dreg:$0x7] =	wrdreg s17  }
0xbd: {  	[dreg:$0x8] =	wrdreg $0x9  }
0xbe: {  	_ =	task.clear_ibuf [dreg:s12], $0x9FFFF;
	_ =	strace $0x90000046  }
0xbf: {  	s29 =	simm.s32 $0x9;
	_ =	strace $0x80000048  }
0xc0: {  	_ =	swait.ge [sflag:s29], $0x1  }
0xc1: {  	[sflag:s29] =	ssyncadd.s32 $0xFFFFFFFF  }
0xc2: {  	_ =	strace $0x90000048  }
0xc3: {  	_ =	sfence  }
0xc4: {  	s30 =	sld [smem:$0x0];
	_ =	sdelay $0x2  }
0xc5: {  	s31 =	sshll.u32 s1, $0xD;
	s1 =	sshrl.u32 s1, $0x2  }
0xc6: {  	s3 =	sand.u32 $0x4000, s31;
	s1 =	sadd.s32 s1, s30  }
0xc7: {  	s0 =	sor.u32 s3, s0;
	s1 =	sshll.u32 s1, $0x11  }
0xc8: {  	s0 =	sor.u32 s1, s0  }
0xc9: {  	s0 =	sadd.s32 $0x8F2B, s0  }
0xca: {  	[sflag:s0] =	ssyncadd.remote.s32 $0x1  }
0xcb: {  	_ =	sfence.sel $0xFFFF  }
0xcc: {  	[dreg:$0x0] =	wrdreg $0xFFFFFFFF;
	(pc) =	sbr.abs _section_cstart, $3  }
0xcd: {  	[dreg:$0x1] =	wrdreg $0xFFFFFFFF  }
0xce: {  	_ =	task.clear_ibuf [dreg:s12], $0x2FFFF;
	_ =	strace $0x9FFFFFFF  }
0xcf: {  	(tm) =	ssettm $0x7FFFFFFF  }
tec
execute0_lowered:
.L_overlay_start_1:
0x0: {  	(tag) =	ssettag $0x1  }
0x1: {  	s0 =	rddreg [dreg:$0x0]  }
0x2: {  	s5 =	rddreg [dreg:$0x1]  }
0x3: {  	s1 =	rddreg [dreg:$0x2]  }
0x4: {  	s2 =	rddreg [dreg:$0x3]  }
0x5: {  	s6 =	rddreg [dreg:$0x4];
	s4 =	srdreg.scid  }
0x6: {  	s7 =	rddreg [dreg:$0x5];
	s8 =	sand.u32 $0x1, s4;
	s4 =	simm.s32 $0x0  }
0x7: {  	s14 =	simm.s32 $0x80;
	[smem:$0x7FF] =	sst s4  }
0x8: {  	s15 =	simm.s32 $0x900;
	_ =	strace $0x80000047;
	[dreg:$0xb] =	wrdreg s14  }
0x9: {  	s16 =	simm.s32 $0x1100;
	[dreg:$0xc] =	wrdreg s15  }
0xa: {  	s17 =	simm.s32 $0x1900;
	[dreg:$0xd] =	wrdreg s16  }
0xb: {  	s18 =	simm.s32 $0x2100;
	[dreg:$0xe] =	wrdreg s17  }
0xc: {  	s19 =	simm.s32 $0x2900;
	[dreg:$0xf] =	wrdreg s18  }
0xd: {  	s20 =	simm.s32 $0x3100;
	[dreg:$0x10] =	wrdreg s19  }
0xe: {  	s21 =	simm.s32 $0x3900;
	[dreg:$0x11] =	wrdreg s20  }
0xf: {  	s22 =	simm.s32 $0x4100;
	[dreg:$0x12] =	wrdreg s21  }
0x10: {  	s23 =	simm.s32 $0x4900;
	[dreg:$0x13] =	wrdreg s22  }
0x11: {  	s3 =	stileid.u32;
	s24 =	simm.s32 $0x5100;
	[dreg:$0x14] =	wrdreg s23  }
0x12: {  	s25 =	simm.s32 $0x5900;
	s26 =	simm.s32 $0x6100;
	[dreg:$0x15] =	wrdreg s24  }
0x13: {  	s28 =	simm.s32 $0x17900;
	s29 =	simm.s32 $0x1;
	[dreg:$0x16] =	wrdreg s25  }
0x14: {  	s9 =	sshll.u32 s3, $0x4;
	s3 =	simm.s32 $0x6900;
	[dreg:$0x17] =	wrdreg s26  }
0x15: {  	s30 =	simm.s32 $0x2;
	[dreg:$0x18] =	wrdreg s3;
	s15 =	simm.s32 $0xB100  }
0x16: {  	s31 =	simm.s32 $0x3;
	s17 =	simm.s32 $0xB900;
	[smem:$0x7F4] =	sst s15  }
0x17: {  	s10 =	sshll.u32 s8, $0x3;
	s19 =	simm.s32 $0xC900;
	[smem:$0x7F5] =	sst s17  }
0x18: {  	s9 =	sor.u32 s10, s9;
	s20 =	simm.s32 $0xD100;
	[smem:$0x7F6] =	sst s19  }
0x19: {  	s14 =	ssub.s32 $0x2, s8;
	s21 =	simm.s32 $0xD900;
	[smem:$0x7F7] =	sst s20  }
0x1a: {  	s22 =	simm.s32 $0xE100;
	s8 =	sadd.s32 $0x200, s2;
	[smem:$0x7F8] =	sst s21  }
0x1b: {  	s23 =	simm.s32 $0xE900;
	s24 =	simm.s32 $0xF100;
	[smem:$0x7F9] =	sst s22  }
0x1c: {  	s25 =	simm.s32 $0xF900;
	s26 =	simm.s32 $0x10100;
	[smem:$0x7FA] =	sst s23  }
0x1d: {  	s0 =	sadd.s32 s0, s9;
	s10 =	smul.u32 $0x300, s9;
	[smem:$0x7FB] =	sst s24  }
0x1e: {  	s11 =	sadd.s32 s5, s9;
	s5 =	simm.s32 $0x7100;
	[smem:$0x7FC] =	sst s25  }
0x1f: {  	s9 =	simm.s32 $0x8900;
	s16 =	sshrl.u32 s14, $0x1;
	[smem:$0x7FD] =	sst s26  }
0x20: {  	s15 =	simm.s32 $0x11900;
	s17 =	simm.s32 $0x12900;
	s19 =	simm.s32 $0x13900  }
0x21: {  	s20 =	simm.s32 $0x14100;
	s21 =	simm.s32 $0x14900;
	[dreg:$0x7] =	wrdreg s0  }
0x22: {  	s22 =	simm.s32 $0x15100;
	s23 =	simm.s32 $0x15900;
	[dreg:$0x8] =	wrdreg s11  }
0x23: {  	s24 =	simm.s32 $0x16100;
	s25 =	simm.s32 $0x16900;
	[dreg:$0x19] =	wrdreg s5  }
0x24: {  	s26 =	simm.s32 $0x17100;
	[dreg:$0x1c] =	wrdreg s9;
	s11 =	simm.s32 $0x9900  }
0x25: {  	s18 =	ssub.s32 s14, s16;
	s5 =	sadd.s32 $0x100, s1;
	s14 =	simm.s32 $0x11100  }
0x26: {  	s16 =	simm.s32 $0x12100;
	s12 =	sadd.s32 s6, s10;
	[dreg:$0x1e] =	wrdreg s11  }
0x27: {  	s0 =	simm.s32 $0x4;
	s13 =	sadd.s32 s7, s10;
	[dreg:$0x9] =	wrdreg s12  }
0x28: {  	s6 =	simm.s32 $0x7900;
	s7 =	simm.s32 $0x8100;
	[dreg:$0xa] =	wrdreg s13  }
0x29: {  	s10 =	simm.s32 $0x9100;
	s9 =	smax.u32 s18, $0x1;
	[dreg:$0x1a] =	wrdreg s6  }
0x2a: {  	s11 =	simm.s32 $0x100;
	s18 =	simm.s32 $0x13100;
	[dreg:$0x1b] =	wrdreg s7  }
0x2b: {  	v2 =	vlaneseq.u32;
	[dreg:$0x1d] =	wrdreg s10;
	s12 =	simm.s32 $0xA100;
	s13 =	simm.s32 $0xA900  }
0x2c: {  	vm0 =	vmmov $0xffff;
	v1 =	vshrl.u32 v2, $0x3;
	s6 =	sadd.s32 $0x200, s1;
	s7 =	sadd.s32 $0x100, s2;
	[dreg:$0x1f] =	wrdreg s12  }
0x2d: {  	v0 =	vand.u32 $0x7, v2;
	v2 =	vor.u32 $0x8, v2;
	v1 =	vmul.u32 $0x8, v1;
	s10 =	simm.s32 $0x5;
	[smem:$0x7F3] =	sst s13;
	s12 =	simm.s32 $0xC100  }
.LBB2_1:
0x2e: {  	s3 =	rddreg [dreg:$0x7]  }
0x2f: {  	[tilespmem:s4], [sflag:$0x5] =	stream.linear.gather [hbm4b:s3+s4], $0x40, $0x38;
	[tilespmem:$0x18100] =	vst v63  }
0x30: {  	_ =	swait.ge [sflag:s10], $0x40  }
0x31: {  	s3 =	rddreg [dreg:$0x8];
	[sflag:s10] =	ssyncset.done $0x0  }
0x32: {  	s13 =	rddreg [dreg:$0xb];
	[sflag:s10] =	ssyncadd.s32 $0xFFFFFFC0  }
0x33: {  	[tilespmem:s13], [sflag:$0x5] =	stream.linear.gather [hbm4b:s3+s4], $0x40, $0x38;
	[tilespmem:$0x18100] =	vst v63  }
0x34: {  	_ =	swait.ge [sflag:s10], $0x40  }
0x35: {  	[sflag:s10] =	ssyncset.done $0x0  }
0x36: {  	[sflag:s10] =	ssyncadd.s32 $0xFFFFFFC0  }
0x37: {  	v3 =	vld [tilespmem:$0x0];
	_ =	sdelay $0x4  }
0x38: {  	v4 =	vshrl.u32 v3, $0x3  }
0x39: {  	v4 =	vmul.u32 $0x30, v4  }
0x3a: {  	v3 =	vand.u32 $0x7, v3  }
0x3b: {  	v3 =	vor.u32 v3, v4  }
0x3c: {  	v4 =	vperm.xlane v3, v0;
	_ =	sdelay $0x1  }
0x3d: {  	v4 =	vadd.s32 v1, v4;
	_ =	sdelay $0x3  }
0x3e: {  	v3 =	vperm.xlane v3, v2  }
0x3f: {  	[tilespmem:s11], [sflag:$0x1] =	stream.indirect_vreg.gather [hbm4b:s1+s4], $0x80, v4, vm0, $0xb8;
	[tilespmem:$0x18100] =	vst v63  }
0x40: {  	s3 =	rddreg [dreg:$0xc];
	v3 =	vadd.s32 v1, v3  }
0x41: {  	[tilespmem:s3], [sflag:$0x1] =	stream.indirect_vreg.gather [hbm4b:s5+s4], $0x80, v4, vm0, $0xb8;
	[tilespmem:$0x18100] =	vst v63  }
0x42: {  	s13 =	rddreg [dreg:$0xd]  }
0x43: {  	[tilespmem:s13], [sflag:$0x1] =	stream.indirect_vreg.gather [hbm4b:s6+s4], $0x80, v4, vm0, $0xb8;
	[tilespmem:$0x18100] =	vst v63  }
0x44: {  	s3 =	rddreg [dreg:$0xe]  }
0x45: {  	[tilespmem:s3], [sflag:$0x1] =	stream.indirect_vreg.gather [hbm4b:s1+s4], $0x80, v3, vm0, $0xb8;
	[tilespmem:$0x18100] =	vst v63  }
0x46: {  	s13 =	rddreg [dreg:$0xf]  }
0x47: {  	[tilespmem:s13], [sflag:$0x1] =	stream.indirect_vreg.gather [hbm4b:s5+s4], $0x80, v3, vm0, $0xb8;
	[tilespmem:$0x18100] =	vst v63  }
0x48: {  	s3 =	rddreg [dreg:$0x10]  }
0x49: {  	[tilespmem:s3], [sflag:$0x1] =	stream.indirect_vreg.gather [hbm4b:s6+s4], $0x80, v3, vm0, $0xb8;
	[tilespmem:$0x18100] =	vst v63  }
0x4a: {  	v3 =	vld [tilespmem:$0x10];
	_ =	sdelay $0x4  }
0x4b: {  	v57 =	vshrl.u32 v3, $0x3  }
0x4c: {  	v4 =	vmul.u32 $0x30, v57  }
0x4d: {  	v3 =	vand.u32 $0x7, v3  }
0x4e: {  	v3 =	vor.u32 v3, v4  }
0x4f: {  	v4 =	vperm.xlane v3, v0;
	_ =	sdelay $0x1  }
0x50: {  	v4 =	vadd.s32 v1, v4;
	_ =	sdelay $0x3  }
0x51: {  	s3 =	rddreg [dreg:$0x11];
	v3 =	vperm.xlane v3, v2  }
0x52: {  	[tilespmem:s3], [sflag:$0x1] =	stream.indirect_vreg.gather [hbm4b:s1+s4], $0x80, v4, vm0, $0xb8;
	[tilespmem:$0x18100] =	vst v63  }
0x53: {  	s13 =	rddreg [dreg:$0x12];
	v3 =	vadd.s32 v1, v3  }
0x54: {  	[tilespmem:s13], [sflag:$0x1] =	stream.indirect_vreg.gather [hbm4b:s5+s4], $0x80, v4, vm0, $0xb8;
	[tilespmem:$0x18100] =	vst v63  }
0x55: {  	s3 =	rddreg [dreg:$0x13]  }
0x56: {  	[tilespmem:s3], [sflag:$0x1] =	stream.indirect_vreg.gather [hbm4b:s6+s4], $0x80, v4, vm0, $0xb8;
	[tilespmem:$0x18100] =	vst v63  }
0x57: {  	s13 =	rddreg [dreg:$0x14]  }
0x58: {  	[tilespmem:s13], [sflag:$0x1] =	stream.indirect_vreg.gather [hbm4b:s1+s4], $0x80, v3, vm0, $0xb8;
	[tilespmem:$0x18100] =	vst v63  }
0x59: {  	s3 =	rddreg [dreg:$0x15]  }
0x5a: {  	[tilespmem:s3], [sflag:$0x1] =	stream.indirect_vreg.gather [hbm4b:s5+s4], $0x80, v3, vm0, $0xb8;
	[tilespmem:$0x18100] =	vst v63  }
0x5b: {  	s13 =	rddreg [dreg:$0x16]  }
0x5c: {  	[tilespmem:s13], [sflag:$0x1] =	stream.indirect_vreg.gather [hbm4b:s6+s4], $0x80, v3, vm0, $0xb8;
	[tilespmem:$0x18100] =	vst v63  }
0x5d: {  	v3 =	vld [tilespmem:$0x20];
	_ =	sdelay $0x4  }
0x5e: {  	v58 =	vshrl.u32 v3, $0x3  }
0x5f: {  	v4 =	vmul.u32 $0x30, v58  }
0x60: {  	v3 =	vand.u32 $0x7, v3  }
0x61: {  	v3 =	vor.u32 v3, v4  }
0x62: {  	v4 =	vperm.xlane v3, v0;
	_ =	sdelay $0x1  }
0x63: {  	v4 =	vadd.s32 v1, v4;
	_ =	sdelay $0x3  }
0x64: {  	s3 =	rddreg [dreg:$0x17];
	v3 =	vperm.xlane v3, v2  }
0x65: {  	[tilespmem:s3], [sflag:$0x1] =	stream.indirect_vreg.gather [hbm4b:s1+s4], $0x80, v4, vm0, $0xb8;
	[tilespmem:$0x18100] =	vst v63  }
0x66: {  	s13 =	rddreg [dreg:$0x18];
	v3 =	vadd.s32 v1, v3  }
0x67: {  	[tilespmem:s13], [sflag:$0x1] =	stream.indirect_vreg.gather [hbm4b:s5+s4], $0x80, v4, vm0, $0xb8;
	[tilespmem:$0x18100] =	vst v63  }
0x68: {  	s3 =	rddreg [dreg:$0x19]  }
0x69: {  	[tilespmem:s3], [sflag:$0x1] =	stream.indirect_vreg.gather [hbm4b:s6+s4], $0x80, v4, vm0, $0xb8;
	[tilespmem:$0x18100] =	vst v63  }
0x6a: {  	s13 =	rddreg [dreg:$0x1a]  }
0x6b: {  	[tilespmem:s13], [sflag:$0x1] =	stream.indirect_vreg.gather [hbm4b:s1+s4], $0x80, v3, vm0, $0xb8;
	[tilespmem:$0x18100] =	vst v63  }
0x6c: {  	s3 =	rddreg [dreg:$0x1b]  }
0x6d: {  	[tilespmem:s3], [sflag:$0x1] =	stream.indirect_vreg.gather [hbm4b:s5+s4], $0x80, v3, vm0, $0xb8;
	[tilespmem:$0x18100] =	vst v63  }
0x6e: {  	s13 =	rddreg [dreg:$0x1c]  }
0x6f: {  	[tilespmem:s13], [sflag:$0x1] =	stream.indirect_vreg.gather [hbm4b:s6+s4], $0x80, v3, vm0, $0xb8;
	[tilespmem:$0x18100] =	vst v63  }
0x70: {  	v3 =	vld [tilespmem:$0x30];
	_ =	sdelay $0x4  }
0x71: {  	v59 =	vshrl.u32 v3, $0x3  }
0x72: {  	v4 =	vmul.u32 $0x30, v59  }
0x73: {  	v3 =	vand.u32 $0x7, v3  }
0x74: {  	v3 =	vor.u32 v3, v4  }
0x75: {  	v4 =	vperm.xlane v3, v0;
	_ =	sdelay $0x1  }
0x76: {  	v4 =	vadd.s32 v1, v4;
	_ =	sdelay $0x2  }
0x77: {  	s3 =	rddreg [dreg:$0x1d]  }
0x78: {  	s13 =	rddreg [dreg:$0x1e];
	v3 =	vperm.xlane v3, v2  }
0x79: {  	[tilespmem:s3], [sflag:$0x1] =	stream.indirect_vreg.gather [hbm4b:s1+s4], $0x80, v4, vm0, $0xb8;
	[tilespmem:$0x18100] =	vst v63  }
0x7a: {  	v3 =	vadd.s32 v1, v3;
	s3 =	rddreg [dreg:$0x1f]  }
0x7b: {  	[tilespmem:s13], [sflag:$0x1] =	stream.indirect_vreg.gather [hbm4b:s5+s4], $0x80, v4, vm0, $0xb8;
	[tilespmem:$0x18100] =	vst v63  }
0x7c: {  	s13 =	sld [smem:$0x7F3]  }
0x7d: {  	[tilespmem:s3], [sflag:$0x1] =	stream.indirect_vreg.gather [hbm4b:s6+s4], $0x80, v4, vm0, $0xb8;
	[tilespmem:$0x18100] =	vst v63  }
0x7e: {  	s3 =	sld [smem:$0x7F4]  }
0x7f: {  	[tilespmem:s13], [sflag:$0x1] =	stream.indirect_vreg.gather [hbm4b:s1+s4], $0x80, v3, vm0, $0xb8;
	[tilespmem:$0x18100] =	vst v63  }
0x80: {  	s13 =	sld [smem:$0x7F5]  }
0x81: {  	[tilespmem:s3], [sflag:$0x1] =	stream.indirect_vreg.gather [hbm4b:s5+s4], $0x80, v3, vm0, $0xb8;
	[tilespmem:$0x18100] =	vst v63  }
0x82: {  	_ = 	snop  }
0x83: {  	[tilespmem:s13], [sflag:$0x1] =	stream.indirect_vreg.gather [hbm4b:s6+s4], $0x80, v3, vm0, $0xb8;
	[tilespmem:$0x18100] =	vst v63  }
0x84: {  	v3 =	vld [tilespmem:$0x80];
	_ =	sdelay $0x4  }
0x85: {  	v60 =	vshrl.u32 v3, $0x3  }
0x86: {  	v4 =	vmul.u32 $0x30, v60  }
0x87: {  	v3 =	vand.u32 $0x7, v3  }
0x88: {  	v3 =	vor.u32 v3, v4  }
0x89: {  	v4 =	vperm.xlane v3, v0;
	_ =	sdelay $0x1  }
0x8a: {  	v4 =	vadd.s32 v1, v4;
	_ =	sdelay $0x3  }
0x8b: {  	s3 =	sld [smem:$0x7F6];
	v3 =	vperm.xlane v3, v2  }
0x8c: {  	[tilespmem:s12], [sflag:$0x2] =	stream.indirect_vreg.gather [hbm4b:s2+s4], $0x80, v4, vm0, $0xb8;
	[tilespmem:$0x18100] =	vst v63  }
0x8d: {  	s13 =	sld [smem:$0x7F7];
	v3 =	vadd.s32 v1, v3  }
0x8e: {  	[tilespmem:s3], [sflag:$0x2] =	stream.indirect_vreg.gather [hbm4b:s7+s4], $0x80, v4, vm0, $0xb8;
	[tilespmem:$0x18100] =	vst v63  }
0x8f: {  	s3 =	sld [smem:$0x7F8]  }
0x90: {  	[tilespmem:s13], [sflag:$0x2] =	stream.indirect_vreg.gather [hbm4b:s8+s4], $0x80, v4, vm0, $0xb8;
	[tilespmem:$0x18100] =	vst v63  }
0x91: {  	s13 =	sld [smem:$0x7F9]  }
0x92: {  	[tilespmem:s3], [sflag:$0x2] =	stream.indirect_vreg.gather [hbm4b:s2+s4], $0x80, v3, vm0, $0xb8;
	[tilespmem:$0x18100] =	vst v63  }
0x93: {  	s3 =	sld [smem:$0x7FA]  }
0x94: {  	[tilespmem:s13], [sflag:$0x2] =	stream.indirect_vreg.gather [hbm4b:s7+s4], $0x80, v3, vm0, $0xb8;
	[tilespmem:$0x18100] =	vst v63  }
0x95: {  	_ = 	snop  }
0x96: {  	[tilespmem:s3], [sflag:$0x2] =	stream.indirect_vreg.gather [hbm4b:s8+s4], $0x80, v3, vm0, $0xb8;
	[tilespmem:$0x18100] =	vst v63  }
0x97: {  	v3 =	vld [tilespmem:$0x90];
	_ =	sdelay $0x4  }
0x98: {  	v61 =	vshrl.u32 v3, $0x3  }
0x99: {  	v4 =	vmul.u32 $0x30, v61  }
0x9a: {  	v3 =	vand.u32 $0x7, v3  }
0x9b: {  	v3 =	vor.u32 v3, v4  }
0x9c: {  	v4 =	vperm.xlane v3, v0;
	_ =	sdelay $0x1  }
0x9d: {  	v4 =	vadd.s32 v1, v4;
	_ =	sdelay $0x1  }
0x9e: {  	s3 =	sld [smem:$0x7FB];
	_ =	sdelay $0x1  }
0x9f: {  	s13 =	sld [smem:$0x7FC];
	v3 =	vperm.xlane v3, v2  }
0xa0: {  	[tilespmem:s3], [sflag:$0x2] =	stream.indirect_vreg.gather [hbm4b:s2+s4], $0x80, v4, vm0, $0xb8;
	[tilespmem:$0x18100] =	vst v63  }
0xa1: {  	v3 =	vadd.s32 v1, v3;
	s3 =	sld [smem:$0x7FD]  }
0xa2: {  	[tilespmem:s13], [sflag:$0x2] =	stream.indirect_vreg.gather [hbm4b:s7+s4], $0x80, v4, vm0, $0xb8;
	[tilespmem:$0x18100] =	vst v63  }
0xa3: {  	_ = 	snop  }
0xa4: {  	[tilespmem:s3], [sflag:$0x2] =	stream.indirect_vreg.gather [hbm4b:s8+s4], $0x80, v4, vm0, $0xb8;
	[tilespmem:$0x18100] =	vst v63  }
0xa5: {  	s13 =	simm.s32 $0x10900  }
0xa6: {  	[tilespmem:s13], [sflag:$0x2] =	stream.indirect_vreg.gather [hbm4b:s2+s4], $0x80, v3, vm0, $0xb8;
	[tilespmem:$0x18100] =	vst v63  }
0xa7: {  	_ = 	snop  }
0xa8: {  	[tilespmem:s14], [sflag:$0x2] =	stream.indirect_vreg.gather [hbm4b:s7+s4], $0x80, v3, vm0, $0xb8;
	[tilespmem:$0x18100] =	vst v63  }
0xa9: {  	_ = 	snop  }
0xaa: {  	[tilespmem:s15], [sflag:$0x2] =	stream.indirect_vreg.gather [hbm4b:s8+s4], $0x80, v3, vm0, $0xb8;
	[tilespmem:$0x18100] =	vst v63  }
0xab: {  	v3 =	vld [tilespmem:$0xA0];
	_ =	sdelay $0x4  }
0xac: {  	v62 =	vshrl.u32 v3, $0x3  }
0xad: {  	v4 =	vmul.u32 $0x30, v62  }
0xae: {  	v3 =	vand.u32 $0x7, v3  }
0xaf: {  	v3 =	vor.u32 v3, v4  }
0xb0: {  	v4 =	vperm.xlane v3, v0;
	_ =	sdelay $0x1  }
0xb1: {  	v4 =	vadd.s32 v1, v4;
	_ =	sdelay $0x3  }
0xb2: {  	v3 =	vperm.xlane v3, v2  }
0xb3: {  	[tilespmem:s16], [sflag:$0x2] =	stream.indirect_vreg.gather [hbm4b:s2+s4], $0x80, v4, vm0, $0xb8;
	[tilespmem:$0x18100] =	vst v63  }
0xb4: {  	v3 =	vadd.s32 v1, v3  }
0xb5: {  	[tilespmem:s17], [sflag:$0x2] =	stream.indirect_vreg.gather [hbm4b:s7+s4], $0x80, v4, vm0, $0xb8;
	[tilespmem:$0x18100] =	vst v63  }
0xb6: {  	_ = 	snop  }
0xb7: {  	[tilespmem:s18], [sflag:$0x2] =	stream.indirect_vreg.gather [hbm4b:s8+s4], $0x80, v4, vm0, $0xb8;
	[tilespmem:$0x18100] =	vst v63  }
0xb8: {  	_ = 	snop  }
0xb9: {  	[tilespmem:s19], [sflag:$0x2] =	stream.indirect_vreg.gather [hbm4b:s2+s4], $0x80, v3, vm0, $0xb8;
	[tilespmem:$0x18100] =	vst v63  }
0xba: {  	_ = 	snop  }
0xbb: {  	[tilespmem:s20], [sflag:$0x2] =	stream.indirect_vreg.gather [hbm4b:s7+s4], $0x80, v3, vm0, $0xb8;
	[tilespmem:$0x18100] =	vst v63  }
0xbc: {  	_ = 	snop  }
0xbd: {  	[tilespmem:s21], [sflag:$0x2] =	stream.indirect_vreg.gather [hbm4b:s8+s4], $0x80, v3, vm0, $0xb8;
	[tilespmem:$0x18100] =	vst v63  }
0xbe: {  	v3 =	vld [tilespmem:$0xB0];
	_ =	sdelay $0x4  }
0xbf: {  	v63 =	vshrl.u32 v3, $0x3  }
0xc0: {  	v4 =	vmul.u32 $0x30, v63  }
0xc1: {  	v3 =	vand.u32 $0x7, v3  }
0xc2: {  	v3 =	vor.u32 v3, v4  }
0xc3: {  	v4 =	vperm.xlane v3, v0;
	_ =	sdelay $0x1  }
0xc4: {  	v4 =	vadd.s32 v1, v4;
	_ =	sdelay $0x3  }
0xc5: {  	v3 =	vperm.xlane v3, v2  }
0xc6: {  	[tilespmem:s22], [sflag:$0x2] =	stream.indirect_vreg.gather [hbm4b:s2+s4], $0x80, v4, vm0, $0xb8;
	[tilespmem:$0x18100] =	vst v63  }
0xc7: {  	v3 =	vadd.s32 v1, v3  }
0xc8: {  	[tilespmem:s23], [sflag:$0x2] =	stream.indirect_vreg.gather [hbm4b:s7+s4], $0x80, v4, vm0, $0xb8;
	[tilespmem:$0x18100] =	vst v63  }
0xc9: {  	_ = 	snop  }
0xca: {  	[tilespmem:s24], [sflag:$0x2] =	stream.indirect_vreg.gather [hbm4b:s8+s4], $0x80, v4, vm0, $0xb8;
	[tilespmem:$0x18100] =	vst v63  }
0xcb: {  	_ = 	snop  }
0xcc: {  	[tilespmem:s25], [sflag:$0x2] =	stream.indirect_vreg.gather [hbm4b:s2+s4], $0x80, v3, vm0, $0xb8;
	[tilespmem:$0x18100] =	vst v63  }
0xcd: {  	_ = 	snop  }
0xce: {  	[tilespmem:s26], [sflag:$0x2] =	stream.indirect_vreg.gather [hbm4b:s7+s4], $0x80, v3, vm0, $0xb8;
	[tilespmem:$0x18100] =	vst v63  }
0xcf: {  	_ = 	snop  }
0xd0: {  	[tilespmem:s28], [sflag:$0x2] =	stream.indirect_vreg.gather [hbm4b:s8+s4], $0x80, v3, vm0, $0xb8;
	[tilespmem:$0x18100] =	vst v63  }
0xd1: {  	_ =	swait.ge [sflag:s29], $0xC000  }
0xd2: {  	[sflag:s29] =	ssyncset.done $0x0  }
0xd3: {  	s13 =	rddreg [dreg:$0x9];
	[sflag:s29] =	ssyncadd.s32 $0xFFFF4000  }
0xd4: {  	[hbm4b:s13+s4] =	stream.linear.scatter [tilespmem:s11], [sflag:$0x3], $0xC000, $0x38;
	[tilespmem:$0x18100] =	vst v63  }
0xd5: {  	_ =	swait.ge [sflag:s30], $0xC000  }
0xd6: {  	[sflag:s30] =	ssyncset.done $0x0  }
0xd7: {  	s13 =	rddreg [dreg:$0xa];
	[sflag:s30] =	ssyncadd.s32 $0xFFFF4000  }
0xd8: {  	[hbm4b:s13+s4] =	stream.linear.scatter [tilespmem:s12], [sflag:$0x4], $0xC000, $0x38;
	[tilespmem:$0x18100] =	vst v63  }
0xd9: {  	p0 =	sne.s32 s9, $0x1;
	_ =	swait.ge [sflag:s31], $0xC000  }
.Ltmp0:
0xda: {  	[sflag:s31] =	ssyncset.done $0x0;
	(pc) =	sbr.rel @p0 .LBB2_1-.Ltmp0, $4  }
0xdb: {  	[sflag:s31] =	ssyncadd.s32 $0xFFFF4000  }
0xdc: {  	_ =	swait.ge [sflag:s0], $0xC000  }
0xdd: {  	[sflag:s0] =	ssyncset.done $0x0  }
0xde: {  	s9 =	sadd.s32 $0xFFFFFFFF, s9;
	[sflag:s0] =	ssyncadd.s32 $0xFFFF4000  }
0xdf: {  	_ =	sfence.sel $0x180000  }
0xe0: {  	[bflag:$0x0] =	sbarrier.arrive $0xFFFF  }
0xe1: {  	_ =	strace $0x90000047  }
0xe2: {  	s0 =	stileid.u32;
	[bflag:$0x2] =	sbarrier.arrive $0xFFFF  }
0xe3: {  	p0 =	sne.s32 s0, $0x0;
	s0 =	rddreg [dreg:$0x6]  }
0xe4: {  	s0 =	sadd.s32 @!p0 $0x100000, s0  }
0xe5: {  	[sflag:s0] =	ssyncadd.tile.s32 @!p0 $0x1;
	_ =	shalt  }
.Lfunc_end2:
_tile_overlayer_lowered:
.L_overlay_start_2:
0xe6: {  	(tag) =	ssettag $0x2  }
0xe7: {  	s0 =	rddreg [dreg:$0x0];
	s2 =	stileid.u32  }
0xe8: {  	s1 =	rddreg [dreg:$0x1];
	p0 =	sne.s32 s2, $0x0  }
0xe9: {  	s3 =	rddreg [dreg:$0x2];
	[bflag:$0x3] =	sbarrier.arrive $0xFFFF;
	s2 =	simm.s32 @!p0 $0x1C05  }
0xea: {  	[timem:s3], [sflag:s2] =	dma.local @!p0 [hbm:s0], s1  }
0xeb: {  	s0 =	simm.s32 @!p0 $0x5  }
0xec: {  	_ =	swait.ge @!p0 [sflag:s0], s1  }
0xed: {  	s1 =	ssub.s32 @!p0 $0x0, s1;
	[sflag:s0] =	ssyncset.done @!p0 $0x0  }
0xee: {  	[sflag:s0] =	ssyncadd.s32 @!p0 s1  }
0xef: {  	[bflag:$0x3] =	sbarrier.arrive $0xFFFF  }
0xf0: {  	_ =	shalt  }

// kernel: kernel.14.cloned.1.call-start
scs
__scs_entry_jumppad:
0x0: {  	(pc) =	sbr.rel $0x88, $3  }
0x1: {  	(tag) =	ssettag $0x0;
	lr =	simm.s32 $0x1  }
0x2: {  	[smem:$0x3F97] =	sst lr;
	_ =	strace $0xD0000000  }
0x3: {  	_ = 	snop  }
0x4: {  	_ = 	snop  }
0x5: {  	_ = 	snop  }
0x6: {  	_ = 	snop  }
0x7: {  	_ = 	snop  }
__scs_overlays_trampoline_lowered:
0x8: {  	[smem:$0x3FA6] =	sst s0  }
0x9: {  	[smem:$0x3FA7] =	sst s1  }
0xa: {  	[smem:$0x3FA8] =	sst s2  }
0xb: {  	[smem:$0x3FA9] =	sst s3  }
0xc: {  	[smem:$0x3FAA] =	sst s4  }
0xd: {  	[smem:$0x3FAB] =	sst s5  }
0xe: {  	[smem:$0x3FAC] =	sst s6  }
0xf: {  	[smem:$0x3FAD] =	sst s7  }
0x10: {  	[smem:$0x3FAE] =	sst s8  }
0x11: {  	[smem:$0x3FAF] =	sst s9;
	s0 =	simm.s32 @!p0 $0x0  }
0x12: {  	s1 =	sld [smem:$0x3F95];
	s0 =	simm.s32 @p0 $0x1  }
0x13: {  	[smem:$0x3FB0] =	sst s0;
	s0 =	simm.s32 @!p1 $0x0  }
0x14: {  	s2 =	sld [smem:$0x3F94];
	s0 =	simm.s32 @p1 $0x1  }
0x15: {  	[smem:$0x3FB1] =	sst s0;
	s0 =	simm.s32 @!p2 $0x0  }
0x16: {  	s3 =	sld [smem:$0x3FDB];
	s0 =	simm.s32 @p2 $0x1  }
0x17: {  	s4 =	simm.s32 $0x1BF5;
	[smem:$0x3FB3] =	sst s0  }
0x18: {  	s0 =	sld [smem:$0x3F96];
	_ =	swait.ge [sflag:s4], $0x0  }
0x19: {  	s7 =	sld [smem:$0x3F97]  }
0x1a: {  	s8 =	sadd.s32 $0xFFFFE003, lr  }
0x1b: {  	s9 =	sadd.s32 $0xFFFFFEF7, lr;
	s5 =	simm.s32 $0xFFFFFFFF;
	p2 =	slt.u32 s8, $0xFFFFF086  }
0x1c: {  	p1 =	slt.u32 s9, $0xF7A;
	s5 =	simm.s32 @!p2 $0x0  }
0x1d: {  	s5 =	simm.s32 @p1 $0x1;
	p0 =	seq.s32 s7, s2  }
0x1e: {  	s7 =	smul.u32 @!p0 $0xF7A, s2;
	p2 =	seq.s32 @!p0 s5, $0x0  }
0x1f: {  	s9 =	smul.u32 $0xF7A, s1;
	s8 =	simm.s32 @!p0 $0x1BF5;
	p2 =	por !p2, p0  }
0x20: {  	[sflag:s8] =	ssyncset.s32 @!p0 $0xFFFFF086;
	s6 =	sadd.s32 @!p0 s3, s7;
	s7 =	simm.s32 @!p0 $0x108  }
0x21: {  	s3 =	sadd.s32 s3, s9;
	s6 =	sadd.s32 @!p0 $0x88, s6;
	s7 =	simm.s32 @p2 $0x1082  }
0x22: {  	[simem:s7], [sflag:s8] =	dma.local @!p0 [hbm:s6], $0xF7A  }
0x23: {  	s9 =	sor.u32 $0xD0000000, s2;
	s6 =	simm.s32 $0x108;
	_ =	swait.ge @!p0 [sflag:s8], $0x0  }
0x24: {  	s3 =	sadd.s32 $0x88, s3;
	s6 =	simm.s32 @!p1 $0x1082;
	[sflag:s4] =	ssyncset.s32 $0xFFFFF086  }
0x25: {  	[simem:s6], [sflag:s4] =	dma.local [hbm:s3], $0xF7A  }
0x26: {  	[smem:$0x3F97] =	sst s1;
	(tag) =	ssettag s2;
	_ =	strace s9  }
0x27: {  	s1 =	sld [smem:$0x3FA7]  }
0x28: {  	s2 =	sld [smem:$0x3FA8]  }
0x29: {  	s4 =	sld [smem:$0x3FAA]  }
0x2a: {  	p0 =	seq.s32 s5, $0x0;
	s5 =	sld [smem:$0x3FAB]  }
0x2b: {  	s6 =	sld [smem:$0x3FAC]  }
0x2c: {  	s7 =	sld [smem:$0x3FAD]  }
0x2d: {  	s3 =	simm.s32 $0x108;
	s8 =	sld [smem:$0x3FAE]  }
0x2e: {  	s3 =	simm.s32 @!p0 $0x1082;
	s9 =	sld [smem:$0x3FAF]  }
0x2f: {  	lr =	sadd.s32 s0, s3;
	s0 =	sld [smem:$0x3FA6]  }
0x30: {  	s3 =	sld [smem:$0x3FA9]  }
0x31: {  	[smem:$0x3FB2] =	sst s10  }
0x32: {  	s10 =	sld [smem:$0x3FB0];
	_ =	sdelay $0x3  }
0x33: {  	p0 =	seq.s32 s10, $0x1;
	s10 =	sld [smem:$0x3FB2];
	_ =	sdelay $0x3  }
0x34: {  	[smem:$0x3FB2] =	sst s10  }
0x35: {  	s10 =	sld [smem:$0x3FB1];
	_ =	sdelay $0x3  }
0x36: {  	p1 =	seq.s32 s10, $0x1;
	s10 =	sld [smem:$0x3FB2];
	_ =	sdelay $0x3  }
0x37: {  	[smem:$0x3FB2] =	sst s10  }
0x38: {  	s10 =	sld [smem:$0x3FB3]  }
0x39: {  	_ = 	snop;
	(pc) =	sbr.ind lr, $3  }
0x3a: {  	_ = 	snop  }
0x3b: {  	_ = 	snop  }
0x3c: {  	p2 =	seq.s32 s10, $0x1;
	s10 =	sld [smem:$0x3FB2]  }
0x3d: {  	_ =	shalt  }
0x3e: {  	_ =	shalt  }
0x3f: {  	_ =	shalt  }
0x40: {  	_ =	shalt  }
0x41: {  	_ =	shalt  }
0x42: {  	_ =	shalt  }
0x43: {  	_ =	shalt  }
0x44: {  	_ =	shalt  }
0x45: {  	_ =	shalt  }
0x46: {  	_ =	shalt  }
0x47: {  	_ =	shalt  }
0x48: {  	_ =	shalt  }
0x49: {  	_ =	shalt  }
0x4a: {  	_ =	shalt  }
0x4b: {  	_ =	shalt  }
0x4c: {  	_ =	shalt  }
0x4d: {  	_ =	shalt  }
0x4e: {  	_ =	shalt  }
0x4f: {  	_ =	shalt  }
0x50: {  	_ =	shalt  }
0x51: {  	_ =	shalt  }
0x52: {  	_ =	shalt  }
0x53: {  	_ =	shalt  }
0x54: {  	_ =	shalt  }
0x55: {  	_ =	shalt  }
0x56: {  	_ =	shalt  }
0x57: {  	_ =	shalt  }
0x58: {  	_ =	shalt  }
0x59: {  	_ =	shalt  }
0x5a: {  	_ =	shalt  }
0x5b: {  	_ =	shalt  }
0x5c: {  	_ =	shalt  }
0x5d: {  	_ =	shalt  }
0x5e: {  	_ =	shalt  }
0x5f: {  	_ =	shalt  }
0x60: {  	_ =	shalt  }
0x61: {  	_ =	shalt  }
0x62: {  	_ =	shalt  }
0x63: {  	_ =	shalt  }
0x64: {  	_ =	shalt  }
0x65: {  	_ =	shalt  }
0x66: {  	_ =	shalt  }
0x67: {  	_ =	shalt  }
0x68: {  	_ =	shalt  }
0x69: {  	_ =	shalt  }
0x6a: {  	_ =	shalt  }
0x6b: {  	_ =	shalt  }
0x6c: {  	_ =	shalt  }
0x6d: {  	_ =	shalt  }
0x6e: {  	_ =	shalt  }
0x6f: {  	_ =	shalt  }
0x70: {  	_ =	shalt  }
0x71: {  	_ =	shalt  }
0x72: {  	_ =	shalt  }
0x73: {  	_ =	shalt  }
0x74: {  	_ =	shalt  }
0x75: {  	_ =	shalt  }
0x76: {  	_ =	shalt  }
0x77: {  	_ =	shalt  }
0x78: {  	_ =	shalt  }
0x79: {  	_ =	shalt  }
0x7a: {  	_ =	shalt  }
0x7b: {  	_ =	shalt  }
0x7c: {  	_ =	shalt  }
0x7d: {  	_ =	shalt  }
0x7e: {  	_ =	shalt  }
0x7f: {  	_ =	shalt  }
0x80: {  	_ =	shalt  }
0x81: {  	_ =	shalt  }
0x82: {  	_ =	shalt  }
0x83: {  	_ =	shalt  }
0x84: {  	_ =	shalt  }
0x85: {  	_ =	shalt  }
0x86: {  	_ =	shalt  }
0x87: {  	_ =	shalt  }
.Lfunc_end0:
.L_simem_size_0:
called_computation.1_lowered:
.L_overlay_start_0:
0x88: {  	s2 =	sld [smem:$0x3FD9]  }
0x89: {  	s3 =	sld [smem:$0x3FFE];
	_ =	sdelay $0x1  }
0x8a: {  	s1 =	srdreg.scid  }
0x8b: {  	s0 =	sand.u32 $0x1, s1  }
0x8c: {  	s17 =	sshll.u32 s0, $0xA;
	s2 =	sadd.s32 s3, s2  }
0x8d: {  	s2 =	sadd.s32 s2, s17  }
0x8e: {  	[smem:$0x3FBE] =	sst s2  }
0x8f: {  	_ = 	snop  }
0x90: {  	s4 =	sld [smem:$0x3FC9]  }
0x91: {  	s5 =	sld [smem:$0x3FC8]  }
0x92: {  	s18 =	sld [smem:$0x3FC7]  }
0x93: {  	s6 =	sld [smem:$0x3FC6];
	(tm) =	ssettm $0x1  }
0x94: {  	s19 =	sld [smem:$0x3FFB];
	_ =	sdelay $0x3  }
0x95: {  	_ =	strace s19  }
0x96: {  	s2 =	sld [smem:$0x3FFC];
	_ =	sdelay $0x3  }
0x97: {  	_ =	strace s2  }
0x98: {  	s2 =	sld [smem:$0x3FFD];
	_ =	sdelay $0x3  }
0x99: {  	_ =	strace s2  }
0x9a: {  	_ =	strace $0x8FFFFFFF  }
0x9b: {  	s20 =	sld [smem:$0x3FDB];
	_ =	sdelay $0x1  }
0x9c: {  	s7 =	simm.s32 $_scs_section_size  }
0x9d: {  	s8 =	simm.s32 $_size__tile_overlayer_lowered;
	s9 =	simm.s32 $_tile_overlayer_lowered  }
0x9e: {  	s10 =	simm.s32 $0x1BFF;
	s21 =	sshll.u32 s9, $0x1;
	s7 =	sadd.s32 s7, s20  }
0x9f: {  	s22 =	simm.s32 $0x0;
	s8 =	sshll.u32 s8, $0x1;
	s9 =	sadd.s32 s21, s7  }
0xa0: {  	[timem:s22], [sflag:s10] =	dma.local [hbm:s9], s8  }
0xa1: {  	_ =	swait.ge [sflag:s10], s8  }
0xa2: {  	s8 =	ssub.s32 $0x0, s8;
	[sflag:s10] =	ssyncset.done $0x0  }
0xa3: {  	[sflag:s10] =	ssyncadd.s32 s8;
	_ =	sdelay $0x1  }
0xa4: {  	s23 =	simm.s32 $0x1B8B  }
0xa5: {  	_ =	swait.ge [sflag:s23], $0x1  }
0xa6: {  	[sflag:s23] =	ssyncset.done $0x0  }
0xa7: {  	[sflag:s23] =	ssyncadd.s32 $0xFFFFFFFF  }
0xa8: {  	s8 =	sld [smem:$0x0]  }
0xa9: {  	s9 =	sand.u32 $0xFFFFFFFE, s1  }
0xaa: {  	p0 =	sne.s32 s1, s9  }
0xab: {  	s9 =	sshll.u32 @p0 s9, $0xE  }
0xac: {  	s9 =	sadd.s32 @p0 $0x11B8D, s9;
	s10 =	sshll.u32 @p0 s8, $0x11  }
0xad: {  	s9 =	sor.u32 @p0 s10, s9  }
0xae: {  	[sflag:s9] =	ssyncadd.remote.s32 @p0 $0x1;
	_ =	sdelay $0x1  }
0xaf: {  	s9 =	simm.s32 @p0 $0x1B8D  }
0xb0: {  	_ =	swait.eq @p0 [sflag:s9], $0x1  }
0xb1: {  	[sflag:s9] =	ssyncadd.s32 @p0 $0xFFFFFFFF  }
0xb2: {  	s10 =	sshll.u32 @!p0 s1, $0xE  }
0xb3: {  	s10 =	sor.u32 @!p0 $0x4000, s10;
	s9 =	simm.s32 @!p0 $0x1B8D  }
0xb4: {  	s8 =	sshll.u32 @!p0 s8, $0x11;
	s10 =	sadd.s32 @!p0 $0x11B8D, s10;
	_ =	swait.eq @!p0 [sflag:s9], $0x1  }
0xb5: {  	s8 =	sor.u32 @!p0 s8, s10;
	[sflag:s9] =	ssyncadd.s32 @!p0 $0xFFFFFFFF  }
0xb6: {  	s25 =	simm.s32 $0x1B8E;
	s24 =	sld [smem:$0x3FFE];
	[sflag:s8] =	ssyncadd.remote.s32 @!p0 $0x1  }
0xb7: {  	s26 =	simm.s32 $execute0_lowered;
	[smem:$0x3FD2] =	sst s25  }
0xb8: {  	s9 =	sshll.u32 s26, $0x1;
	_ =	strace $0x80000049;
	[dreg:$0x1] =	wrdreg $0xFFFFFFFF  }
0xb9: {  	s28 =	simm.s32 $_size_execute0_lowered;
	s7 =	sadd.s32 s7, s9;
	[dreg:$0x0] =	wrdreg $0x0  }
0xba: {  	s9 =	sshll.u32 s28, $0x1;
	[dreg:$0x2] =	wrdreg s7  }
0xbb: {  	[dreg:$0x3] =	wrdreg s9  }
0xbc: {  	[dreg:$0x4] =	wrdreg $0xC0  }
0xbd: {  	_ =	task [dreg:s22], $0x5FFFF  }
0xbe: {  	[dreg:$0x1] =	wrdreg $0xFFFFFFFF  }
0xbf: {  	[dreg:$0x0] =	wrdreg $0x60  }
0xc0: {  	[dreg:$0x2] =	wrdreg s4  }
0xc1: {  	[dreg:$0x3] =	wrdreg s5  }
0xc2: {  	[dreg:$0x4] =	wrdreg s6  }
0xc3: {  	[dreg:$0x5] =	wrdreg s18  }
0xc4: {  	[dreg:$0x6] =	wrdreg s24  }
0xc5: {  	[dreg:$0x7] =	wrdreg $0xA  }
0xc6: {  	_ =	task.clear_ibuf [dreg:s22], $0x8FFFF;
	_ =	strace $0x90000049  }
0xc7: {  	s29 =	simm.s32 $0xA;
	_ =	strace $0x8000004B  }
0xc8: {  	_ =	swait.ge [sflag:s29], $0x1  }
0xc9: {  	[sflag:s29] =	ssyncadd.s32 $0xFFFFFFFF  }
0xca: {  	_ =	strace $0x9000004B  }
0xcb: {  	_ =	sfence  }
0xcc: {  	s30 =	sld [smem:$0x0];
	_ =	sdelay $0x2  }
0xcd: {  	s31 =	sshll.u32 s1, $0xD;
	s1 =	sshrl.u32 s1, $0x2  }
0xce: {  	s4 =	sand.u32 $0x4000, s31;
	s1 =	sadd.s32 s1, s30  }
0xcf: {  	s0 =	sor.u32 s4, s0;
	s1 =	sshll.u32 s1, $0x11  }
0xd0: {  	s0 =	sor.u32 s1, s0  }
0xd1: {  	s0 =	sadd.s32 $0x8F2B, s0  }
0xd2: {  	[sflag:s0] =	ssyncadd.remote.s32 $0x1  }
0xd3: {  	_ =	sfence.sel $0xFFFF  }
0xd4: {  	[dreg:$0x0] =	wrdreg $0xFFFFFFFF;
	(pc) =	sbr.abs _section_cstart, $3  }
0xd5: {  	[dreg:$0x1] =	wrdreg $0xFFFFFFFF  }
0xd6: {  	_ =	task.clear_ibuf [dreg:s22], $0x2FFFF;
	_ =	strace $0x9FFFFFFF  }
0xd7: {  	(tm) =	ssettm $0x7FFFFFFF  }
tec
execute0_lowered:
.L_overlay_start_1:
0x0: {  	(tag) =	ssettag $0x1  }
0x1: {  	s0 =	rddreg [dreg:$0x0]  }
0x2: {  	s2 =	rddreg [dreg:$0x1]  }
0x3: {  	s1 =	rddreg [dreg:$0x2]  }
0x4: {  	s3 =	rddreg [dreg:$0x3]  }
0x5: {  	s5 =	rddreg [dreg:$0x4]  }
0x6: {  	s4 =	srdreg.scid;
	s7 =	stileid.u32  }
0x7: {  	s26 =	simm.s32 $0x80;
	s28 =	simm.s32 $0x2900;
	s29 =	simm.s32 $0x3100  }
0x8: {  	s30 =	simm.s32 $0x3900;
	s31 =	simm.s32 $0x4100;
	s15 =	simm.s32 $0x6900  }
0x9: {  	s16 =	simm.s32 $0x7100;
	s14 =	simm.s32 $0x9100;
	s6 =	sand.u32 $0x1, s4  }
0xa: {  	s4 =	simm.s32 $0x0;
	s7 =	sshll.u32 s7, $0x8;
	s17 =	sadd.s32 $0x3600, s5  }
0xb: {  	s9 =	sadd.s32 $0x63600, s5;
	s5 =	sadd.s32 $0x100, s1;
	s8 =	sshll.u32 s6, $0x7  }
0xc: {  	[smem:$0x7FF] =	sst s4;
	s18 =	ssub.s32 $0x2, s6;
	s6 =	sadd.s32 $0x200, s1  }
0xd: {  	s7 =	sor.u32 s8, s7;
	_ =	strace $0x8000004A;
	s10 =	sshrl.u32 s18, $0x1  }
0xe: {  	s8 =	sadd.s32 $0x200, s3;
	[dreg:$0xc] =	wrdreg s26;
	s7 =	sshrl.u32 s7, $0x3  }
0xf: {  	s26 =	simm.s32 $0x2100;
	s10 =	ssub.s32 s18, s10;
	s11 =	smul.u32 $0x300, s7  }
0x10: {  	s18 =	simm.s32 $0x9900;
	s19 =	sadd.s32 $0x100, s7;
	s21 =	smul.u32 $0x1800, s7  }
0x11: {  	s7 =	sadd.s32 $0x100, s3;
	s13 =	smax.u32 s10, $0x1;
	s0 =	sadd.s32 s0, s19  }
0x12: {  	s20 =	sadd.s32 s2, s19;
	s19 =	simm.s32 $0xA100;
	[dreg:$0x6] =	wrdreg s0  }
0x13: {  	[dreg:$0x7] =	wrdreg s20;
	s22 =	sadd.s32 s17, s11;
	s2 =	sshrl.u32 s21, $0x3  }
0x14: {  	s23 =	sadd.s32 s9, s11;
	s20 =	simm.s32 $0xA900;
	[dreg:$0x8] =	wrdreg s22  }
0x15: {  	s21 =	simm.s32 $0xB100;
	s2 =	sadd.s32 $0x1800, s2;
	[dreg:$0x9] =	wrdreg s23  }
0x16: {  	v2 =	vlaneseq.u32;
	s24 =	sadd.s32 s17, s2;
	s25 =	sadd.s32 s9, s2;
	s17 =	simm.s32 $0x7900  }
0x17: {  	vm0 =	vmmov $0xffff;
	v1 =	vshrl.u32 v2, $0x3;
	s2 =	simm.s32 $0xC100;
	s9 =	simm.s32 $0x3;
	[dreg:$0xa] =	wrdreg s24  }
0x18: {  	v0 =	vand.u32 $0x7, v2;
	v2 =	vor.u32 $0x8, v2;
	v1 =	vmul.u32 $0x8, v1;
	[dreg:$0xb] =	wrdreg s25;
	s24 =	simm.s32 $0x1100;
	s25 =	simm.s32 $0x1900  }
.LBB2_1:
0x19: {  	s22 =	rddreg [dreg:$0x6];
	s0 =	simm.s32 $0x5  }
0x1a: {  	[tilespmem:s4], [sflag:$0x5] =	stream.linear.gather [hbm4b:s22+s4], $0x80, $0x38;
	[tilespmem:$0x18100] =	vst v63  }
0x1b: {  	_ =	swait.ge [sflag:s0], $0x80  }
0x1c: {  	s12 =	rddreg [dreg:$0x7];
	[sflag:s0] =	ssyncset.done $0x0  }
0x1d: {  	s23 =	rddreg [dreg:$0xc];
	[sflag:s0] =	ssyncadd.s32 $0xFFFFFF80  }
0x1e: {  	[tilespmem:s23], [sflag:$0x5] =	stream.linear.gather [hbm4b:s12+s4], $0x80, $0x38;
	[tilespmem:$0x18100] =	vst v63  }
0x1f: {  	_ =	swait.ge [sflag:s0], $0x80  }
0x20: {  	[sflag:s0] =	ssyncset.done $0x0  }
0x21: {  	[sflag:s0] =	ssyncadd.s32 $0xFFFFFF80  }
0x22: {  	v3 =	vld [tilespmem:$0x0];
	_ =	sdelay $0x4  }
0x23: {  	v4 =	vshrl.u32 v3, $0x3  }
0x24: {  	v4 =	vmul.u32 $0x30, v4  }
0x25: {  	v3 =	vand.u32 $0x7, v3  }
0x26: {  	v3 =	vor.u32 v3, v4  }
0x27: {  	v4 =	vperm.xlane v3, v0;
	_ =	sdelay $0x1  }
0x28: {  	v4 =	vadd.s32 v1, v4;
	_ =	sdelay $0x3  }
0x29: {  	s10 =	simm.s32 $0x100;
	v3 =	vperm.xlane v3, v2  }
0x2a: {  	[tilespmem:s10], [sflag:$0x1] =	stream.indirect_vreg.gather [hbm4b:s1+s4], $0x80, v4, vm0, $0xb8;
	[tilespmem:$0x18100] =	vst v63  }
0x2b: {  	s23 =	simm.s32 $0x900;
	v3 =	vadd.s32 v1, v3  }
0x2c: {  	[tilespmem:s23], [sflag:$0x1] =	stream.indirect_vreg.gather [hbm4b:s5+s4], $0x80, v4, vm0, $0xb8;
	[tilespmem:$0x18100] =	vst v63  }
0x2d: {  	_ = 	snop  }
0x2e: {  	[tilespmem:s24], [sflag:$0x1] =	stream.indirect_vreg.gather [hbm4b:s6+s4], $0x80, v4, vm0, $0xb8;
	[tilespmem:$0x18100] =	vst v63  }
0x2f: {  	_ = 	snop  }
0x30: {  	[tilespmem:s25], [sflag:$0x1] =	stream.indirect_vreg.gather [hbm4b:s1+s4], $0x80, v3, vm0, $0xb8;
	[tilespmem:$0x18100] =	vst v63  }
0x31: {  	_ = 	snop  }
0x32: {  	[tilespmem:s26], [sflag:$0x1] =	stream.indirect_vreg.gather [hbm4b:s5+s4], $0x80, v3, vm0, $0xb8;
	[tilespmem:$0x18100] =	vst v63  }
0x33: {  	_ = 	snop  }
0x34: {  	[tilespmem:s28], [sflag:$0x1] =	stream.indirect_vreg.gather [hbm4b:s6+s4], $0x80, v3, vm0, $0xb8;
	[tilespmem:$0x18100] =	vst v63  }
0x35: {  	v3 =	vld [tilespmem:$0x10];
	_ =	sdelay $0x4  }
0x36: {  	v49 =	vshrl.u32 v3, $0x3  }
0x37: {  	v4 =	vmul.u32 $0x30, v49  }
0x38: {  	v3 =	vand.u32 $0x7, v3  }
0x39: {  	v3 =	vor.u32 v3, v4  }
0x3a: {  	v4 =	vperm.xlane v3, v0;
	_ =	sdelay $0x1  }
0x3b: {  	v4 =	vadd.s32 v1, v4;
	_ =	sdelay $0x3  }
0x3c: {  	v3 =	vperm.xlane v3, v2  }
0x3d: {  	[tilespmem:s29], [sflag:$0x1] =	stream.indirect_vreg.gather [hbm4b:s1+s4], $0x80, v4, vm0, $0xb8;
	[tilespmem:$0x18100] =	vst v63  }
0x3e: {  	v3 =	vadd.s32 v1, v3  }
0x3f: {  	[tilespmem:s30], [sflag:$0x1] =	stream.indirect_vreg.gather [hbm4b:s5+s4], $0x80, v4, vm0, $0xb8;
	[tilespmem:$0x18100] =	vst v63  }
0x40: {  	_ = 	snop  }
0x41: {  	[tilespmem:s31], [sflag:$0x1] =	stream.indirect_vreg.gather [hbm4b:s6+s4], $0x80, v4, vm0, $0xb8;
	[tilespmem:$0x18100] =	vst v63  }
0x42: {  	s11 =	simm.s32 $0x4900  }
0x43: {  	[tilespmem:s11], [sflag:$0x1] =	stream.indirect_vreg.gather [hbm4b:s1+s4], $0x80, v3, vm0, $0xb8;
	[tilespmem:$0x18100] =	vst v63  }
0x44: {  	s12 =	simm.s32 $0x5100  }
0x45: {  	[tilespmem:s12], [sflag:$0x1] =	stream.indirect_vreg.gather [hbm4b:s5+s4], $0x80, v3, vm0, $0xb8;
	[tilespmem:$0x18100] =	vst v63  }
0x46: {  	s12 =	simm.s32 $0x5900  }
0x47: {  	[tilespmem:s12], [sflag:$0x1] =	stream.indirect_vreg.gather [hbm4b:s6+s4], $0x80, v3, vm0, $0xb8;
	[tilespmem:$0x18100] =	vst v63  }
0x48: {  	v3 =	vld [tilespmem:$0x20];
	_ =	sdelay $0x4  }
0x49: {  	v50 =	vshrl.u32 v3, $0x3  }
0x4a: {  	v4 =	vmul.u32 $0x30, v50  }
0x4b: {  	v3 =	vand.u32 $0x7, v3  }
0x4c: {  	v3 =	vor.u32 v3, v4  }
0x4d: {  	v4 =	vperm.xlane v3, v0;
	_ =	sdelay $0x1  }
0x4e: {  	v4 =	vadd.s32 v1, v4;
	_ =	sdelay $0x3  }
0x4f: {  	s22 =	simm.s32 $0x6100;
	v3 =	vperm.xlane v3, v2  }
0x50: {  	[tilespmem:s22], [sflag:$0x1] =	stream.indirect_vreg.gather [hbm4b:s1+s4], $0x80, v4, vm0, $0xb8;
	[tilespmem:$0x18100] =	vst v63  }
0x51: {  	v3 =	vadd.s32 v1, v3  }
0x52: {  	[tilespmem:s15], [sflag:$0x1] =	stream.indirect_vreg.gather [hbm4b:s5+s4], $0x80, v4, vm0, $0xb8;
	[tilespmem:$0x18100] =	vst v63  }
0x53: {  	_ = 	snop  }
0x54: {  	[tilespmem:s16], [sflag:$0x1] =	stream.indirect_vreg.gather [hbm4b:s6+s4], $0x80, v4, vm0, $0xb8;
	[tilespmem:$0x18100] =	vst v63  }
0x55: {  	_ = 	snop  }
0x56: {  	[tilespmem:s17], [sflag:$0x1] =	stream.indirect_vreg.gather [hbm4b:s1+s4], $0x80, v3, vm0, $0xb8;
	[tilespmem:$0x18100] =	vst v63  }
0x57: {  	s11 =	simm.s32 $0x8100  }
0x58: {  	[tilespmem:s11], [sflag:$0x1] =	stream.indirect_vreg.gather [hbm4b:s5+s4], $0x80, v3, vm0, $0xb8;
	[tilespmem:$0x18100] =	vst v63  }
0x59: {  	s10 =	simm.s32 $0x8900  }
0x5a: {  	[tilespmem:s10], [sflag:$0x1] =	stream.indirect_vreg.gather [hbm4b:s6+s4], $0x80, v3, vm0, $0xb8;
	[tilespmem:$0x18100] =	vst v63  }
0x5b: {  	v3 =	vld [tilespmem:$0x30];
	_ =	sdelay $0x4  }
0x5c: {  	v51 =	vshrl.u32 v3, $0x3  }
0x5d: {  	v4 =	vmul.u32 $0x30, v51  }
0x5e: {  	v3 =	vand.u32 $0x7, v3  }
0x5f: {  	v3 =	vor.u32 v3, v4  }
0x60: {  	v4 =	vperm.xlane v3, v0;
	_ =	sdelay $0x1  }
0x61: {  	v4 =	vadd.s32 v1, v4;
	_ =	sdelay $0x3  }
0x62: {  	v3 =	vperm.xlane v3, v2  }
0x63: {  	[tilespmem:s14], [sflag:$0x1] =	stream.indirect_vreg.gather [hbm4b:s1+s4], $0x80, v4, vm0, $0xb8;
	[tilespmem:$0x18100] =	vst v63  }
0x64: {  	v3 =	vadd.s32 v1, v3  }
0x65: {  	[tilespmem:s18], [sflag:$0x1] =	stream.indirect_vreg.gather [hbm4b:s5+s4], $0x80, v4, vm0, $0xb8;
	[tilespmem:$0x18100] =	vst v63  }
0x66: {  	_ = 	snop  }
0x67: {  	[tilespmem:s19], [sflag:$0x1] =	stream.indirect_vreg.gather [hbm4b:s6+s4], $0x80, v4, vm0, $0xb8;
	[tilespmem:$0x18100] =	vst v63  }
0x68: {  	_ = 	snop  }
0x69: {  	[tilespmem:s20], [sflag:$0x1] =	stream.indirect_vreg.gather [hbm4b:s1+s4], $0x80, v3, vm0, $0xb8;
	[tilespmem:$0x18100] =	vst v63  }
0x6a: {  	_ = 	snop  }
0x6b: {  	[tilespmem:s21], [sflag:$0x1] =	stream.indirect_vreg.gather [hbm4b:s5+s4], $0x80, v3, vm0, $0xb8;
	[tilespmem:$0x18100] =	vst v63  }
0x6c: {  	s22 =	simm.s32 $0xB900  }
0x6d: {  	[tilespmem:s22], [sflag:$0x1] =	stream.indirect_vreg.gather [hbm4b:s6+s4], $0x80, v3, vm0, $0xb8;
	[tilespmem:$0x18100] =	vst v63  }
0x6e: {  	v3 =	vld [tilespmem:$0x80];
	_ =	sdelay $0x4  }
0x6f: {  	v52 =	vshrl.u32 v3, $0x3  }
0x70: {  	v4 =	vmul.u32 $0x30, v52  }
0x71: {  	v3 =	vand.u32 $0x7, v3  }
0x72: {  	v3 =	vor.u32 v3, v4  }
0x73: {  	v4 =	vperm.xlane v3, v0;
	_ =	sdelay $0x1  }
0x74: {  	v4 =	vadd.s32 v1, v4;
	_ =	sdelay $0x3  }
0x75: {  	v3 =	vperm.xlane v3, v2  }
0x76: {  	[tilespmem:s2], [sflag:$0x2] =	stream.indirect_vreg.gather [hbm4b:s3+s4], $0x80, v4, vm0, $0xb8;
	[tilespmem:$0x18100] =	vst v63  }
0x77: {  	s10 =	simm.s32 $0xC900;
	v3 =	vadd.s32 v1, v3  }
0x78: {  	[tilespmem:s10], [sflag:$0x2] =	stream.indirect_vreg.gather [hbm4b:s7+s4], $0x80, v4, vm0, $0xb8;
	[tilespmem:$0x18100] =	vst v63  }
0x79: {  	s22 =	simm.s32 $0xD100  }
0x7a: {  	[tilespmem:s22], [sflag:$0x2] =	stream.indirect_vreg.gather [hbm4b:s8+s4], $0x80, v4, vm0, $0xb8;
	[tilespmem:$0x18100] =	vst v63  }
0x7b: {  	s10 =	simm.s32 $0xD900  }
0x7c: {  	[tilespmem:s10], [sflag:$0x2] =	stream.indirect_vreg.gather [hbm4b:s3+s4], $0x80, v3, vm0, $0xb8;
	[tilespmem:$0x18100] =	vst v63  }
0x7d: {  	s22 =	simm.s32 $0xE100  }
0x7e: {  	[tilespmem:s22], [sflag:$0x2] =	stream.indirect_vreg.gather [hbm4b:s7+s4], $0x80, v3, vm0, $0xb8;
	[tilespmem:$0x18100] =	vst v63  }
0x7f: {  	s10 =	simm.s32 $0xE900  }
0x80: {  	[tilespmem:s10], [sflag:$0x2] =	stream.indirect_vreg.gather [hbm4b:s8+s4], $0x80, v3, vm0, $0xb8;
	[tilespmem:$0x18100] =	vst v63  }
0x81: {  	v3 =	vld [tilespmem:$0x90];
	_ =	sdelay $0x4  }
0x82: {  	v53 =	vshrl.u32 v3, $0x3  }
0x83: {  	v4 =	vmul.u32 $0x30, v53  }
0x84: {  	v3 =	vand.u32 $0x7, v3  }
0x85: {  	v3 =	vor.u32 v3, v4  }
0x86: {  	v4 =	vperm.xlane v3, v0;
	_ =	sdelay $0x1  }
0x87: {  	v4 =	vadd.s32 v1, v4;
	_ =	sdelay $0x3  }
0x88: {  	s22 =	simm.s32 $0xF100;
	v3 =	vperm.xlane v3, v2  }
0x89: {  	[tilespmem:s22], [sflag:$0x2] =	stream.indirect_vreg.gather [hbm4b:s3+s4], $0x80, v4, vm0, $0xb8;
	[tilespmem:$0x18100] =	vst v63  }
0x8a: {  	s10 =	simm.s32 $0xF900;
	v3 =	vadd.s32 v1, v3  }
0x8b: {  	[tilespmem:s10], [sflag:$0x2] =	stream.indirect_vreg.gather [hbm4b:s7+s4], $0x80, v4, vm0, $0xb8;
	[tilespmem:$0x18100] =	vst v63  }
0x8c: {  	s22 =	simm.s32 $0x10100  }
0x8d: {  	[tilespmem:s22], [sflag:$0x2] =	stream.indirect_vreg.gather [hbm4b:s8+s4], $0x80, v4, vm0, $0xb8;
	[tilespmem:$0x18100] =	vst v63  }
0x8e: {  	s10 =	simm.s32 $0x10900  }
0x8f: {  	[tilespmem:s10], [sflag:$0x2] =	stream.indirect_vreg.gather [hbm4b:s3+s4], $0x80, v3, vm0, $0xb8;
	[tilespmem:$0x18100] =	vst v63  }
0x90: {  	s22 =	simm.s32 $0x11100  }
0x91: {  	[tilespmem:s22], [sflag:$0x2] =	stream.indirect_vreg.gather [hbm4b:s7+s4], $0x80, v3, vm0, $0xb8;
	[tilespmem:$0x18100] =	vst v63  }
0x92: {  	s10 =	simm.s32 $0x11900  }
0x93: {  	[tilespmem:s10], [sflag:$0x2] =	stream.indirect_vreg.gather [hbm4b:s8+s4], $0x80, v3, vm0, $0xb8;
	[tilespmem:$0x18100] =	vst v63  }
0x94: {  	v3 =	vld [tilespmem:$0xA0];
	_ =	sdelay $0x4  }
0x95: {  	v54 =	vshrl.u32 v3, $0x3  }
0x96: {  	v4 =	vmul.u32 $0x30, v54  }
0x97: {  	v3 =	vand.u32 $0x7, v3  }
0x98: {  	v3 =	vor.u32 v3, v4  }
0x99: {  	v4 =	vperm.xlane v3, v0;
	_ =	sdelay $0x1  }
0x9a: {  	v4 =	vadd.s32 v1, v4;
	_ =	sdelay $0x3  }
0x9b: {  	s22 =	simm.s32 $0x12100;
	v3 =	vperm.xlane v3, v2  }
0x9c: {  	[tilespmem:s22], [sflag:$0x2] =	stream.indirect_vreg.gather [hbm4b:s3+s4], $0x80, v4, vm0, $0xb8;
	[tilespmem:$0x18100] =	vst v63  }
0x9d: {  	s10 =	simm.s32 $0x12900;
	v3 =	vadd.s32 v1, v3  }
0x9e: {  	[tilespmem:s10], [sflag:$0x2] =	stream.indirect_vreg.gather [hbm4b:s7+s4], $0x80, v4, vm0, $0xb8;
	[tilespmem:$0x18100] =	vst v63  }
0x9f: {  	s22 =	simm.s32 $0x13100  }
0xa0: {  	[tilespmem:s22], [sflag:$0x2] =	stream.indirect_vreg.gather [hbm4b:s8+s4], $0x80, v4, vm0, $0xb8;
	[tilespmem:$0x18100] =	vst v63  }
0xa1: {  	s10 =	simm.s32 $0x13900  }
0xa2: {  	[tilespmem:s10], [sflag:$0x2] =	stream.indirect_vreg.gather [hbm4b:s3+s4], $0x80, v3, vm0, $0xb8;
	[tilespmem:$0x18100] =	vst v63  }
0xa3: {  	s22 =	simm.s32 $0x14100  }
0xa4: {  	[tilespmem:s22], [sflag:$0x2] =	stream.indirect_vreg.gather [hbm4b:s7+s4], $0x80, v3, vm0, $0xb8;
	[tilespmem:$0x18100] =	vst v63  }
0xa5: {  	s10 =	simm.s32 $0x14900  }
0xa6: {  	[tilespmem:s10], [sflag:$0x2] =	stream.indirect_vreg.gather [hbm4b:s8+s4], $0x80, v3, vm0, $0xb8;
	[tilespmem:$0x18100] =	vst v63  }
0xa7: {  	v3 =	vld [tilespmem:$0xB0];
	_ =	sdelay $0x4  }
0xa8: {  	v55 =	vshrl.u32 v3, $0x3  }
0xa9: {  	v4 =	vmul.u32 $0x30, v55  }
0xaa: {  	v3 =	vand.u32 $0x7, v3  }
0xab: {  	v3 =	vor.u32 v3, v4  }
0xac: {  	v4 =	vperm.xlane v3, v0;
	_ =	sdelay $0x1  }
0xad: {  	v4 =	vadd.s32 v1, v4;
	_ =	sdelay $0x3  }
0xae: {  	s22 =	simm.s32 $0x15100;
	v3 =	vperm.xlane v3, v2  }
0xaf: {  	[tilespmem:s22], [sflag:$0x2] =	stream.indirect_vreg.gather [hbm4b:s3+s4], $0x80, v4, vm0, $0xb8;
	[tilespmem:$0x18100] =	vst v63  }
0xb0: {  	s10 =	simm.s32 $0x15900;
	v3 =	vadd.s32 v1, v3  }
0xb1: {  	[tilespmem:s10], [sflag:$0x2] =	stream.indirect_vreg.gather [hbm4b:s7+s4], $0x80, v4, vm0, $0xb8;
	[tilespmem:$0x18100] =	vst v63  }
0xb2: {  	s22 =	simm.s32 $0x16100  }
0xb3: {  	[tilespmem:s22], [sflag:$0x2] =	stream.indirect_vreg.gather [hbm4b:s8+s4], $0x80, v4, vm0, $0xb8;
	[tilespmem:$0x18100] =	vst v63  }
0xb4: {  	s10 =	simm.s32 $0x16900  }
0xb5: {  	[tilespmem:s10], [sflag:$0x2] =	stream.indirect_vreg.gather [hbm4b:s3+s4], $0x80, v3, vm0, $0xb8;
	[tilespmem:$0x18100] =	vst v63  }
0xb6: {  	s22 =	simm.s32 $0x17100  }
0xb7: {  	[tilespmem:s22], [sflag:$0x2] =	stream.indirect_vreg.gather [hbm4b:s7+s4], $0x80, v3, vm0, $0xb8;
	[tilespmem:$0x18100] =	vst v63  }
0xb8: {  	s0 =	simm.s32 $0x1;
	s10 =	simm.s32 $0x17900  }
0xb9: {  	[tilespmem:s10], [sflag:$0x2] =	stream.indirect_vreg.gather [hbm4b:s8+s4], $0x80, v3, vm0, $0xb8;
	[tilespmem:$0x18100] =	vst v63  }
0xba: {  	_ =	swait.ge [sflag:s0], $0xC000  }
0xbb: {  	[sflag:s0] =	ssyncset.done $0x0  }
0xbc: {  	s10 =	simm.s32 $0x100;
	s22 =	rddreg [dreg:$0x8];
	[sflag:s0] =	ssyncadd.s32 $0xFFFF4000  }
0xbd: {  	[hbm4b:s22+s4] =	stream.linear.scatter [tilespmem:s10], [sflag:$0x3], $0xC000, $0x38;
	[tilespmem:$0x18100] =	vst v63  }
0xbe: {  	_ =	swait.ge [sflag:s9], $0xC000  }
0xbf: {  	[sflag:s9] =	ssyncset.done $0x0  }
0xc0: {  	[sflag:s9] =	ssyncadd.s32 $0xFFFF4000  }
0xc1: {  	v3 =	vld [tilespmem:$0x40];
	_ =	sdelay $0x4  }
0xc2: {  	v56 =	vshrl.u32 v3, $0x3  }
0xc3: {  	v4 =	vmul.u32 $0x30, v56  }
0xc4: {  	v3 =	vand.u32 $0x7, v3  }
0xc5: {  	v3 =	vor.u32 v3, v4  }
0xc6: {  	v4 =	vperm.xlane v3, v0;
	_ =	sdelay $0x1  }
0xc7: {  	v4 =	vadd.s32 v1, v4;
	_ =	sdelay $0x3  }
0xc8: {  	v3 =	vperm.xlane v3, v2  }
0xc9: {  	[tilespmem:s10], [sflag:$0x1] =	stream.indirect_vreg.gather [hbm4b:s1+s4], $0x80, v4, vm0, $0xb8;
	[tilespmem:$0x18100] =	vst v63  }
0xca: {  	v3 =	vadd.s32 v1, v3  }
0xcb: {  	[tilespmem:s23], [sflag:$0x1] =	stream.indirect_vreg.gather [hbm4b:s5+s4], $0x80, v4, vm0, $0xb8;
	[tilespmem:$0x18100] =	vst v63  }
0xcc: {  	_ = 	snop  }
0xcd: {  	[tilespmem:s24], [sflag:$0x1] =	stream.indirect_vreg.gather [hbm4b:s6+s4], $0x80, v4, vm0, $0xb8;
	[tilespmem:$0x18100] =	vst v63  }
0xce: {  	_ = 	snop  }
0xcf: {  	[tilespmem:s25], [sflag:$0x1] =	stream.indirect_vreg.gather [hbm4b:s1+s4], $0x80, v3, vm0, $0xb8;
	[tilespmem:$0x18100] =	vst v63  }
0xd0: {  	_ = 	snop  }
0xd1: {  	[tilespmem:s26], [sflag:$0x1] =	stream.indirect_vreg.gather [hbm4b:s5+s4], $0x80, v3, vm0, $0xb8;
	[tilespmem:$0x18100] =	vst v63  }
0xd2: {  	_ = 	snop  }
0xd3: {  	[tilespmem:s28], [sflag:$0x1] =	stream.indirect_vreg.gather [hbm4b:s6+s4], $0x80, v3, vm0, $0xb8;
	[tilespmem:$0x18100] =	vst v63  }
0xd4: {  	v3 =	vld [tilespmem:$0x50];
	_ =	sdelay $0x4  }
0xd5: {  	v57 =	vshrl.u32 v3, $0x3  }
0xd6: {  	v4 =	vmul.u32 $0x30, v57  }
0xd7: {  	v3 =	vand.u32 $0x7, v3  }
0xd8: {  	v3 =	vor.u32 v3, v4  }
0xd9: {  	v4 =	vperm.xlane v3, v0;
	_ =	sdelay $0x1  }
0xda: {  	v4 =	vadd.s32 v1, v4;
	_ =	sdelay $0x3  }
0xdb: {  	v3 =	vperm.xlane v3, v2  }
0xdc: {  	[tilespmem:s29], [sflag:$0x1] =	stream.indirect_vreg.gather [hbm4b:s1+s4], $0x80, v4, vm0, $0xb8;
	[tilespmem:$0x18100] =	vst v63  }
0xdd: {  	v3 =	vadd.s32 v1, v3  }
0xde: {  	[tilespmem:s30], [sflag:$0x1] =	stream.indirect_vreg.gather [hbm4b:s5+s4], $0x80, v4, vm0, $0xb8;
	[tilespmem:$0x18100] =	vst v63  }
0xdf: {  	_ = 	snop  }
0xe0: {  	[tilespmem:s31], [sflag:$0x1] =	stream.indirect_vreg.gather [hbm4b:s6+s4], $0x80, v4, vm0, $0xb8;
	[tilespmem:$0x18100] =	vst v63  }
0xe1: {  	s22 =	simm.s32 $0x4900  }
0xe2: {  	[tilespmem:s22], [sflag:$0x1] =	stream.indirect_vreg.gather [hbm4b:s1+s4], $0x80, v3, vm0, $0xb8;
	[tilespmem:$0x18100] =	vst v63  }
0xe3: {  	s23 =	simm.s32 $0x5100  }
0xe4: {  	[tilespmem:s23], [sflag:$0x1] =	stream.indirect_vreg.gather [hbm4b:s5+s4], $0x80, v3, vm0, $0xb8;
	[tilespmem:$0x18100] =	vst v63  }
0xe5: {  	_ = 	snop  }
0xe6: {  	[tilespmem:s12], [sflag:$0x1] =	stream.indirect_vreg.gather [hbm4b:s6+s4], $0x80, v3, vm0, $0xb8;
	[tilespmem:$0x18100] =	vst v63  }
0xe7: {  	v3 =	vld [tilespmem:$0x60];
	_ =	sdelay $0x4  }
0xe8: {  	v58 =	vshrl.u32 v3, $0x3  }
0xe9: {  	v4 =	vmul.u32 $0x30, v58  }
0xea: {  	v3 =	vand.u32 $0x7, v3  }
0xeb: {  	v3 =	vor.u32 v3, v4  }
0xec: {  	v4 =	vperm.xlane v3, v0;
	_ =	sdelay $0x1  }
0xed: {  	v4 =	vadd.s32 v1, v4;
	_ =	sdelay $0x3  }
0xee: {  	s22 =	simm.s32 $0x6100;
	v3 =	vperm.xlane v3, v2  }
0xef: {  	[tilespmem:s22], [sflag:$0x1] =	stream.indirect_vreg.gather [hbm4b:s1+s4], $0x80, v4, vm0, $0xb8;
	[tilespmem:$0x18100] =	vst v63  }
0xf0: {  	v3 =	vadd.s32 v1, v3  }
0xf1: {  	[tilespmem:s15], [sflag:$0x1] =	stream.indirect_vreg.gather [hbm4b:s5+s4], $0x80, v4, vm0, $0xb8;
	[tilespmem:$0x18100] =	vst v63  }
0xf2: {  	_ = 	snop  }
0xf3: {  	[tilespmem:s16], [sflag:$0x1] =	stream.indirect_vreg.gather [hbm4b:s6+s4], $0x80, v4, vm0, $0xb8;
	[tilespmem:$0x18100] =	vst v63  }
0xf4: {  	_ = 	snop  }
0xf5: {  	[tilespmem:s17], [sflag:$0x1] =	stream.indirect_vreg.gather [hbm4b:s1+s4], $0x80, v3, vm0, $0xb8;
	[tilespmem:$0x18100] =	vst v63  }
0xf6: {  	_ = 	snop  }
0xf7: {  	[tilespmem:s11], [sflag:$0x1] =	stream.indirect_vreg.gather [hbm4b:s5+s4], $0x80, v3, vm0, $0xb8;
	[tilespmem:$0x18100] =	vst v63  }
0xf8: {  	s23 =	simm.s32 $0x8900  }
0xf9: {  	[tilespmem:s23], [sflag:$0x1] =	stream.indirect_vreg.gather [hbm4b:s6+s4], $0x80, v3, vm0, $0xb8;
	[tilespmem:$0x18100] =	vst v63  }
0xfa: {  	v3 =	vld [tilespmem:$0x70];
	_ =	sdelay $0x4  }
0xfb: {  	v59 =	vshrl.u32 v3, $0x3  }
0xfc: {  	v4 =	vmul.u32 $0x30, v59  }
0xfd: {  	v3 =	vand.u32 $0x7, v3  }
0xfe: {  	v3 =	vor.u32 v3, v4  }
0xff: {  	v4 =	vperm.xlane v3, v0;
	_ =	sdelay $0x1  }
0x100: {  	v4 =	vadd.s32 v1, v4;
	_ =	sdelay $0x3  }
0x101: {  	v3 =	vperm.xlane v3, v2  }
0x102: {  	[tilespmem:s14], [sflag:$0x1] =	stream.indirect_vreg.gather [hbm4b:s1+s4], $0x80, v4, vm0, $0xb8;
	[tilespmem:$0x18100] =	vst v63  }
0x103: {  	v3 =	vadd.s32 v1, v3  }
0x104: {  	[tilespmem:s18], [sflag:$0x1] =	stream.indirect_vreg.gather [hbm4b:s5+s4], $0x80, v4, vm0, $0xb8;
	[tilespmem:$0x18100] =	vst v63  }
0x105: {  	_ = 	snop  }
0x106: {  	[tilespmem:s19], [sflag:$0x1] =	stream.indirect_vreg.gather [hbm4b:s6+s4], $0x80, v4, vm0, $0xb8;
	[tilespmem:$0x18100] =	vst v63  }
0x107: {  	_ = 	snop  }
0x108: {  	[tilespmem:s20], [sflag:$0x1] =	stream.indirect_vreg.gather [hbm4b:s1+s4], $0x80, v3, vm0, $0xb8;
	[tilespmem:$0x18100] =	vst v63  }
0x109: {  	_ = 	snop  }
0x10a: {  	[tilespmem:s21], [sflag:$0x1] =	stream.indirect_vreg.gather [hbm4b:s5+s4], $0x80, v3, vm0, $0xb8;
	[tilespmem:$0x18100] =	vst v63  }
0x10b: {  	s11 =	simm.s32 $0xB900  }
0x10c: {  	[tilespmem:s11], [sflag:$0x1] =	stream.indirect_vreg.gather [hbm4b:s6+s4], $0x80, v3, vm0, $0xb8;
	[tilespmem:$0x18100] =	vst v63  }
0x10d: {  	s11 =	simm.s32 $0x2  }
0x10e: {  	_ =	swait.ge [sflag:s11], $0xC000  }
0x10f: {  	[sflag:s11] =	ssyncset.done $0x0  }
0x110: {  	s12 =	rddreg [dreg:$0x9];
	[sflag:s11] =	ssyncadd.s32 $0xFFFF4000  }
0x111: {  	[hbm4b:s12+s4] =	stream.linear.scatter [tilespmem:s2], [sflag:$0x4], $0xC000, $0x38;
	[tilespmem:$0x18100] =	vst v63  }
0x112: {  	s12 =	simm.s32 $0x4  }
0x113: {  	_ =	swait.ge [sflag:s12], $0xC000  }
0x114: {  	[sflag:s12] =	ssyncset.done $0x0  }
0x115: {  	[sflag:s12] =	ssyncadd.s32 $0xFFFF4000  }
0x116: {  	v3 =	vld [tilespmem:$0xC0];
	_ =	sdelay $0x4  }
0x117: {  	v60 =	vshrl.u32 v3, $0x3  }
0x118: {  	v4 =	vmul.u32 $0x30, v60  }
0x119: {  	v3 =	vand.u32 $0x7, v3  }
0x11a: {  	v3 =	vor.u32 v3, v4  }
0x11b: {  	v4 =	vperm.xlane v3, v0;
	_ =	sdelay $0x1  }
0x11c: {  	v4 =	vadd.s32 v1, v4;
	_ =	sdelay $0x3  }
0x11d: {  	v3 =	vperm.xlane v3, v2  }
0x11e: {  	[tilespmem:s2], [sflag:$0x2] =	stream.indirect_vreg.gather [hbm4b:s3+s4], $0x80, v4, vm0, $0xb8;
	[tilespmem:$0x18100] =	vst v63  }
0x11f: {  	s22 =	simm.s32 $0xC900;
	v3 =	vadd.s32 v1, v3  }
0x120: {  	[tilespmem:s22], [sflag:$0x2] =	stream.indirect_vreg.gather [hbm4b:s7+s4], $0x80, v4, vm0, $0xb8;
	[tilespmem:$0x18100] =	vst v63  }
0x121: {  	s23 =	simm.s32 $0xD100  }
0x122: {  	[tilespmem:s23], [sflag:$0x2] =	stream.indirect_vreg.gather [hbm4b:s8+s4], $0x80, v4, vm0, $0xb8;
	[tilespmem:$0x18100] =	vst v63  }
0x123: {  	s22 =	simm.s32 $0xD900  }
0x124: {  	[tilespmem:s22], [sflag:$0x2] =	stream.indirect_vreg.gather [hbm4b:s3+s4], $0x80, v3, vm0, $0xb8;
	[tilespmem:$0x18100] =	vst v63  }
0x125: {  	s23 =	simm.s32 $0xE100  }
0x126: {  	[tilespmem:s23], [sflag:$0x2] =	stream.indirect_vreg.gather [hbm4b:s7+s4], $0x80, v3, vm0, $0xb8;
	[tilespmem:$0x18100] =	vst v63  }
0x127: {  	s22 =	simm.s32 $0xE900  }
0x128: {  	[tilespmem:s22], [sflag:$0x2] =	stream.indirect_vreg.gather [hbm4b:s8+s4], $0x80, v3, vm0, $0xb8;
	[tilespmem:$0x18100] =	vst v63  }
0x129: {  	v3 =	vld [tilespmem:$0xD0];
	_ =	sdelay $0x4  }
0x12a: {  	v61 =	vshrl.u32 v3, $0x3  }
0x12b: {  	v4 =	vmul.u32 $0x30, v61  }
0x12c: {  	v3 =	vand.u32 $0x7, v3  }
0x12d: {  	v3 =	vor.u32 v3, v4  }
0x12e: {  	v4 =	vperm.xlane v3, v0;
	_ =	sdelay $0x1  }
0x12f: {  	v4 =	vadd.s32 v1, v4;
	_ =	sdelay $0x3  }
0x130: {  	s23 =	simm.s32 $0xF100;
	v3 =	vperm.xlane v3, v2  }
0x131: {  	[tilespmem:s23], [sflag:$0x2] =	stream.indirect_vreg.gather [hbm4b:s3+s4], $0x80, v4, vm0, $0xb8;
	[tilespmem:$0x18100] =	vst v63  }
0x132: {  	s22 =	simm.s32 $0xF900;
	v3 =	vadd.s32 v1, v3  }
0x133: {  	[tilespmem:s22], [sflag:$0x2] =	stream.indirect_vreg.gather [hbm4b:s7+s4], $0x80, v4, vm0, $0xb8;
	[tilespmem:$0x18100] =	vst v63  }
0x134: {  	s23 =	simm.s32 $0x10100  }
0x135: {  	[tilespmem:s23], [sflag:$0x2] =	stream.indirect_vreg.gather [hbm4b:s8+s4], $0x80, v4, vm0, $0xb8;
	[tilespmem:$0x18100] =	vst v63  }
0x136: {  	s22 =	simm.s32 $0x10900  }
0x137: {  	[tilespmem:s22], [sflag:$0x2] =	stream.indirect_vreg.gather [hbm4b:s3+s4], $0x80, v3, vm0, $0xb8;
	[tilespmem:$0x18100] =	vst v63  }
0x138: {  	s23 =	simm.s32 $0x11100  }
0x139: {  	[tilespmem:s23], [sflag:$0x2] =	stream.indirect_vreg.gather [hbm4b:s7+s4], $0x80, v3, vm0, $0xb8;
	[tilespmem:$0x18100] =	vst v63  }
0x13a: {  	s22 =	simm.s32 $0x11900  }
0x13b: {  	[tilespmem:s22], [sflag:$0x2] =	stream.indirect_vreg.gather [hbm4b:s8+s4], $0x80, v3, vm0, $0xb8;
	[tilespmem:$0x18100] =	vst v63  }
0x13c: {  	v3 =	vld [tilespmem:$0xE0];
	_ =	sdelay $0x4  }
0x13d: {  	v62 =	vshrl.u32 v3, $0x3  }
0x13e: {  	v4 =	vmul.u32 $0x30, v62  }
0x13f: {  	v3 =	vand.u32 $0x7, v3  }
0x140: {  	v3 =	vor.u32 v3, v4  }
0x141: {  	v4 =	vperm.xlane v3, v0;
	_ =	sdelay $0x1  }
0x142: {  	v4 =	vadd.s32 v1, v4;
	_ =	sdelay $0x3  }
0x143: {  	s23 =	simm.s32 $0x12100;
	v3 =	vperm.xlane v3, v2  }
0x144: {  	[tilespmem:s23], [sflag:$0x2] =	stream.indirect_vreg.gather [hbm4b:s3+s4], $0x80, v4, vm0, $0xb8;
	[tilespmem:$0x18100] =	vst v63  }
0x145: {  	s22 =	simm.s32 $0x12900;
	v3 =	vadd.s32 v1, v3  }
0x146: {  	[tilespmem:s22], [sflag:$0x2] =	stream.indirect_vreg.gather [hbm4b:s7+s4], $0x80, v4, vm0, $0xb8;
	[tilespmem:$0x18100] =	vst v63  }
0x147: {  	s23 =	simm.s32 $0x13100  }
0x148: {  	[tilespmem:s23], [sflag:$0x2] =	stream.indirect_vreg.gather [hbm4b:s8+s4], $0x80, v4, vm0, $0xb8;
	[tilespmem:$0x18100] =	vst v63  }
0x149: {  	s22 =	simm.s32 $0x13900  }
0x14a: {  	[tilespmem:s22], [sflag:$0x2] =	stream.indirect_vreg.gather [hbm4b:s3+s4], $0x80, v3, vm0, $0xb8;
	[tilespmem:$0x18100] =	vst v63  }
0x14b: {  	s23 =	simm.s32 $0x14100  }
0x14c: {  	[tilespmem:s23], [sflag:$0x2] =	stream.indirect_vreg.gather [hbm4b:s7+s4], $0x80, v3, vm0, $0xb8;
	[tilespmem:$0x18100] =	vst v63  }
0x14d: {  	s22 =	simm.s32 $0x14900  }
0x14e: {  	[tilespmem:s22], [sflag:$0x2] =	stream.indirect_vreg.gather [hbm4b:s8+s4], $0x80, v3, vm0, $0xb8;
	[tilespmem:$0x18100] =	vst v63  }
0x14f: {  	v3 =	vld [tilespmem:$0xF0];
	_ =	sdelay $0x4  }
0x150: {  	v63 =	vshrl.u32 v3, $0x3  }
0x151: {  	v4 =	vmul.u32 $0x30, v63  }
0x152: {  	v3 =	vand.u32 $0x7, v3  }
0x153: {  	v3 =	vor.u32 v3, v4  }
0x154: {  	v4 =	vperm.xlane v3, v0;
	_ =	sdelay $0x1  }
0x155: {  	v4 =	vadd.s32 v1, v4;
	_ =	sdelay $0x3  }
0x156: {  	s23 =	simm.s32 $0x15100;
	v3 =	vperm.xlane v3, v2  }
0x157: {  	[tilespmem:s23], [sflag:$0x2] =	stream.indirect_vreg.gather [hbm4b:s3+s4], $0x80, v4, vm0, $0xb8;
	[tilespmem:$0x18100] =	vst v63  }
0x158: {  	s22 =	simm.s32 $0x15900;
	v3 =	vadd.s32 v1, v3  }
0x159: {  	[tilespmem:s22], [sflag:$0x2] =	stream.indirect_vreg.gather [hbm4b:s7+s4], $0x80, v4, vm0, $0xb8;
	[tilespmem:$0x18100] =	vst v63  }
0x15a: {  	s23 =	simm.s32 $0x16100  }
0x15b: {  	[tilespmem:s23], [sflag:$0x2] =	stream.indirect_vreg.gather [hbm4b:s8+s4], $0x80, v4, vm0, $0xb8;
	[tilespmem:$0x18100] =	vst v63  }
0x15c: {  	s22 =	simm.s32 $0x16900  }
0x15d: {  	[tilespmem:s22], [sflag:$0x2] =	stream.indirect_vreg.gather [hbm4b:s3+s4], $0x80, v3, vm0, $0xb8;
	[tilespmem:$0x18100] =	vst v63  }
0x15e: {  	s23 =	simm.s32 $0x17100  }
0x15f: {  	[tilespmem:s23], [sflag:$0x2] =	stream.indirect_vreg.gather [hbm4b:s7+s4], $0x80, v3, vm0, $0xb8;
	[tilespmem:$0x18100] =	vst v63  }
0x160: {  	s22 =	simm.s32 $0x17900  }
0x161: {  	[tilespmem:s22], [sflag:$0x2] =	stream.indirect_vreg.gather [hbm4b:s8+s4], $0x80, v3, vm0, $0xb8;
	[tilespmem:$0x18100] =	vst v63  }
0x162: {  	_ =	swait.ge [sflag:s0], $0xC000  }
0x163: {  	[sflag:s0] =	ssyncset.done $0x0  }
0x164: {  	s10 =	simm.s32 $0x100;
	s23 =	rddreg [dreg:$0xa];
	[sflag:s0] =	ssyncadd.s32 $0xFFFF4000  }
0x165: {  	[hbm4b:s23+s4] =	stream.linear.scatter [tilespmem:s10], [sflag:$0x3], $0xC000, $0x38;
	[tilespmem:$0x18100] =	vst v63  }
0x166: {  	_ =	swait.ge [sflag:s11], $0xC000  }
0x167: {  	[sflag:s11] =	ssyncset.done $0x0  }
0x168: {  	s23 =	rddreg [dreg:$0xb];
	[sflag:s11] =	ssyncadd.s32 $0xFFFF4000  }
0x169: {  	[hbm4b:s23+s4] =	stream.linear.scatter [tilespmem:s2], [sflag:$0x4], $0xC000, $0x38;
	[tilespmem:$0x18100] =	vst v63  }
0x16a: {  	p0 =	sne.s32 s13, $0x1;
	_ =	swait.ge [sflag:s9], $0xC000  }
.Ltmp0:
0x16b: {  	[sflag:s9] =	ssyncset.done $0x0;
	(pc) =	sbr.rel @p0 .LBB2_1-.Ltmp0, $4  }
0x16c: {  	[sflag:s9] =	ssyncadd.s32 $0xFFFF4000  }
0x16d: {  	_ =	swait.ge [sflag:s12], $0xC000  }
0x16e: {  	[sflag:s12] =	ssyncset.done $0x0  }
0x16f: {  	s13 =	sadd.s32 $0xFFFFFFFF, s13;
	[sflag:s12] =	ssyncadd.s32 $0xFFFF4000  }
0x170: {  	_ =	sfence.sel $0x180000  }
0x171: {  	[bflag:$0x0] =	sbarrier.arrive $0xFFFF  }
0x172: {  	_ =	strace $0x9000004A  }
0x173: {  	s0 =	stileid.u32;
	[bflag:$0x2] =	sbarrier.arrive $0xFFFF  }
0x174: {  	p0 =	sne.s32 s0, $0x0;
	s0 =	rddreg [dreg:$0x5]  }
0x175: {  	s0 =	sadd.s32 @!p0 $0x100000, s0  }
0x176: {  	[sflag:s0] =	ssyncadd.tile.s32 @!p0 $0x1;
	_ =	shalt  }
.Lfunc_end2:
_tile_overlayer_lowered:
.L_overlay_start_2:
0x177: {  	(tag) =	ssettag $0x2  }
0x178: {  	s0 =	rddreg [dreg:$0x0];
	s2 =	stileid.u32  }
0x179: {  	s1 =	rddreg [dreg:$0x1];
	p0 =	sne.s32 s2, $0x0  }
0x17a: {  	s3 =	rddreg [dreg:$0x2];
	[bflag:$0x3] =	sbarrier.arrive $0xFFFF;
	s2 =	simm.s32 @!p0 $0x1C05  }
0x17b: {  	[timem:s3], [sflag:s2] =	dma.local @!p0 [hbm:s0], s1  }
0x17c: {  	s0 =	simm.s32 @!p0 $0x5  }
0x17d: {  	_ =	swait.ge @!p0 [sflag:s0], s1  }
0x17e: {  	s1 =	ssub.s32 @!p0 $0x0, s1;
	[sflag:s0] =	ssyncset.done @!p0 $0x0  }
0x17f: {  	[sflag:s0] =	ssyncadd.s32 @!p0 s1  }
0x180: {  	[bflag:$0x3] =	sbarrier.arrive $0xFFFF  }
0x181: {  	_ =	shalt  }

// kernel: kernel.17.cloned.1.call-start
scs
__scs_entry_jumppad:
0x0: {  	(pc) =	sbr.rel $0x88, $3  }
0x1: {  	(tag) =	ssettag $0x0;
	lr =	simm.s32 $0x1  }
0x2: {  	[smem:$0x3F97] =	sst lr;
	_ =	strace $0xD0000000  }
0x3: {  	_ = 	snop  }
0x4: {  	_ = 	snop  }
0x5: {  	_ = 	snop  }
0x6: {  	_ = 	snop  }
0x7: {  	_ = 	snop  }
__scs_overlays_trampoline_lowered:
0x8: {  	[smem:$0x3FA6] =	sst s0  }
0x9: {  	[smem:$0x3FA7] =	sst s1  }
0xa: {  	[smem:$0x3FA8] =	sst s2  }
0xb: {  	[smem:$0x3FA9] =	sst s3  }
0xc: {  	[smem:$0x3FAA] =	sst s4  }
0xd: {  	[smem:$0x3FAB] =	sst s5  }
0xe: {  	[smem:$0x3FAC] =	sst s6  }
0xf: {  	[smem:$0x3FAD] =	sst s7  }
0x10: {  	[smem:$0x3FAE] =	sst s8  }
0x11: {  	[smem:$0x3FAF] =	sst s9;
	s0 =	simm.s32 @!p0 $0x0  }
0x12: {  	s1 =	sld [smem:$0x3F95];
	s0 =	simm.s32 @p0 $0x1  }
0x13: {  	[smem:$0x3FB0] =	sst s0;
	s0 =	simm.s32 @!p1 $0x0  }
0x14: {  	s2 =	sld [smem:$0x3F94];
	s0 =	simm.s32 @p1 $0x1  }
0x15: {  	[smem:$0x3FB1] =	sst s0;
	s0 =	simm.s32 @!p2 $0x0  }
0x16: {  	s3 =	sld [smem:$0x3FDB];
	s0 =	simm.s32 @p2 $0x1  }
0x17: {  	s4 =	simm.s32 $0x1BF5;
	[smem:$0x3FB3] =	sst s0  }
0x18: {  	s0 =	sld [smem:$0x3F96];
	_ =	swait.ge [sflag:s4], $0x0  }
0x19: {  	s7 =	sld [smem:$0x3F97]  }
0x1a: {  	s8 =	sadd.s32 $0xFFFFE003, lr  }
0x1b: {  	s9 =	sadd.s32 $0xFFFFFEF7, lr;
	s5 =	simm.s32 $0xFFFFFFFF;
	p2 =	slt.u32 s8, $0xFFFFF086  }
0x1c: {  	p1 =	slt.u32 s9, $0xF7A;
	s5 =	simm.s32 @!p2 $0x0  }
0x1d: {  	s5 =	simm.s32 @p1 $0x1;
	p0 =	seq.s32 s7, s2  }
0x1e: {  	s7 =	smul.u32 @!p0 $0xF7A, s2;
	p2 =	seq.s32 @!p0 s5, $0x0  }
0x1f: {  	s9 =	smul.u32 $0xF7A, s1;
	s8 =	simm.s32 @!p0 $0x1BF5;
	p2 =	por !p2, p0  }
0x20: {  	[sflag:s8] =	ssyncset.s32 @!p0 $0xFFFFF086;
	s6 =	sadd.s32 @!p0 s3, s7;
	s7 =	simm.s32 @!p0 $0x108  }
0x21: {  	s3 =	sadd.s32 s3, s9;
	s6 =	sadd.s32 @!p0 $0x88, s6;
	s7 =	simm.s32 @p2 $0x1082  }
0x22: {  	[simem:s7], [sflag:s8] =	dma.local @!p0 [hbm:s6], $0xF7A  }
0x23: {  	s9 =	sor.u32 $0xD0000000, s2;
	s6 =	simm.s32 $0x108;
	_ =	swait.ge @!p0 [sflag:s8], $0x0  }
0x24: {  	s3 =	sadd.s32 $0x88, s3;
	s6 =	simm.s32 @!p1 $0x1082;
	[sflag:s4] =	ssyncset.s32 $0xFFFFF086  }
0x25: {  	[simem:s6], [sflag:s4] =	dma.local [hbm:s3], $0xF7A  }
0x26: {  	[smem:$0x3F97] =	sst s1;
	(tag) =	ssettag s2;
	_ =	strace s9  }
0x27: {  	s1 =	sld [smem:$0x3FA7]  }
0x28: {  	s2 =	sld [smem:$0x3FA8]  }
0x29: {  	s4 =	sld [smem:$0x3FAA]  }
0x2a: {  	p0 =	seq.s32 s5, $0x0;
	s5 =	sld [smem:$0x3FAB]  }
0x2b: {  	s6 =	sld [smem:$0x3FAC]  }
0x2c: {  	s7 =	sld [smem:$0x3FAD]  }
0x2d: {  	s3 =	simm.s32 $0x108;
	s8 =	sld [smem:$0x3FAE]  }
0x2e: {  	s3 =	simm.s32 @!p0 $0x1082;
	s9 =	sld [smem:$0x3FAF]  }
0x2f: {  	lr =	sadd.s32 s0, s3;
	s0 =	sld [smem:$0x3FA6]  }
0x30: {  	s3 =	sld [smem:$0x3FA9]  }
0x31: {  	[smem:$0x3FB2] =	sst s10  }
0x32: {  	s10 =	sld [smem:$0x3FB0];
	_ =	sdelay $0x3  }
0x33: {  	p0 =	seq.s32 s10, $0x1;
	s10 =	sld [smem:$0x3FB2];
	_ =	sdelay $0x3  }
0x34: {  	[smem:$0x3FB2] =	sst s10  }
0x35: {  	s10 =	sld [smem:$0x3FB1];
	_ =	sdelay $0x3  }
0x36: {  	p1 =	seq.s32 s10, $0x1;
	s10 =	sld [smem:$0x3FB2];
	_ =	sdelay $0x3  }
0x37: {  	[smem:$0x3FB2] =	sst s10  }
0x38: {  	s10 =	sld [smem:$0x3FB3]  }
0x39: {  	_ = 	snop;
	(pc) =	sbr.ind lr, $3  }
0x3a: {  	_ = 	snop  }
0x3b: {  	_ = 	snop  }
0x3c: {  	p2 =	seq.s32 s10, $0x1;
	s10 =	sld [smem:$0x3FB2]  }
0x3d: {  	_ =	shalt  }
0x3e: {  	_ =	shalt  }
0x3f: {  	_ =	shalt  }
0x40: {  	_ =	shalt  }
0x41: {  	_ =	shalt  }
0x42: {  	_ =	shalt  }
0x43: {  	_ =	shalt  }
0x44: {  	_ =	shalt  }
0x45: {  	_ =	shalt  }
0x46: {  	_ =	shalt  }
0x47: {  	_ =	shalt  }
0x48: {  	_ =	shalt  }
0x49: {  	_ =	shalt  }
0x4a: {  	_ =	shalt  }
0x4b: {  	_ =	shalt  }
0x4c: {  	_ =	shalt  }
0x4d: {  	_ =	shalt  }
0x4e: {  	_ =	shalt  }
0x4f: {  	_ =	shalt  }
0x50: {  	_ =	shalt  }
0x51: {  	_ =	shalt  }
0x52: {  	_ =	shalt  }
0x53: {  	_ =	shalt  }
0x54: {  	_ =	shalt  }
0x55: {  	_ =	shalt  }
0x56: {  	_ =	shalt  }
0x57: {  	_ =	shalt  }
0x58: {  	_ =	shalt  }
0x59: {  	_ =	shalt  }
0x5a: {  	_ =	shalt  }
0x5b: {  	_ =	shalt  }
0x5c: {  	_ =	shalt  }
0x5d: {  	_ =	shalt  }
0x5e: {  	_ =	shalt  }
0x5f: {  	_ =	shalt  }
0x60: {  	_ =	shalt  }
0x61: {  	_ =	shalt  }
0x62: {  	_ =	shalt  }
0x63: {  	_ =	shalt  }
0x64: {  	_ =	shalt  }
0x65: {  	_ =	shalt  }
0x66: {  	_ =	shalt  }
0x67: {  	_ =	shalt  }
0x68: {  	_ =	shalt  }
0x69: {  	_ =	shalt  }
0x6a: {  	_ =	shalt  }
0x6b: {  	_ =	shalt  }
0x6c: {  	_ =	shalt  }
0x6d: {  	_ =	shalt  }
0x6e: {  	_ =	shalt  }
0x6f: {  	_ =	shalt  }
0x70: {  	_ =	shalt  }
0x71: {  	_ =	shalt  }
0x72: {  	_ =	shalt  }
0x73: {  	_ =	shalt  }
0x74: {  	_ =	shalt  }
0x75: {  	_ =	shalt  }
0x76: {  	_ =	shalt  }
0x77: {  	_ =	shalt  }
0x78: {  	_ =	shalt  }
0x79: {  	_ =	shalt  }
0x7a: {  	_ =	shalt  }
0x7b: {  	_ =	shalt  }
0x7c: {  	_ =	shalt  }
0x7d: {  	_ =	shalt  }
0x7e: {  	_ =	shalt  }
0x7f: {  	_ =	shalt  }
0x80: {  	_ =	shalt  }
0x81: {  	_ =	shalt  }
0x82: {  	_ =	shalt  }
0x83: {  	_ =	shalt  }
0x84: {  	_ =	shalt  }
0x85: {  	_ =	shalt  }
0x86: {  	_ =	shalt  }
0x87: {  	_ =	shalt  }
.Lfunc_end0:
.L_simem_size_0:
called_computation.2_lowered:
.L_overlay_start_0:
0x88: {  	s2 =	sld [smem:$0x3FD9]  }
0x89: {  	s3 =	sld [smem:$0x3FFE];
	_ =	sdelay $0x1  }
0x8a: {  	s1 =	srdreg.scid  }
0x8b: {  	s0 =	sand.u32 $0x1, s1  }
0x8c: {  	s17 =	sshll.u32 s0, $0xA;
	s2 =	sadd.s32 s3, s2  }
0x8d: {  	s2 =	sadd.s32 s2, s17  }
0x8e: {  	[smem:$0x3FBE] =	sst s2  }
0x8f: {  	_ = 	snop  }
0x90: {  	s4 =	sld [smem:$0x3FC9]  }
0x91: {  	s5 =	sld [smem:$0x3FC8]  }
0x92: {  	s18 =	sld [smem:$0x3FC7]  }
0x93: {  	s6 =	sld [smem:$0x3FC6];
	(tm) =	ssettm $0x1  }
0x94: {  	s19 =	sld [smem:$0x3FFB];
	_ =	sdelay $0x3  }
0x95: {  	_ =	strace s19  }
0x96: {  	s2 =	sld [smem:$0x3FFC];
	_ =	sdelay $0x3  }
0x97: {  	_ =	strace s2  }
0x98: {  	s2 =	sld [smem:$0x3FFD];
	_ =	sdelay $0x3  }
0x99: {  	_ =	strace s2  }
0x9a: {  	_ =	strace $0x8FFFFFFF  }
0x9b: {  	s20 =	sld [smem:$0x3FDB];
	_ =	sdelay $0x1  }
0x9c: {  	s7 =	simm.s32 $_scs_section_size  }
0x9d: {  	s8 =	simm.s32 $_size__tile_overlayer_lowered;
	s9 =	simm.s32 $_tile_overlayer_lowered  }
0x9e: {  	s10 =	simm.s32 $0x1BFF;
	s21 =	sshll.u32 s9, $0x1;
	s7 =	sadd.s32 s7, s20  }
0x9f: {  	s22 =	simm.s32 $0x0;
	s8 =	sshll.u32 s8, $0x1;
	s9 =	sadd.s32 s21, s7  }
0xa0: {  	[timem:s22], [sflag:s10] =	dma.local [hbm:s9], s8  }
0xa1: {  	_ =	swait.ge [sflag:s10], s8  }
0xa2: {  	s8 =	ssub.s32 $0x0, s8;
	[sflag:s10] =	ssyncset.done $0x0  }
0xa3: {  	[sflag:s10] =	ssyncadd.s32 s8;
	_ =	sdelay $0x1  }
0xa4: {  	s23 =	simm.s32 $0x1B8B  }
0xa5: {  	_ =	swait.ge [sflag:s23], $0x1  }
0xa6: {  	[sflag:s23] =	ssyncset.done $0x0  }
0xa7: {  	[sflag:s23] =	ssyncadd.s32 $0xFFFFFFFF  }
0xa8: {  	s8 =	sld [smem:$0x0]  }
0xa9: {  	s9 =	sand.u32 $0xFFFFFFFE, s1  }
0xaa: {  	p0 =	sne.s32 s1, s9  }
0xab: {  	s9 =	sshll.u32 @p0 s9, $0xE  }
0xac: {  	s9 =	sadd.s32 @p0 $0x11B8D, s9;
	s10 =	sshll.u32 @p0 s8, $0x11  }
0xad: {  	s9 =	sor.u32 @p0 s10, s9  }
0xae: {  	[sflag:s9] =	ssyncadd.remote.s32 @p0 $0x1;
	_ =	sdelay $0x1  }
0xaf: {  	s9 =	simm.s32 @p0 $0x1B8D  }
0xb0: {  	_ =	swait.eq @p0 [sflag:s9], $0x1  }
0xb1: {  	[sflag:s9] =	ssyncadd.s32 @p0 $0xFFFFFFFF  }
0xb2: {  	s10 =	sshll.u32 @!p0 s1, $0xE  }
0xb3: {  	s10 =	sor.u32 @!p0 $0x4000, s10;
	s9 =	simm.s32 @!p0 $0x1B8D  }
0xb4: {  	s8 =	sshll.u32 @!p0 s8, $0x11;
	s10 =	sadd.s32 @!p0 $0x11B8D, s10;
	_ =	swait.eq @!p0 [sflag:s9], $0x1  }
0xb5: {  	s8 =	sor.u32 @!p0 s8, s10;
	[sflag:s9] =	ssyncadd.s32 @!p0 $0xFFFFFFFF  }
0xb6: {  	s25 =	simm.s32 $0x1B8E;
	s24 =	sld [smem:$0x3FFE];
	[sflag:s8] =	ssyncadd.remote.s32 @!p0 $0x1  }
0xb7: {  	s26 =	simm.s32 $execute0_lowered;
	[smem:$0x3FD2] =	sst s25  }
0xb8: {  	s9 =	sshll.u32 s26, $0x1;
	_ =	strace $0x8000004C;
	[dreg:$0x1] =	wrdreg $0xFFFFFFFF  }
0xb9: {  	s28 =	simm.s32 $_size_execute0_lowered;
	s7 =	sadd.s32 s7, s9;
	[dreg:$0x0] =	wrdreg $0x0  }
0xba: {  	s9 =	sshll.u32 s28, $0x1;
	[dreg:$0x2] =	wrdreg s7  }
0xbb: {  	[dreg:$0x3] =	wrdreg s9  }
0xbc: {  	[dreg:$0x4] =	wrdreg $0xC0  }
0xbd: {  	_ =	task [dreg:s22], $0x5FFFF  }
0xbe: {  	[dreg:$0x1] =	wrdreg $0xFFFFFFFF  }
0xbf: {  	[dreg:$0x0] =	wrdreg $0x60  }
0xc0: {  	[dreg:$0x2] =	wrdreg s4  }
0xc1: {  	[dreg:$0x3] =	wrdreg s5  }
0xc2: {  	[dreg:$0x4] =	wrdreg s6  }
0xc3: {  	[dreg:$0x5] =	wrdreg s18  }
0xc4: {  	[dreg:$0x6] =	wrdreg s24  }
0xc5: {  	[dreg:$0x7] =	wrdreg $0xB  }
0xc6: {  	_ =	task.clear_ibuf [dreg:s22], $0x8FFFF;
	_ =	strace $0x9000004C  }
0xc7: {  	s29 =	simm.s32 $0xB;
	_ =	strace $0x8000004E  }
0xc8: {  	_ =	swait.ge [sflag:s29], $0x1  }
0xc9: {  	[sflag:s29] =	ssyncadd.s32 $0xFFFFFFFF  }
0xca: {  	_ =	strace $0x9000004E  }
0xcb: {  	_ =	sfence  }
0xcc: {  	s30 =	sld [smem:$0x0];
	_ =	sdelay $0x2  }
0xcd: {  	s31 =	sshll.u32 s1, $0xD;
	s1 =	sshrl.u32 s1, $0x2  }
0xce: {  	s4 =	sand.u32 $0x4000, s31;
	s1 =	sadd.s32 s1, s30  }
0xcf: {  	s0 =	sor.u32 s4, s0;
	s1 =	sshll.u32 s1, $0x11  }
0xd0: {  	s0 =	sor.u32 s1, s0  }
0xd1: {  	s0 =	sadd.s32 $0x8F2B, s0  }
0xd2: {  	[sflag:s0] =	ssyncadd.remote.s32 $0x1  }
0xd3: {  	_ =	sfence.sel $0xFFFF  }
0xd4: {  	[dreg:$0x0] =	wrdreg $0xFFFFFFFF;
	(pc) =	sbr.abs _section_cstart, $3  }
0xd5: {  	[dreg:$0x1] =	wrdreg $0xFFFFFFFF  }
0xd6: {  	_ =	task.clear_ibuf [dreg:s22], $0x2FFFF;
	_ =	strace $0x9FFFFFFF  }
0xd7: {  	(tm) =	ssettm $0x7FFFFFFF  }
tec
execute0_lowered:
.L_overlay_start_1:
0x0: {  	(tag) =	ssettag $0x1  }
0x1: {  	s0 =	rddreg [dreg:$0x0]  }
0x2: {  	s2 =	rddreg [dreg:$0x1]  }
0x3: {  	s3 =	srdreg.scid;
	s1 =	rddreg [dreg:$0x2]  }
0x4: {  	s4 =	stileid.u32;
	s6 =	rddreg [dreg:$0x4];
	s26 =	simm.s32 $0x100  }
0x5: {  	s16 =	simm.s32 $0x1A00;
	s17 =	simm.s32 $0x2200;
	s18 =	simm.s32 $0x2A00  }
0x6: {  	s19 =	simm.s32 $0x3200;
	s28 =	simm.s32 $0x6A00;
	s29 =	simm.s32 $0x7200  }
0x7: {  	s30 =	simm.s32 $0x7A00;
	s31 =	simm.s32 $0x9200;
	s5 =	sand.u32 $0x1, s3  }
0x8: {  	s4 =	sshll.u32 s4, $0x1;
	s3 =	rddreg [dreg:$0x3];
	s9 =	sadd.s32 $0xC3600, s6  }
0x9: {  	s11 =	sadd.s32 $0x13B600, s6;
	s4 =	sor.u32 s5, s4;
	s5 =	ssub.s32 $0x2, s5  }
0xa: {  	s7 =	smul.u32 $0xA0, s4;
	s4 =	simm.s32 $0x0;
	s10 =	sshrl.u32 s5, $0x1  }
0xb: {  	s6 =	sadd.s32 $0x200, s1;
	[smem:$0x7FF] =	sst s4;
	s10 =	ssub.s32 s5, s10  }
0xc: {  	s5 =	sadd.s32 $0x100, s1;
	s7 =	sshrl.u32 s7, $0x3;
	_ =	strace $0x8000004D  }
0xd: {  	s15 =	smax.u32 s10, $0x1;
	[dreg:$0xc] =	wrdreg s26;
	s8 =	sadd.s32 $0x300, s7  }
0xe: {  	s26 =	simm.s32 $0x6200;
	s21 =	smul.u32 $0x300, s7;
	s0 =	sadd.s32 s0, s8  }
0xf: {  	s7 =	sadd.s32 $0x100, s3;
	s20 =	sadd.s32 s2, s8;
	[dreg:$0x6] =	wrdreg s0  }
0x10: {  	s8 =	sadd.s32 $0x200, s3;
	[dreg:$0x7] =	wrdreg s20;
	s22 =	sadd.s32 s9, s21  }
0x11: {  	s23 =	sadd.s32 s11, s21;
	s2 =	sadd.s32 $0x1E00, s21;
	[dreg:$0x8] =	wrdreg s22  }
0x12: {  	s21 =	simm.s32 $0x3A00;
	s20 =	simm.s32 $0x9A00;
	[dreg:$0x9] =	wrdreg s23  }
0x13: {  	v2 =	vlaneseq.u32;
	s24 =	sadd.s32 s9, s2;
	s25 =	sadd.s32 s11, s2;
	s22 =	simm.s32 $0x4200  }
0x14: {  	vm0 =	vmmov $0xffff;
	v1 =	vshrl.u32 v2, $0x3;
	s23 =	simm.s32 $0x4A00;
	s2 =	simm.s32 $0x3;
	[dreg:$0xa] =	wrdreg s24  }
0x15: {  	v0 =	vand.u32 $0x7, v2;
	v2 =	vor.u32 $0x8, v2;
	v1 =	vmul.u32 $0x8, v1;
	[dreg:$0xb] =	wrdreg s25;
	s24 =	simm.s32 $0x5200;
	s25 =	simm.s32 $0x5A00  }
.LBB2_1:
0x16: {  	s13 =	rddreg [dreg:$0x6];
	s10 =	simm.s32 $0x5  }
0x17: {  	[tilespmem:s4], [sflag:$0x5] =	stream.linear.gather [hbm4b:s13+s4], $0xA0, $0x38;
	[tilespmem:$0x1E200] =	vst v63  }
0x18: {  	_ =	swait.ge [sflag:s10], $0xA0  }
0x19: {  	s9 =	rddreg [dreg:$0x7];
	[sflag:s10] =	ssyncset.done $0x0  }
0x1a: {  	s14 =	rddreg [dreg:$0xc];
	[sflag:s10] =	ssyncadd.s32 $0xFFFFFF60  }
0x1b: {  	[tilespmem:s14], [sflag:$0x5] =	stream.linear.gather [hbm4b:s9+s4], $0xA0, $0x38;
	[tilespmem:$0x1E200] =	vst v63  }
0x1c: {  	_ =	swait.ge [sflag:s10], $0xA0  }
0x1d: {  	[sflag:s10] =	ssyncset.done $0x0  }
0x1e: {  	[sflag:s10] =	ssyncadd.s32 $0xFFFFFF60  }
0x1f: {  	v3 =	vld [tilespmem:$0x0];
	_ =	sdelay $0x4  }
0x20: {  	v4 =	vshrl.u32 v3, $0x3  }
0x21: {  	v4 =	vmul.u32 $0x30, v4  }
0x22: {  	v3 =	vand.u32 $0x7, v3  }
0x23: {  	v3 =	vor.u32 v3, v4  }
0x24: {  	v4 =	vperm.xlane v3, v0;
	_ =	sdelay $0x1  }
0x25: {  	v4 =	vadd.s32 v1, v4;
	_ =	sdelay $0x3  }
0x26: {  	s0 =	simm.s32 $0x200;
	v3 =	vperm.xlane v3, v2  }
0x27: {  	[tilespmem:s0], [sflag:$0x1] =	stream.indirect_vreg.gather [hbm4b:s1+s4], $0x80, v4, vm0, $0xb8;
	[tilespmem:$0x1E200] =	vst v63  }
0x28: {  	s14 =	simm.s32 $0xA00;
	v3 =	vadd.s32 v1, v3  }
0x29: {  	[tilespmem:s14], [sflag:$0x1] =	stream.indirect_vreg.gather [hbm4b:s5+s4], $0x80, v4, vm0, $0xb8;
	[tilespmem:$0x1E200] =	vst v63  }
0x2a: {  	s11 =	simm.s32 $0x1200  }
0x2b: {  	[tilespmem:s11], [sflag:$0x1] =	stream.indirect_vreg.gather [hbm4b:s6+s4], $0x80, v4, vm0, $0xb8;
	[tilespmem:$0x1E200] =	vst v63  }
0x2c: {  	_ = 	snop  }
0x2d: {  	[tilespmem:s16], [sflag:$0x1] =	stream.indirect_vreg.gather [hbm4b:s1+s4], $0x80, v3, vm0, $0xb8;
	[tilespmem:$0x1E200] =	vst v63  }
0x2e: {  	_ = 	snop  }
0x2f: {  	[tilespmem:s17], [sflag:$0x1] =	stream.indirect_vreg.gather [hbm4b:s5+s4], $0x80, v3, vm0, $0xb8;
	[tilespmem:$0x1E200] =	vst v63  }
0x30: {  	_ = 	snop  }
0x31: {  	[tilespmem:s18], [sflag:$0x1] =	stream.indirect_vreg.gather [hbm4b:s6+s4], $0x80, v3, vm0, $0xb8;
	[tilespmem:$0x1E200] =	vst v63  }
0x32: {  	v3 =	vld [tilespmem:$0x10];
	_ =	sdelay $0x4  }
0x33: {  	v45 =	vshrl.u32 v3, $0x3  }
0x34: {  	v4 =	vmul.u32 $0x30, v45  }
0x35: {  	v3 =	vand.u32 $0x7, v3  }
0x36: {  	v3 =	vor.u32 v3, v4  }
0x37: {  	v4 =	vperm.xlane v3, v0;
	_ =	sdelay $0x1  }
0x38: {  	v4 =	vadd.s32 v1, v4;
	_ =	sdelay $0x3  }
0x39: {  	v3 =	vperm.xlane v3, v2  }
0x3a: {  	[tilespmem:s19], [sflag:$0x1] =	stream.indirect_vreg.gather [hbm4b:s1+s4], $0x80, v4, vm0, $0xb8;
	[tilespmem:$0x1E200] =	vst v63  }
0x3b: {  	v3 =	vadd.s32 v1, v3  }
0x3c: {  	[tilespmem:s21], [sflag:$0x1] =	stream.indirect_vreg.gather [hbm4b:s5+s4], $0x80, v4, vm0, $0xb8;
	[tilespmem:$0x1E200] =	vst v63  }
0x3d: {  	_ = 	snop  }
0x3e: {  	[tilespmem:s22], [sflag:$0x1] =	stream.indirect_vreg.gather [hbm4b:s6+s4], $0x80, v4, vm0, $0xb8;
	[tilespmem:$0x1E200] =	vst v63  }
0x3f: {  	_ = 	snop  }
0x40: {  	[tilespmem:s23], [sflag:$0x1] =	stream.indirect_vreg.gather [hbm4b:s1+s4], $0x80, v3, vm0, $0xb8;
	[tilespmem:$0x1E200] =	vst v63  }
0x41: {  	_ = 	snop  }
0x42: {  	[tilespmem:s24], [sflag:$0x1] =	stream.indirect_vreg.gather [hbm4b:s5+s4], $0x80, v3, vm0, $0xb8;
	[tilespmem:$0x1E200] =	vst v63  }
0x43: {  	_ = 	snop  }
0x44: {  	[tilespmem:s25], [sflag:$0x1] =	stream.indirect_vreg.gather [hbm4b:s6+s4], $0x80, v3, vm0, $0xb8;
	[tilespmem:$0x1E200] =	vst v63  }
0x45: {  	v3 =	vld [tilespmem:$0x20];
	_ =	sdelay $0x4  }
0x46: {  	v46 =	vshrl.u32 v3, $0x3  }
0x47: {  	v4 =	vmul.u32 $0x30, v46  }
0x48: {  	v3 =	vand.u32 $0x7, v3  }
0x49: {  	v3 =	vor.u32 v3, v4  }
0x4a: {  	v4 =	vperm.xlane v3, v0;
	_ =	sdelay $0x1  }
0x4b: {  	v4 =	vadd.s32 v1, v4;
	_ =	sdelay $0x3  }
0x4c: {  	v3 =	vperm.xlane v3, v2  }
0x4d: {  	[tilespmem:s26], [sflag:$0x1] =	stream.indirect_vreg.gather [hbm4b:s1+s4], $0x80, v4, vm0, $0xb8;
	[tilespmem:$0x1E200] =	vst v63  }
0x4e: {  	v3 =	vadd.s32 v1, v3  }
0x4f: {  	[tilespmem:s28], [sflag:$0x1] =	stream.indirect_vreg.gather [hbm4b:s5+s4], $0x80, v4, vm0, $0xb8;
	[tilespmem:$0x1E200] =	vst v63  }
0x50: {  	_ = 	snop  }
0x51: {  	[tilespmem:s29], [sflag:$0x1] =	stream.indirect_vreg.gather [hbm4b:s6+s4], $0x80, v4, vm0, $0xb8;
	[tilespmem:$0x1E200] =	vst v63  }
0x52: {  	_ = 	snop  }
0x53: {  	[tilespmem:s30], [sflag:$0x1] =	stream.indirect_vreg.gather [hbm4b:s1+s4], $0x80, v3, vm0, $0xb8;
	[tilespmem:$0x1E200] =	vst v63  }
0x54: {  	s11 =	simm.s32 $0x8200  }
0x55: {  	[tilespmem:s11], [sflag:$0x1] =	stream.indirect_vreg.gather [hbm4b:s5+s4], $0x80, v3, vm0, $0xb8;
	[tilespmem:$0x1E200] =	vst v63  }
0x56: {  	s12 =	simm.s32 $0x8A00  }
0x57: {  	[tilespmem:s12], [sflag:$0x1] =	stream.indirect_vreg.gather [hbm4b:s6+s4], $0x80, v3, vm0, $0xb8;
	[tilespmem:$0x1E200] =	vst v63  }
0x58: {  	v3 =	vld [tilespmem:$0x30];
	_ =	sdelay $0x4  }
0x59: {  	v47 =	vshrl.u32 v3, $0x3  }
0x5a: {  	v4 =	vmul.u32 $0x30, v47  }
0x5b: {  	v3 =	vand.u32 $0x7, v3  }
0x5c: {  	v3 =	vor.u32 v3, v4  }
0x5d: {  	v4 =	vperm.xlane v3, v0;
	_ =	sdelay $0x1  }
0x5e: {  	v4 =	vadd.s32 v1, v4;
	_ =	sdelay $0x3  }
0x5f: {  	v3 =	vperm.xlane v3, v2  }
0x60: {  	[tilespmem:s31], [sflag:$0x1] =	stream.indirect_vreg.gather [hbm4b:s1+s4], $0x80, v4, vm0, $0xb8;
	[tilespmem:$0x1E200] =	vst v63  }
0x61: {  	v3 =	vadd.s32 v1, v3  }
0x62: {  	[tilespmem:s20], [sflag:$0x1] =	stream.indirect_vreg.gather [hbm4b:s5+s4], $0x80, v4, vm0, $0xb8;
	[tilespmem:$0x1E200] =	vst v63  }
0x63: {  	s13 =	simm.s32 $0xA200  }
0x64: {  	[tilespmem:s13], [sflag:$0x1] =	stream.indirect_vreg.gather [hbm4b:s6+s4], $0x80, v4, vm0, $0xb8;
	[tilespmem:$0x1E200] =	vst v63  }
0x65: {  	s9 =	simm.s32 $0xAA00  }
0x66: {  	[tilespmem:s9], [sflag:$0x1] =	stream.indirect_vreg.gather [hbm4b:s1+s4], $0x80, v3, vm0, $0xb8;
	[tilespmem:$0x1E200] =	vst v63  }
0x67: {  	s12 =	simm.s32 $0xB200  }
0x68: {  	[tilespmem:s12], [sflag:$0x1] =	stream.indirect_vreg.gather [hbm4b:s5+s4], $0x80, v3, vm0, $0xb8;
	[tilespmem:$0x1E200] =	vst v63  }
0x69: {  	s10 =	simm.s32 $0xBA00  }
0x6a: {  	[tilespmem:s10], [sflag:$0x1] =	stream.indirect_vreg.gather [hbm4b:s6+s4], $0x80, v3, vm0, $0xb8;
	[tilespmem:$0x1E200] =	vst v63  }
0x6b: {  	v3 =	vld [tilespmem:$0x40];
	_ =	sdelay $0x4  }
0x6c: {  	v48 =	vshrl.u32 v3, $0x3  }
0x6d: {  	v4 =	vmul.u32 $0x30, v48  }
0x6e: {  	v3 =	vand.u32 $0x7, v3  }
0x6f: {  	v3 =	vor.u32 v3, v4  }
0x70: {  	v4 =	vperm.xlane v3, v0;
	_ =	sdelay $0x1  }
0x71: {  	v4 =	vadd.s32 v1, v4;
	_ =	sdelay $0x3  }
0x72: {  	s13 =	simm.s32 $0xC200;
	v3 =	vperm.xlane v3, v2  }
0x73: {  	[tilespmem:s13], [sflag:$0x1] =	stream.indirect_vreg.gather [hbm4b:s1+s4], $0x80, v4, vm0, $0xb8;
	[tilespmem:$0x1E200] =	vst v63  }
0x74: {  	s9 =	simm.s32 $0xCA00;
	v3 =	vadd.s32 v1, v3  }
0x75: {  	[tilespmem:s9], [sflag:$0x1] =	stream.indirect_vreg.gather [hbm4b:s5+s4], $0x80, v4, vm0, $0xb8;
	[tilespmem:$0x1E200] =	vst v63  }
0x76: {  	s10 =	simm.s32 $0xD200  }
0x77: {  	[tilespmem:s10], [sflag:$0x1] =	stream.indirect_vreg.gather [hbm4b:s6+s4], $0x80, v4, vm0, $0xb8;
	[tilespmem:$0x1E200] =	vst v63  }
0x78: {  	s13 =	simm.s32 $0xDA00  }
0x79: {  	[tilespmem:s13], [sflag:$0x1] =	stream.indirect_vreg.gather [hbm4b:s1+s4], $0x80, v3, vm0, $0xb8;
	[tilespmem:$0x1E200] =	vst v63  }
0x7a: {  	s9 =	simm.s32 $0xE200  }
0x7b: {  	[tilespmem:s9], [sflag:$0x1] =	stream.indirect_vreg.gather [hbm4b:s5+s4], $0x80, v3, vm0, $0xb8;
	[tilespmem:$0x1E200] =	vst v63  }
0x7c: {  	s10 =	simm.s32 $0xEA00  }
0x7d: {  	[tilespmem:s10], [sflag:$0x1] =	stream.indirect_vreg.gather [hbm4b:s6+s4], $0x80, v3, vm0, $0xb8;
	[tilespmem:$0x1E200] =	vst v63  }
0x7e: {  	v3 =	vld [tilespmem:$0x100];
	_ =	sdelay $0x4  }
0x7f: {  	v49 =	vshrl.u32 v3, $0x3  }
0x80: {  	v4 =	vmul.u32 $0x30, v49  }
0x81: {  	v3 =	vand.u32 $0x7, v3  }
0x82: {  	v3 =	vor.u32 v3, v4  }
0x83: {  	v4 =	vperm.xlane v3, v0;
	_ =	sdelay $0x1  }
0x84: {  	v4 =	vadd.s32 v1, v4;
	_ =	sdelay $0x3  }
0x85: {  	s10 =	simm.s32 $0xF200;
	v3 =	vperm.xlane v3, v2  }
0x86: {  	[tilespmem:s10], [sflag:$0x2] =	stream.indirect_vreg.gather [hbm4b:s3+s4], $0x80, v4, vm0, $0xb8;
	[tilespmem:$0x1E200] =	vst v63  }
0x87: {  	s13 =	simm.s32 $0xFA00;
	v3 =	vadd.s32 v1, v3  }
0x88: {  	[tilespmem:s13], [sflag:$0x2] =	stream.indirect_vreg.gather [hbm4b:s7+s4], $0x80, v4, vm0, $0xb8;
	[tilespmem:$0x1E200] =	vst v63  }
0x89: {  	s9 =	simm.s32 $0x10200  }
0x8a: {  	[tilespmem:s9], [sflag:$0x2] =	stream.indirect_vreg.gather [hbm4b:s8+s4], $0x80, v4, vm0, $0xb8;
	[tilespmem:$0x1E200] =	vst v63  }
0x8b: {  	s13 =	simm.s32 $0x10A00  }
0x8c: {  	[tilespmem:s13], [sflag:$0x2] =	stream.indirect_vreg.gather [hbm4b:s3+s4], $0x80, v3, vm0, $0xb8;
	[tilespmem:$0x1E200] =	vst v63  }
0x8d: {  	s9 =	simm.s32 $0x11200  }
0x8e: {  	[tilespmem:s9], [sflag:$0x2] =	stream.indirect_vreg.gather [hbm4b:s7+s4], $0x80, v3, vm0, $0xb8;
	[tilespmem:$0x1E200] =	vst v63  }
0x8f: {  	s13 =	simm.s32 $0x11A00  }
0x90: {  	[tilespmem:s13], [sflag:$0x2] =	stream.indirect_vreg.gather [hbm4b:s8+s4], $0x80, v3, vm0, $0xb8;
	[tilespmem:$0x1E200] =	vst v63  }
0x91: {  	v3 =	vld [tilespmem:$0x110];
	_ =	sdelay $0x4  }
0x92: {  	v50 =	vshrl.u32 v3, $0x3  }
0x93: {  	v4 =	vmul.u32 $0x30, v50  }
0x94: {  	v3 =	vand.u32 $0x7, v3  }
0x95: {  	v3 =	vor.u32 v3, v4  }
0x96: {  	v4 =	vperm.xlane v3, v0;
	_ =	sdelay $0x1  }
0x97: {  	v4 =	vadd.s32 v1, v4;
	_ =	sdelay $0x3  }
0x98: {  	s9 =	simm.s32 $0x12200;
	v3 =	vperm.xlane v3, v2  }
0x99: {  	[tilespmem:s9], [sflag:$0x2] =	stream.indirect_vreg.gather [hbm4b:s3+s4], $0x80, v4, vm0, $0xb8;
	[tilespmem:$0x1E200] =	vst v63  }
0x9a: {  	s13 =	simm.s32 $0x12A00;
	v3 =	vadd.s32 v1, v3  }
0x9b: {  	[tilespmem:s13], [sflag:$0x2] =	stream.indirect_vreg.gather [hbm4b:s7+s4], $0x80, v4, vm0, $0xb8;
	[tilespmem:$0x1E200] =	vst v63  }
0x9c: {  	s9 =	simm.s32 $0x13200  }
0x9d: {  	[tilespmem:s9], [sflag:$0x2] =	stream.indirect_vreg.gather [hbm4b:s8+s4], $0x80, v4, vm0, $0xb8;
	[tilespmem:$0x1E200] =	vst v63  }
0x9e: {  	s13 =	simm.s32 $0x13A00  }
0x9f: {  	[tilespmem:s13], [sflag:$0x2] =	stream.indirect_vreg.gather [hbm4b:s3+s4], $0x80, v3, vm0, $0xb8;
	[tilespmem:$0x1E200] =	vst v63  }
0xa0: {  	s9 =	simm.s32 $0x14200  }
0xa1: {  	[tilespmem:s9], [sflag:$0x2] =	stream.indirect_vreg.gather [hbm4b:s7+s4], $0x80, v3, vm0, $0xb8;
	[tilespmem:$0x1E200] =	vst v63  }
0xa2: {  	s13 =	simm.s32 $0x14A00  }
0xa3: {  	[tilespmem:s13], [sflag:$0x2] =	stream.indirect_vreg.gather [hbm4b:s8+s4], $0x80, v3, vm0, $0xb8;
	[tilespmem:$0x1E200] =	vst v63  }
0xa4: {  	v3 =	vld [tilespmem:$0x120];
	_ =	sdelay $0x4  }
0xa5: {  	v51 =	vshrl.u32 v3, $0x3  }
0xa6: {  	v4 =	vmul.u32 $0x30, v51  }
0xa7: {  	v3 =	vand.u32 $0x7, v3  }
0xa8: {  	v3 =	vor.u32 v3, v4  }
0xa9: {  	v4 =	vperm.xlane v3, v0;
	_ =	sdelay $0x1  }
0xaa: {  	v4 =	vadd.s32 v1, v4;
	_ =	sdelay $0x3  }
0xab: {  	s9 =	simm.s32 $0x15200;
	v3 =	vperm.xlane v3, v2  }
0xac: {  	[tilespmem:s9], [sflag:$0x2] =	stream.indirect_vreg.gather [hbm4b:s3+s4], $0x80, v4, vm0, $0xb8;
	[tilespmem:$0x1E200] =	vst v63  }
0xad: {  	s13 =	simm.s32 $0x15A00;
	v3 =	vadd.s32 v1, v3  }
0xae: {  	[tilespmem:s13], [sflag:$0x2] =	stream.indirect_vreg.gather [hbm4b:s7+s4], $0x80, v4, vm0, $0xb8;
	[tilespmem:$0x1E200] =	vst v63  }
0xaf: {  	s9 =	simm.s32 $0x16200  }
0xb0: {  	[tilespmem:s9], [sflag:$0x2] =	stream.indirect_vreg.gather [hbm4b:s8+s4], $0x80, v4, vm0, $0xb8;
	[tilespmem:$0x1E200] =	vst v63  }
0xb1: {  	s13 =	simm.s32 $0x16A00  }
0xb2: {  	[tilespmem:s13], [sflag:$0x2] =	stream.indirect_vreg.gather [hbm4b:s3+s4], $0x80, v3, vm0, $0xb8;
	[tilespmem:$0x1E200] =	vst v63  }
0xb3: {  	s9 =	simm.s32 $0x17200  }
0xb4: {  	[tilespmem:s9], [sflag:$0x2] =	stream.indirect_vreg.gather [hbm4b:s7+s4], $0x80, v3, vm0, $0xb8;
	[tilespmem:$0x1E200] =	vst v63  }
0xb5: {  	s13 =	simm.s32 $0x17A00  }
0xb6: {  	[tilespmem:s13], [sflag:$0x2] =	stream.indirect_vreg.gather [hbm4b:s8+s4], $0x80, v3, vm0, $0xb8;
	[tilespmem:$0x1E200] =	vst v63  }
0xb7: {  	v3 =	vld [tilespmem:$0x130];
	_ =	sdelay $0x4  }
0xb8: {  	v52 =	vshrl.u32 v3, $0x3  }
0xb9: {  	v4 =	vmul.u32 $0x30, v52  }
0xba: {  	v3 =	vand.u32 $0x7, v3  }
0xbb: {  	v3 =	vor.u32 v3, v4  }
0xbc: {  	v4 =	vperm.xlane v3, v0;
	_ =	sdelay $0x1  }
0xbd: {  	v4 =	vadd.s32 v1, v4;
	_ =	sdelay $0x3  }
0xbe: {  	s9 =	simm.s32 $0x18200;
	v3 =	vperm.xlane v3, v2  }
0xbf: {  	[tilespmem:s9], [sflag:$0x2] =	stream.indirect_vreg.gather [hbm4b:s3+s4], $0x80, v4, vm0, $0xb8;
	[tilespmem:$0x1E200] =	vst v63  }
0xc0: {  	s13 =	simm.s32 $0x18A00;
	v3 =	vadd.s32 v1, v3  }
0xc1: {  	[tilespmem:s13], [sflag:$0x2] =	stream.indirect_vreg.gather [hbm4b:s7+s4], $0x80, v4, vm0, $0xb8;
	[tilespmem:$0x1E200] =	vst v63  }
0xc2: {  	s9 =	simm.s32 $0x19200  }
0xc3: {  	[tilespmem:s9], [sflag:$0x2] =	stream.indirect_vreg.gather [hbm4b:s8+s4], $0x80, v4, vm0, $0xb8;
	[tilespmem:$0x1E200] =	vst v63  }
0xc4: {  	s13 =	simm.s32 $0x19A00  }
0xc5: {  	[tilespmem:s13], [sflag:$0x2] =	stream.indirect_vreg.gather [hbm4b:s3+s4], $0x80, v3, vm0, $0xb8;
	[tilespmem:$0x1E200] =	vst v63  }
0xc6: {  	s9 =	simm.s32 $0x1A200  }
0xc7: {  	[tilespmem:s9], [sflag:$0x2] =	stream.indirect_vreg.gather [hbm4b:s7+s4], $0x80, v3, vm0, $0xb8;
	[tilespmem:$0x1E200] =	vst v63  }
0xc8: {  	s13 =	simm.s32 $0x1AA00  }
0xc9: {  	[tilespmem:s13], [sflag:$0x2] =	stream.indirect_vreg.gather [hbm4b:s8+s4], $0x80, v3, vm0, $0xb8;
	[tilespmem:$0x1E200] =	vst v63  }
0xca: {  	v3 =	vld [tilespmem:$0x140];
	_ =	sdelay $0x4  }
0xcb: {  	v53 =	vshrl.u32 v3, $0x3  }
0xcc: {  	v4 =	vmul.u32 $0x30, v53  }
0xcd: {  	v3 =	vand.u32 $0x7, v3  }
0xce: {  	v3 =	vor.u32 v3, v4  }
0xcf: {  	v4 =	vperm.xlane v3, v0;
	_ =	sdelay $0x1  }
0xd0: {  	v4 =	vadd.s32 v1, v4;
	_ =	sdelay $0x3  }
0xd1: {  	s9 =	simm.s32 $0x1B200;
	v3 =	vperm.xlane v3, v2  }
0xd2: {  	[tilespmem:s9], [sflag:$0x2] =	stream.indirect_vreg.gather [hbm4b:s3+s4], $0x80, v4, vm0, $0xb8;
	[tilespmem:$0x1E200] =	vst v63  }
0xd3: {  	s13 =	simm.s32 $0x1BA00;
	v3 =	vadd.s32 v1, v3  }
0xd4: {  	[tilespmem:s13], [sflag:$0x2] =	stream.indirect_vreg.gather [hbm4b:s7+s4], $0x80, v4, vm0, $0xb8;
	[tilespmem:$0x1E200] =	vst v63  }
0xd5: {  	s9 =	simm.s32 $0x1C200  }
0xd6: {  	[tilespmem:s9], [sflag:$0x2] =	stream.indirect_vreg.gather [hbm4b:s8+s4], $0x80, v4, vm0, $0xb8;
	[tilespmem:$0x1E200] =	vst v63  }
0xd7: {  	s13 =	simm.s32 $0x1CA00  }
0xd8: {  	[tilespmem:s13], [sflag:$0x2] =	stream.indirect_vreg.gather [hbm4b:s3+s4], $0x80, v3, vm0, $0xb8;
	[tilespmem:$0x1E200] =	vst v63  }
0xd9: {  	s9 =	simm.s32 $0x1D200  }
0xda: {  	[tilespmem:s9], [sflag:$0x2] =	stream.indirect_vreg.gather [hbm4b:s7+s4], $0x80, v3, vm0, $0xb8;
	[tilespmem:$0x1E200] =	vst v63  }
0xdb: {  	s0 =	simm.s32 $0x1;
	s13 =	simm.s32 $0x1DA00  }
0xdc: {  	[tilespmem:s13], [sflag:$0x2] =	stream.indirect_vreg.gather [hbm4b:s8+s4], $0x80, v3, vm0, $0xb8;
	[tilespmem:$0x1E200] =	vst v63  }
0xdd: {  	_ =	swait.ge [sflag:s0], $0xF000  }
0xde: {  	[sflag:s0] =	ssyncset.done $0x0  }
0xdf: {  	s9 =	simm.s32 $0x200;
	s13 =	rddreg [dreg:$0x8];
	[sflag:s0] =	ssyncadd.s32 $0xFFFF1000  }
0xe0: {  	[hbm4b:s13+s4] =	stream.linear.scatter [tilespmem:s9], [sflag:$0x3], $0xF000, $0x38;
	[tilespmem:$0x1E200] =	vst v63  }
0xe1: {  	_ =	swait.ge [sflag:s2], $0xF000  }
0xe2: {  	[sflag:s2] =	ssyncset.done $0x0  }
0xe3: {  	[sflag:s2] =	ssyncadd.s32 $0xFFFF1000  }
0xe4: {  	v3 =	vld [tilespmem:$0x50];
	_ =	sdelay $0x4  }
0xe5: {  	v54 =	vshrl.u32 v3, $0x3  }
0xe6: {  	v4 =	vmul.u32 $0x30, v54  }
0xe7: {  	v3 =	vand.u32 $0x7, v3  }
0xe8: {  	v3 =	vor.u32 v3, v4  }
0xe9: {  	v4 =	vperm.xlane v3, v0;
	_ =	sdelay $0x1  }
0xea: {  	v4 =	vadd.s32 v1, v4;
	_ =	sdelay $0x3  }
0xeb: {  	v3 =	vperm.xlane v3, v2  }
0xec: {  	[tilespmem:s9], [sflag:$0x1] =	stream.indirect_vreg.gather [hbm4b:s1+s4], $0x80, v4, vm0, $0xb8;
	[tilespmem:$0x1E200] =	vst v63  }
0xed: {  	v3 =	vadd.s32 v1, v3  }
0xee: {  	[tilespmem:s14], [sflag:$0x1] =	stream.indirect_vreg.gather [hbm4b:s5+s4], $0x80, v4, vm0, $0xb8;
	[tilespmem:$0x1E200] =	vst v63  }
0xef: {  	s14 =	simm.s32 $0x1200  }
0xf0: {  	[tilespmem:s14], [sflag:$0x1] =	stream.indirect_vreg.gather [hbm4b:s6+s4], $0x80, v4, vm0, $0xb8;
	[tilespmem:$0x1E200] =	vst v63  }
0xf1: {  	_ = 	snop  }
0xf2: {  	[tilespmem:s16], [sflag:$0x1] =	stream.indirect_vreg.gather [hbm4b:s1+s4], $0x80, v3, vm0, $0xb8;
	[tilespmem:$0x1E200] =	vst v63  }
0xf3: {  	_ = 	snop  }
0xf4: {  	[tilespmem:s17], [sflag:$0x1] =	stream.indirect_vreg.gather [hbm4b:s5+s4], $0x80, v3, vm0, $0xb8;
	[tilespmem:$0x1E200] =	vst v63  }
0xf5: {  	_ = 	snop  }
0xf6: {  	[tilespmem:s18], [sflag:$0x1] =	stream.indirect_vreg.gather [hbm4b:s6+s4], $0x80, v3, vm0, $0xb8;
	[tilespmem:$0x1E200] =	vst v63  }
0xf7: {  	v3 =	vld [tilespmem:$0x60];
	_ =	sdelay $0x4  }
0xf8: {  	v55 =	vshrl.u32 v3, $0x3  }
0xf9: {  	v4 =	vmul.u32 $0x30, v55  }
0xfa: {  	v3 =	vand.u32 $0x7, v3  }
0xfb: {  	v3 =	vor.u32 v3, v4  }
0xfc: {  	v4 =	vperm.xlane v3, v0;
	_ =	sdelay $0x1  }
0xfd: {  	v4 =	vadd.s32 v1, v4;
	_ =	sdelay $0x3  }
0xfe: {  	v3 =	vperm.xlane v3, v2  }
0xff: {  	[tilespmem:s19], [sflag:$0x1] =	stream.indirect_vreg.gather [hbm4b:s1+s4], $0x80, v4, vm0, $0xb8;
	[tilespmem:$0x1E200] =	vst v63  }
0x100: {  	v3 =	vadd.s32 v1, v3  }
0x101: {  	[tilespmem:s21], [sflag:$0x1] =	stream.indirect_vreg.gather [hbm4b:s5+s4], $0x80, v4, vm0, $0xb8;
	[tilespmem:$0x1E200] =	vst v63  }
0x102: {  	_ = 	snop  }
0x103: {  	[tilespmem:s22], [sflag:$0x1] =	stream.indirect_vreg.gather [hbm4b:s6+s4], $0x80, v4, vm0, $0xb8;
	[tilespmem:$0x1E200] =	vst v63  }
0x104: {  	_ = 	snop  }
0x105: {  	[tilespmem:s23], [sflag:$0x1] =	stream.indirect_vreg.gather [hbm4b:s1+s4], $0x80, v3, vm0, $0xb8;
	[tilespmem:$0x1E200] =	vst v63  }
0x106: {  	_ = 	snop  }
0x107: {  	[tilespmem:s24], [sflag:$0x1] =	stream.indirect_vreg.gather [hbm4b:s5+s4], $0x80, v3, vm0, $0xb8;
	[tilespmem:$0x1E200] =	vst v63  }
0x108: {  	_ = 	snop  }
0x109: {  	[tilespmem:s25], [sflag:$0x1] =	stream.indirect_vreg.gather [hbm4b:s6+s4], $0x80, v3, vm0, $0xb8;
	[tilespmem:$0x1E200] =	vst v63  }
0x10a: {  	v3 =	vld [tilespmem:$0x70];
	_ =	sdelay $0x4  }
0x10b: {  	v56 =	vshrl.u32 v3, $0x3  }
0x10c: {  	v4 =	vmul.u32 $0x30, v56  }
0x10d: {  	v3 =	vand.u32 $0x7, v3  }
0x10e: {  	v3 =	vor.u32 v3, v4  }
0x10f: {  	v4 =	vperm.xlane v3, v0;
	_ =	sdelay $0x1  }
0x110: {  	v4 =	vadd.s32 v1, v4;
	_ =	sdelay $0x3  }
0x111: {  	v3 =	vperm.xlane v3, v2  }
0x112: {  	[tilespmem:s26], [sflag:$0x1] =	stream.indirect_vreg.gather [hbm4b:s1+s4], $0x80, v4, vm0, $0xb8;
	[tilespmem:$0x1E200] =	vst v63  }
0x113: {  	v3 =	vadd.s32 v1, v3  }
0x114: {  	[tilespmem:s28], [sflag:$0x1] =	stream.indirect_vreg.gather [hbm4b:s5+s4], $0x80, v4, vm0, $0xb8;
	[tilespmem:$0x1E200] =	vst v63  }
0x115: {  	_ = 	snop  }
0x116: {  	[tilespmem:s29], [sflag:$0x1] =	stream.indirect_vreg.gather [hbm4b:s6+s4], $0x80, v4, vm0, $0xb8;
	[tilespmem:$0x1E200] =	vst v63  }
0x117: {  	_ = 	snop  }
0x118: {  	[tilespmem:s30], [sflag:$0x1] =	stream.indirect_vreg.gather [hbm4b:s1+s4], $0x80, v3, vm0, $0xb8;
	[tilespmem:$0x1E200] =	vst v63  }
0x119: {  	_ = 	snop  }
0x11a: {  	[tilespmem:s11], [sflag:$0x1] =	stream.indirect_vreg.gather [hbm4b:s5+s4], $0x80, v3, vm0, $0xb8;
	[tilespmem:$0x1E200] =	vst v63  }
0x11b: {  	s13 =	simm.s32 $0x8A00  }
0x11c: {  	[tilespmem:s13], [sflag:$0x1] =	stream.indirect_vreg.gather [hbm4b:s6+s4], $0x80, v3, vm0, $0xb8;
	[tilespmem:$0x1E200] =	vst v63  }
0x11d: {  	v3 =	vld [tilespmem:$0x80];
	_ =	sdelay $0x4  }
0x11e: {  	v57 =	vshrl.u32 v3, $0x3  }
0x11f: {  	v4 =	vmul.u32 $0x30, v57  }
0x120: {  	v3 =	vand.u32 $0x7, v3  }
0x121: {  	v3 =	vor.u32 v3, v4  }
0x122: {  	v4 =	vperm.xlane v3, v0;
	_ =	sdelay $0x1  }
0x123: {  	v4 =	vadd.s32 v1, v4;
	_ =	sdelay $0x3  }
0x124: {  	v3 =	vperm.xlane v3, v2  }
0x125: {  	[tilespmem:s31], [sflag:$0x1] =	stream.indirect_vreg.gather [hbm4b:s1+s4], $0x80, v4, vm0, $0xb8;
	[tilespmem:$0x1E200] =	vst v63  }
0x126: {  	v3 =	vadd.s32 v1, v3  }
0x127: {  	[tilespmem:s20], [sflag:$0x1] =	stream.indirect_vreg.gather [hbm4b:s5+s4], $0x80, v4, vm0, $0xb8;
	[tilespmem:$0x1E200] =	vst v63  }
0x128: {  	s14 =	simm.s32 $0xA200  }
0x129: {  	[tilespmem:s14], [sflag:$0x1] =	stream.indirect_vreg.gather [hbm4b:s6+s4], $0x80, v4, vm0, $0xb8;
	[tilespmem:$0x1E200] =	vst v63  }
0x12a: {  	s11 =	simm.s32 $0xAA00  }
0x12b: {  	[tilespmem:s11], [sflag:$0x1] =	stream.indirect_vreg.gather [hbm4b:s1+s4], $0x80, v3, vm0, $0xb8;
	[tilespmem:$0x1E200] =	vst v63  }
0x12c: {  	_ = 	snop  }
0x12d: {  	[tilespmem:s12], [sflag:$0x1] =	stream.indirect_vreg.gather [hbm4b:s5+s4], $0x80, v3, vm0, $0xb8;
	[tilespmem:$0x1E200] =	vst v63  }
0x12e: {  	s13 =	simm.s32 $0xBA00  }
0x12f: {  	[tilespmem:s13], [sflag:$0x1] =	stream.indirect_vreg.gather [hbm4b:s6+s4], $0x80, v3, vm0, $0xb8;
	[tilespmem:$0x1E200] =	vst v63  }
0x130: {  	v3 =	vld [tilespmem:$0x90];
	_ =	sdelay $0x4  }
0x131: {  	v58 =	vshrl.u32 v3, $0x3  }
0x132: {  	v4 =	vmul.u32 $0x30, v58  }
0x133: {  	v3 =	vand.u32 $0x7, v3  }
0x134: {  	v3 =	vor.u32 v3, v4  }
0x135: {  	v4 =	vperm.xlane v3, v0;
	_ =	sdelay $0x1  }
0x136: {  	v4 =	vadd.s32 v1, v4;
	_ =	sdelay $0x3  }
0x137: {  	s14 =	simm.s32 $0xC200;
	v3 =	vperm.xlane v3, v2  }
0x138: {  	[tilespmem:s14], [sflag:$0x1] =	stream.indirect_vreg.gather [hbm4b:s1+s4], $0x80, v4, vm0, $0xb8;
	[tilespmem:$0x1E200] =	vst v63  }
0x139: {  	s11 =	simm.s32 $0xCA00;
	v3 =	vadd.s32 v1, v3  }
0x13a: {  	[tilespmem:s11], [sflag:$0x1] =	stream.indirect_vreg.gather [hbm4b:s5+s4], $0x80, v4, vm0, $0xb8;
	[tilespmem:$0x1E200] =	vst v63  }
0x13b: {  	s12 =	simm.s32 $0xD200  }
0x13c: {  	[tilespmem:s12], [sflag:$0x1] =	stream.indirect_vreg.gather [hbm4b:s6+s4], $0x80, v4, vm0, $0xb8;
	[tilespmem:$0x1E200] =	vst v63  }
0x13d: {  	s13 =	simm.s32 $0xDA00  }
0x13e: {  	[tilespmem:s13], [sflag:$0x1] =	stream.indirect_vreg.gather [hbm4b:s1+s4], $0x80, v3, vm0, $0xb8;
	[tilespmem:$0x1E200] =	vst v63  }
0x13f: {  	s14 =	simm.s32 $0xE200  }
0x140: {  	[tilespmem:s14], [sflag:$0x1] =	stream.indirect_vreg.gather [hbm4b:s5+s4], $0x80, v3, vm0, $0xb8;
	[tilespmem:$0x1E200] =	vst v63  }
0x141: {  	s11 =	simm.s32 $0xEA00  }
0x142: {  	[tilespmem:s11], [sflag:$0x1] =	stream.indirect_vreg.gather [hbm4b:s6+s4], $0x80, v3, vm0, $0xb8;
	[tilespmem:$0x1E200] =	vst v63  }
0x143: {  	s11 =	simm.s32 $0x2  }
0x144: {  	_ =	swait.ge [sflag:s11], $0xF000  }
0x145: {  	[sflag:s11] =	ssyncset.done $0x0  }
0x146: {  	s12 =	rddreg [dreg:$0x9];
	[sflag:s11] =	ssyncadd.s32 $0xFFFF1000  }
0x147: {  	[hbm4b:s12+s4] =	stream.linear.scatter [tilespmem:s10], [sflag:$0x4], $0xF000, $0x38;
	[tilespmem:$0x1E200] =	vst v63  }
0x148: {  	s12 =	simm.s32 $0x4  }
0x149: {  	_ =	swait.ge [sflag:s12], $0xF000  }
0x14a: {  	[sflag:s12] =	ssyncset.done $0x0  }
0x14b: {  	[sflag:s12] =	ssyncadd.s32 $0xFFFF1000  }
0x14c: {  	v3 =	vld [tilespmem:$0x150];
	_ =	sdelay $0x4  }
0x14d: {  	v59 =	vshrl.u32 v3, $0x3  }
0x14e: {  	v4 =	vmul.u32 $0x30, v59  }
0x14f: {  	v3 =	vand.u32 $0x7, v3  }
0x150: {  	v3 =	vor.u32 v3, v4  }
0x151: {  	v4 =	vperm.xlane v3, v0;
	_ =	sdelay $0x1  }
0x152: {  	v4 =	vadd.s32 v1, v4;
	_ =	sdelay $0x3  }
0x153: {  	v3 =	vperm.xlane v3, v2  }
0x154: {  	[tilespmem:s10], [sflag:$0x2] =	stream.indirect_vreg.gather [hbm4b:s3+s4], $0x80, v4, vm0, $0xb8;
	[tilespmem:$0x1E200] =	vst v63  }
0x155: {  	s13 =	simm.s32 $0xFA00;
	v3 =	vadd.s32 v1, v3  }
0x156: {  	[tilespmem:s13], [sflag:$0x2] =	stream.indirect_vreg.gather [hbm4b:s7+s4], $0x80, v4, vm0, $0xb8;
	[tilespmem:$0x1E200] =	vst v63  }
0x157: {  	s14 =	simm.s32 $0x10200  }
0x158: {  	[tilespmem:s14], [sflag:$0x2] =	stream.indirect_vreg.gather [hbm4b:s8+s4], $0x80, v4, vm0, $0xb8;
	[tilespmem:$0x1E200] =	vst v63  }
0x159: {  	s13 =	simm.s32 $0x10A00  }
0x15a: {  	[tilespmem:s13], [sflag:$0x2] =	stream.indirect_vreg.gather [hbm4b:s3+s4], $0x80, v3, vm0, $0xb8;
	[tilespmem:$0x1E200] =	vst v63  }
0x15b: {  	s14 =	simm.s32 $0x11200  }
0x15c: {  	[tilespmem:s14], [sflag:$0x2] =	stream.indirect_vreg.gather [hbm4b:s7+s4], $0x80, v3, vm0, $0xb8;
	[tilespmem:$0x1E200] =	vst v63  }
0x15d: {  	s13 =	simm.s32 $0x11A00  }
0x15e: {  	[tilespmem:s13], [sflag:$0x2] =	stream.indirect_vreg.gather [hbm4b:s8+s4], $0x80, v3, vm0, $0xb8;
	[tilespmem:$0x1E200] =	vst v63  }
0x15f: {  	v3 =	vld [tilespmem:$0x160];
	_ =	sdelay $0x4  }
0x160: {  	v60 =	vshrl.u32 v3, $0x3  }
0x161: {  	v4 =	vmul.u32 $0x30, v60  }
0x162: {  	v3 =	vand.u32 $0x7, v3  }
0x163: {  	v3 =	vor.u32 v3, v4  }
0x164: {  	v4 =	vperm.xlane v3, v0;
	_ =	sdelay $0x1  }
0x165: {  	v4 =	vadd.s32 v1, v4;
	_ =	sdelay $0x3  }
0x166: {  	s14 =	simm.s32 $0x12200;
	v3 =	vperm.xlane v3, v2  }
0x167: {  	[tilespmem:s14], [sflag:$0x2] =	stream.indirect_vreg.gather [hbm4b:s3+s4], $0x80, v4, vm0, $0xb8;
	[tilespmem:$0x1E200] =	vst v63  }
0x168: {  	s13 =	simm.s32 $0x12A00;
	v3 =	vadd.s32 v1, v3  }
0x169: {  	[tilespmem:s13], [sflag:$0x2] =	stream.indirect_vreg.gather [hbm4b:s7+s4], $0x80, v4, vm0, $0xb8;
	[tilespmem:$0x1E200] =	vst v63  }
0x16a: {  	s14 =	simm.s32 $0x13200  }
0x16b: {  	[tilespmem:s14], [sflag:$0x2] =	stream.indirect_vreg.gather [hbm4b:s8+s4], $0x80, v4, vm0, $0xb8;
	[tilespmem:$0x1E200] =	vst v63  }
0x16c: {  	s13 =	simm.s32 $0x13A00  }
0x16d: {  	[tilespmem:s13], [sflag:$0x2] =	stream.indirect_vreg.gather [hbm4b:s3+s4], $0x80, v3, vm0, $0xb8;
	[tilespmem:$0x1E200] =	vst v63  }
0x16e: {  	s14 =	simm.s32 $0x14200  }
0x16f: {  	[tilespmem:s14], [sflag:$0x2] =	stream.indirect_vreg.gather [hbm4b:s7+s4], $0x80, v3, vm0, $0xb8;
	[tilespmem:$0x1E200] =	vst v63  }
0x170: {  	s13 =	simm.s32 $0x14A00  }
0x171: {  	[tilespmem:s13], [sflag:$0x2] =	stream.indirect_vreg.gather [hbm4b:s8+s4], $0x80, v3, vm0, $0xb8;
	[tilespmem:$0x1E200] =	vst v63  }
0x172: {  	v3 =	vld [tilespmem:$0x170];
	_ =	sdelay $0x4  }
0x173: {  	v61 =	vshrl.u32 v3, $0x3  }
0x174: {  	v4 =	vmul.u32 $0x30, v61  }
0x175: {  	v3 =	vand.u32 $0x7, v3  }
0x176: {  	v3 =	vor.u32 v3, v4  }
0x177: {  	v4 =	vperm.xlane v3, v0;
	_ =	sdelay $0x1  }
0x178: {  	v4 =	vadd.s32 v1, v4;
	_ =	sdelay $0x3  }
0x179: {  	s14 =	simm.s32 $0x15200;
	v3 =	vperm.xlane v3, v2  }
0x17a: {  	[tilespmem:s14], [sflag:$0x2] =	stream.indirect_vreg.gather [hbm4b:s3+s4], $0x80, v4, vm0, $0xb8;
	[tilespmem:$0x1E200] =	vst v63  }
0x17b: {  	s13 =	simm.s32 $0x15A00;
	v3 =	vadd.s32 v1, v3  }
0x17c: {  	[tilespmem:s13], [sflag:$0x2] =	stream.indirect_vreg.gather [hbm4b:s7+s4], $0x80, v4, vm0, $0xb8;
	[tilespmem:$0x1E200] =	vst v63  }
0x17d: {  	s14 =	simm.s32 $0x16200  }
0x17e: {  	[tilespmem:s14], [sflag:$0x2] =	stream.indirect_vreg.gather [hbm4b:s8+s4], $0x80, v4, vm0, $0xb8;
	[tilespmem:$0x1E200] =	vst v63  }
0x17f: {  	s13 =	simm.s32 $0x16A00  }
0x180: {  	[tilespmem:s13], [sflag:$0x2] =	stream.indirect_vreg.gather [hbm4b:s3+s4], $0x80, v3, vm0, $0xb8;
	[tilespmem:$0x1E200] =	vst v63  }
0x181: {  	s14 =	simm.s32 $0x17200  }
0x182: {  	[tilespmem:s14], [sflag:$0x2] =	stream.indirect_vreg.gather [hbm4b:s7+s4], $0x80, v3, vm0, $0xb8;
	[tilespmem:$0x1E200] =	vst v63  }
0x183: {  	s13 =	simm.s32 $0x17A00  }
0x184: {  	[tilespmem:s13], [sflag:$0x2] =	stream.indirect_vreg.gather [hbm4b:s8+s4], $0x80, v3, vm0, $0xb8;
	[tilespmem:$0x1E200] =	vst v63  }
0x185: {  	v3 =	vld [tilespmem:$0x180];
	_ =	sdelay $0x4  }
0x186: {  	v62 =	vshrl.u32 v3, $0x3  }
0x187: {  	v4 =	vmul.u32 $0x30, v62  }
0x188: {  	v3 =	vand.u32 $0x7, v3  }
0x189: {  	v3 =	vor.u32 v3, v4  }
0x18a: {  	v4 =	vperm.xlane v3, v0;
	_ =	sdelay $0x1  }
0x18b: {  	v4 =	vadd.s32 v1, v4;
	_ =	sdelay $0x3  }
0x18c: {  	s14 =	simm.s32 $0x18200;
	v3 =	vperm.xlane v3, v2  }
0x18d: {  	[tilespmem:s14], [sflag:$0x2] =	stream.indirect_vreg.gather [hbm4b:s3+s4], $0x80, v4, vm0, $0xb8;
	[tilespmem:$0x1E200] =	vst v63  }
0x18e: {  	s13 =	simm.s32 $0x18A00;
	v3 =	vadd.s32 v1, v3  }
0x18f: {  	[tilespmem:s13], [sflag:$0x2] =	stream.indirect_vreg.gather [hbm4b:s7+s4], $0x80, v4, vm0, $0xb8;
	[tilespmem:$0x1E200] =	vst v63  }
0x190: {  	s14 =	simm.s32 $0x19200  }
0x191: {  	[tilespmem:s14], [sflag:$0x2] =	stream.indirect_vreg.gather [hbm4b:s8+s4], $0x80, v4, vm0, $0xb8;
	[tilespmem:$0x1E200] =	vst v63  }
0x192: {  	s13 =	simm.s32 $0x19A00  }
0x193: {  	[tilespmem:s13], [sflag:$0x2] =	stream.indirect_vreg.gather [hbm4b:s3+s4], $0x80, v3, vm0, $0xb8;
	[tilespmem:$0x1E200] =	vst v63  }
0x194: {  	s14 =	simm.s32 $0x1A200  }
0x195: {  	[tilespmem:s14], [sflag:$0x2] =	stream.indirect_vreg.gather [hbm4b:s7+s4], $0x80, v3, vm0, $0xb8;
	[tilespmem:$0x1E200] =	vst v63  }
0x196: {  	s13 =	simm.s32 $0x1AA00  }
0x197: {  	[tilespmem:s13], [sflag:$0x2] =	stream.indirect_vreg.gather [hbm4b:s8+s4], $0x80, v3, vm0, $0xb8;
	[tilespmem:$0x1E200] =	vst v63  }
0x198: {  	v3 =	vld [tilespmem:$0x190];
	_ =	sdelay $0x4  }
0x199: {  	v63 =	vshrl.u32 v3, $0x3  }
0x19a: {  	v4 =	vmul.u32 $0x30, v63  }
0x19b: {  	v3 =	vand.u32 $0x7, v3  }
0x19c: {  	v3 =	vor.u32 v3, v4  }
0x19d: {  	v4 =	vperm.xlane v3, v0;
	_ =	sdelay $0x1  }
0x19e: {  	v4 =	vadd.s32 v1, v4;
	_ =	sdelay $0x3  }
0x19f: {  	s14 =	simm.s32 $0x1B200;
	v3 =	vperm.xlane v3, v2  }
0x1a0: {  	[tilespmem:s14], [sflag:$0x2] =	stream.indirect_vreg.gather [hbm4b:s3+s4], $0x80, v4, vm0, $0xb8;
	[tilespmem:$0x1E200] =	vst v63  }
0x1a1: {  	s13 =	simm.s32 $0x1BA00;
	v3 =	vadd.s32 v1, v3  }
0x1a2: {  	[tilespmem:s13], [sflag:$0x2] =	stream.indirect_vreg.gather [hbm4b:s7+s4], $0x80, v4, vm0, $0xb8;
	[tilespmem:$0x1E200] =	vst v63  }
0x1a3: {  	s14 =	simm.s32 $0x1C200  }
0x1a4: {  	[tilespmem:s14], [sflag:$0x2] =	stream.indirect_vreg.gather [hbm4b:s8+s4], $0x80, v4, vm0, $0xb8;
	[tilespmem:$0x1E200] =	vst v63  }
0x1a5: {  	s13 =	simm.s32 $0x1CA00  }
0x1a6: {  	[tilespmem:s13], [sflag:$0x2] =	stream.indirect_vreg.gather [hbm4b:s3+s4], $0x80, v3, vm0, $0xb8;
	[tilespmem:$0x1E200] =	vst v63  }
0x1a7: {  	s14 =	simm.s32 $0x1D200  }
0x1a8: {  	[tilespmem:s14], [sflag:$0x2] =	stream.indirect_vreg.gather [hbm4b:s7+s4], $0x80, v3, vm0, $0xb8;
	[tilespmem:$0x1E200] =	vst v63  }
0x1a9: {  	s13 =	simm.s32 $0x1DA00  }
0x1aa: {  	[tilespmem:s13], [sflag:$0x2] =	stream.indirect_vreg.gather [hbm4b:s8+s4], $0x80, v3, vm0, $0xb8;
	[tilespmem:$0x1E200] =	vst v63  }
0x1ab: {  	_ =	swait.ge [sflag:s0], $0xF000  }
0x1ac: {  	[sflag:s0] =	ssyncset.done $0x0  }
0x1ad: {  	s9 =	simm.s32 $0x200;
	s14 =	rddreg [dreg:$0xa];
	[sflag:s0] =	ssyncadd.s32 $0xFFFF1000  }
0x1ae: {  	[hbm4b:s14+s4] =	stream.linear.scatter [tilespmem:s9], [sflag:$0x3], $0xF000, $0x38;
	[tilespmem:$0x1E200] =	vst v63  }
0x1af: {  	_ =	swait.ge [sflag:s11], $0xF000  }
0x1b0: {  	[sflag:s11] =	ssyncset.done $0x0  }
0x1b1: {  	s14 =	rddreg [dreg:$0xb];
	[sflag:s11] =	ssyncadd.s32 $0xFFFF1000  }
0x1b2: {  	[hbm4b:s14+s4] =	stream.linear.scatter [tilespmem:s10], [sflag:$0x4], $0xF000, $0x38;
	[tilespmem:$0x1E200] =	vst v63  }
0x1b3: {  	p0 =	sne.s32 s15, $0x1;
	_ =	swait.ge [sflag:s2], $0xF000  }
.Ltmp0:
0x1b4: {  	[sflag:s2] =	ssyncset.done $0x0;
	(pc) =	sbr.rel @p0 .LBB2_1-.Ltmp0, $4  }
0x1b5: {  	[sflag:s2] =	ssyncadd.s32 $0xFFFF1000  }
0x1b6: {  	_ =	swait.ge [sflag:s12], $0xF000  }
0x1b7: {  	[sflag:s12] =	ssyncset.done $0x0  }
0x1b8: {  	s15 =	sadd.s32 $0xFFFFFFFF, s15;
	[sflag:s12] =	ssyncadd.s32 $0xFFFF1000  }
0x1b9: {  	_ =	sfence.sel $0x180000  }
0x1ba: {  	[bflag:$0x0] =	sbarrier.arrive $0xFFFF  }
0x1bb: {  	_ =	strace $0x9000004D  }
0x1bc: {  	s0 =	stileid.u32;
	[bflag:$0x2] =	sbarrier.arrive $0xFFFF  }
0x1bd: {  	p0 =	sne.s32 s0, $0x0;
	s0 =	rddreg [dreg:$0x5]  }
0x1be: {  	s0 =	sadd.s32 @!p0 $0x100000, s0  }
0x1bf: {  	[sflag:s0] =	ssyncadd.tile.s32 @!p0 $0x1;
	_ =	shalt  }
.Lfunc_end2:
_tile_overlayer_lowered:
.L_overlay_start_2:
0x1c0: {  	(tag) =	ssettag $0x2  }
0x1c1: {  	s0 =	rddreg [dreg:$0x0];
	s2 =	stileid.u32  }
0x1c2: {  	s1 =	rddreg [dreg:$0x1];
	p0 =	sne.s32 s2, $0x0  }
0x1c3: {  	s3 =	rddreg [dreg:$0x2];
	[bflag:$0x3] =	sbarrier.arrive $0xFFFF;
	s2 =	simm.s32 @!p0 $0x1C05  }
0x1c4: {  	[timem:s3], [sflag:s2] =	dma.local @!p0 [hbm:s0], s1  }
0x1c5: {  	s0 =	simm.s32 @!p0 $0x5  }
0x1c6: {  	_ =	swait.ge @!p0 [sflag:s0], s1  }
0x1c7: {  	s1 =	ssub.s32 @!p0 $0x0, s1;
	[sflag:s0] =	ssyncset.done @!p0 $0x0  }
0x1c8: {  	[sflag:s0] =	ssyncadd.s32 @!p0 s1  }
0x1c9: {  	[bflag:$0x3] =	sbarrier.arrive $0xFFFF  }
0x1ca: {  	_ =	shalt  }

// kernel: kernel.20.cloned.1.call-start
scs
__scs_entry_jumppad:
0x0: {  	(pc) =	sbr.rel $0x88, $3  }
0x1: {  	(tag) =	ssettag $0x0;
	lr =	simm.s32 $0x1  }
0x2: {  	[smem:$0x3F97] =	sst lr;
	_ =	strace $0xD0000000  }
0x3: {  	_ = 	snop  }
0x4: {  	_ = 	snop  }
0x5: {  	_ = 	snop  }
0x6: {  	_ = 	snop  }
0x7: {  	_ = 	snop  }
__scs_overlays_trampoline_lowered:
0x8: {  	[smem:$0x3FA6] =	sst s0  }
0x9: {  	[smem:$0x3FA7] =	sst s1  }
0xa: {  	[smem:$0x3FA8] =	sst s2  }
0xb: {  	[smem:$0x3FA9] =	sst s3  }
0xc: {  	[smem:$0x3FAA] =	sst s4  }
0xd: {  	[smem:$0x3FAB] =	sst s5  }
0xe: {  	[smem:$0x3FAC] =	sst s6  }
0xf: {  	[smem:$0x3FAD] =	sst s7  }
0x10: {  	[smem:$0x3FAE] =	sst s8  }
0x11: {  	[smem:$0x3FAF] =	sst s9;
	s0 =	simm.s32 @!p0 $0x0  }
0x12: {  	s1 =	sld [smem:$0x3F95];
	s0 =	simm.s32 @p0 $0x1  }
0x13: {  	[smem:$0x3FB0] =	sst s0;
	s0 =	simm.s32 @!p1 $0x0  }
0x14: {  	s2 =	sld [smem:$0x3F94];
	s0 =	simm.s32 @p1 $0x1  }
0x15: {  	[smem:$0x3FB1] =	sst s0;
	s0 =	simm.s32 @!p2 $0x0  }
0x16: {  	s3 =	sld [smem:$0x3FDB];
	s0 =	simm.s32 @p2 $0x1  }
0x17: {  	s4 =	simm.s32 $0x1BF5;
	[smem:$0x3FB3] =	sst s0  }
0x18: {  	s0 =	sld [smem:$0x3F96];
	_ =	swait.ge [sflag:s4], $0x0  }
0x19: {  	s7 =	sld [smem:$0x3F97]  }
0x1a: {  	s8 =	sadd.s32 $0xFFFFE003, lr  }
0x1b: {  	s9 =	sadd.s32 $0xFFFFFEF7, lr;
	s5 =	simm.s32 $0xFFFFFFFF;
	p2 =	slt.u32 s8, $0xFFFFF086  }
0x1c: {  	p1 =	slt.u32 s9, $0xF7A;
	s5 =	simm.s32 @!p2 $0x0  }
0x1d: {  	s5 =	simm.s32 @p1 $0x1;
	p0 =	seq.s32 s7, s2  }
0x1e: {  	s7 =	smul.u32 @!p0 $0xF7A, s2;
	p2 =	seq.s32 @!p0 s5, $0x0  }
0x1f: {  	s9 =	smul.u32 $0xF7A, s1;
	s8 =	simm.s32 @!p0 $0x1BF5;
	p2 =	por !p2, p0  }
0x20: {  	[sflag:s8] =	ssyncset.s32 @!p0 $0xFFFFF086;
	s6 =	sadd.s32 @!p0 s3, s7;
	s7 =	simm.s32 @!p0 $0x108  }
0x21: {  	s3 =	sadd.s32 s3, s9;
	s6 =	sadd.s32 @!p0 $0x88, s6;
	s7 =	simm.s32 @p2 $0x1082  }
0x22: {  	[simem:s7], [sflag:s8] =	dma.local @!p0 [hbm:s6], $0xF7A  }
0x23: {  	s9 =	sor.u32 $0xD0000000, s2;
	s6 =	simm.s32 $0x108;
	_ =	swait.ge @!p0 [sflag:s8], $0x0  }
0x24: {  	s3 =	sadd.s32 $0x88, s3;
	s6 =	simm.s32 @!p1 $0x1082;
	[sflag:s4] =	ssyncset.s32 $0xFFFFF086  }
0x25: {  	[simem:s6], [sflag:s4] =	dma.local [hbm:s3], $0xF7A  }
0x26: {  	[smem:$0x3F97] =	sst s1;
	(tag) =	ssettag s2;
	_ =	strace s9  }
0x27: {  	s1 =	sld [smem:$0x3FA7]  }
0x28: {  	s2 =	sld [smem:$0x3FA8]  }
0x29: {  	s4 =	sld [smem:$0x3FAA]  }
0x2a: {  	p0 =	seq.s32 s5, $0x0;
	s5 =	sld [smem:$0x3FAB]  }
0x2b: {  	s6 =	sld [smem:$0x3FAC]  }
0x2c: {  	s7 =	sld [smem:$0x3FAD]  }
0x2d: {  	s3 =	simm.s32 $0x108;
	s8 =	sld [smem:$0x3FAE]  }
0x2e: {  	s3 =	simm.s32 @!p0 $0x1082;
	s9 =	sld [smem:$0x3FAF]  }
0x2f: {  	lr =	sadd.s32 s0, s3;
	s0 =	sld [smem:$0x3FA6]  }
0x30: {  	s3 =	sld [smem:$0x3FA9]  }
0x31: {  	[smem:$0x3FB2] =	sst s10  }
0x32: {  	s10 =	sld [smem:$0x3FB0];
	_ =	sdelay $0x3  }
0x33: {  	p0 =	seq.s32 s10, $0x1;
	s10 =	sld [smem:$0x3FB2];
	_ =	sdelay $0x3  }
0x34: {  	[smem:$0x3FB2] =	sst s10  }
0x35: {  	s10 =	sld [smem:$0x3FB1];
	_ =	sdelay $0x3  }
0x36: {  	p1 =	seq.s32 s10, $0x1;
	s10 =	sld [smem:$0x3FB2];
	_ =	sdelay $0x3  }
0x37: {  	[smem:$0x3FB2] =	sst s10  }
0x38: {  	s10 =	sld [smem:$0x3FB3]  }
0x39: {  	_ = 	snop;
	(pc) =	sbr.ind lr, $3  }
0x3a: {  	_ = 	snop  }
0x3b: {  	_ = 	snop  }
0x3c: {  	p2 =	seq.s32 s10, $0x1;
	s10 =	sld [smem:$0x3FB2]  }
0x3d: {  	_ =	shalt  }
0x3e: {  	_ =	shalt  }
0x3f: {  	_ =	shalt  }
0x40: {  	_ =	shalt  }
0x41: {  	_ =	shalt  }
0x42: {  	_ =	shalt  }
0x43: {  	_ =	shalt  }
0x44: {  	_ =	shalt  }
0x45: {  	_ =	shalt  }
0x46: {  	_ =	shalt  }
0x47: {  	_ =	shalt  }
0x48: {  	_ =	shalt  }
0x49: {  	_ =	shalt  }
0x4a: {  	_ =	shalt  }
0x4b: {  	_ =	shalt  }
0x4c: {  	_ =	shalt  }
0x4d: {  	_ =	shalt  }
0x4e: {  	_ =	shalt  }
0x4f: {  	_ =	shalt  }
0x50: {  	_ =	shalt  }
0x51: {  	_ =	shalt  }
0x52: {  	_ =	shalt  }
0x53: {  	_ =	shalt  }
0x54: {  	_ =	shalt  }
0x55: {  	_ =	shalt  }
0x56: {  	_ =	shalt  }
0x57: {  	_ =	shalt  }
0x58: {  	_ =	shalt  }
0x59: {  	_ =	shalt  }
0x5a: {  	_ =	shalt  }
0x5b: {  	_ =	shalt  }
0x5c: {  	_ =	shalt  }
0x5d: {  	_ =	shalt  }
0x5e: {  	_ =	shalt  }
0x5f: {  	_ =	shalt  }
0x60: {  	_ =	shalt  }
0x61: {  	_ =	shalt  }
0x62: {  	_ =	shalt  }
0x63: {  	_ =	shalt  }
0x64: {  	_ =	shalt  }
0x65: {  	_ =	shalt  }
0x66: {  	_ =	shalt  }
0x67: {  	_ =	shalt  }
0x68: {  	_ =	shalt  }
0x69: {  	_ =	shalt  }
0x6a: {  	_ =	shalt  }
0x6b: {  	_ =	shalt  }
0x6c: {  	_ =	shalt  }
0x6d: {  	_ =	shalt  }
0x6e: {  	_ =	shalt  }
0x6f: {  	_ =	shalt  }
0x70: {  	_ =	shalt  }
0x71: {  	_ =	shalt  }
0x72: {  	_ =	shalt  }
0x73: {  	_ =	shalt  }
0x74: {  	_ =	shalt  }
0x75: {  	_ =	shalt  }
0x76: {  	_ =	shalt  }
0x77: {  	_ =	shalt  }
0x78: {  	_ =	shalt  }
0x79: {  	_ =	shalt  }
0x7a: {  	_ =	shalt  }
0x7b: {  	_ =	shalt  }
0x7c: {  	_ =	shalt  }
0x7d: {  	_ =	shalt  }
0x7e: {  	_ =	shalt  }
0x7f: {  	_ =	shalt  }
0x80: {  	_ =	shalt  }
0x81: {  	_ =	shalt  }
0x82: {  	_ =	shalt  }
0x83: {  	_ =	shalt  }
0x84: {  	_ =	shalt  }
0x85: {  	_ =	shalt  }
0x86: {  	_ =	shalt  }
0x87: {  	_ =	shalt  }
.Lfunc_end0:
.L_simem_size_0:
called_computation.3_lowered:
.L_overlay_start_0:
0x88: {  	s2 =	sld [smem:$0x3FD9]  }
0x89: {  	s3 =	sld [smem:$0x3FFE];
	_ =	sdelay $0x1  }
0x8a: {  	s1 =	srdreg.scid  }
0x8b: {  	s0 =	sand.u32 $0x1, s1  }
0x8c: {  	s17 =	sshll.u32 s0, $0xA;
	s2 =	sadd.s32 s3, s2  }
0x8d: {  	s2 =	sadd.s32 s2, s17  }
0x8e: {  	[smem:$0x3FBE] =	sst s2  }
0x8f: {  	_ = 	snop  }
0x90: {  	s4 =	sld [smem:$0x3FC9]  }
0x91: {  	s5 =	sld [smem:$0x3FC8]  }
0x92: {  	s18 =	sld [smem:$0x3FC7]  }
0x93: {  	s6 =	sld [smem:$0x3FC6];
	(tm) =	ssettm $0x1  }
0x94: {  	s19 =	sld [smem:$0x3FFB];
	_ =	sdelay $0x3  }
0x95: {  	_ =	strace s19  }
0x96: {  	s2 =	sld [smem:$0x3FFC];
	_ =	sdelay $0x3  }
0x97: {  	_ =	strace s2  }
0x98: {  	s2 =	sld [smem:$0x3FFD];
	_ =	sdelay $0x3  }
0x99: {  	_ =	strace s2  }
0x9a: {  	_ =	strace $0x8FFFFFFF  }
0x9b: {  	s20 =	sld [smem:$0x3FDB];
	_ =	sdelay $0x1  }
0x9c: {  	s7 =	simm.s32 $_scs_section_size  }
0x9d: {  	s8 =	simm.s32 $_size__tile_overlayer_lowered;
	s9 =	simm.s32 $_tile_overlayer_lowered  }
0x9e: {  	s10 =	simm.s32 $0x1BFF;
	s21 =	sshll.u32 s9, $0x1;
	s7 =	sadd.s32 s7, s20  }
0x9f: {  	s22 =	simm.s32 $0x0;
	s8 =	sshll.u32 s8, $0x1;
	s9 =	sadd.s32 s21, s7  }
0xa0: {  	[timem:s22], [sflag:s10] =	dma.local [hbm:s9], s8  }
0xa1: {  	_ =	swait.ge [sflag:s10], s8  }
0xa2: {  	s8 =	ssub.s32 $0x0, s8;
	[sflag:s10] =	ssyncset.done $0x0  }
0xa3: {  	[sflag:s10] =	ssyncadd.s32 s8;
	_ =	sdelay $0x1  }
0xa4: {  	s23 =	simm.s32 $0x1B8B  }
0xa5: {  	_ =	swait.ge [sflag:s23], $0x1  }
0xa6: {  	[sflag:s23] =	ssyncset.done $0x0  }
0xa7: {  	[sflag:s23] =	ssyncadd.s32 $0xFFFFFFFF  }
0xa8: {  	s8 =	sld [smem:$0x0]  }
0xa9: {  	s9 =	sand.u32 $0xFFFFFFFE, s1  }
0xaa: {  	p0 =	sne.s32 s1, s9  }
0xab: {  	s9 =	sshll.u32 @p0 s9, $0xE  }
0xac: {  	s9 =	sadd.s32 @p0 $0x11B8D, s9;
	s10 =	sshll.u32 @p0 s8, $0x11  }
0xad: {  	s9 =	sor.u32 @p0 s10, s9  }
0xae: {  	[sflag:s9] =	ssyncadd.remote.s32 @p0 $0x1;
	_ =	sdelay $0x1  }
0xaf: {  	s9 =	simm.s32 @p0 $0x1B8D  }
0xb0: {  	_ =	swait.eq @p0 [sflag:s9], $0x1  }
0xb1: {  	[sflag:s9] =	ssyncadd.s32 @p0 $0xFFFFFFFF  }
0xb2: {  	s10 =	sshll.u32 @!p0 s1, $0xE  }
0xb3: {  	s10 =	sor.u32 @!p0 $0x4000, s10;
	s9 =	simm.s32 @!p0 $0x1B8D  }
0xb4: {  	s8 =	sshll.u32 @!p0 s8, $0x11;
	s10 =	sadd.s32 @!p0 $0x11B8D, s10;
	_ =	swait.eq @!p0 [sflag:s9], $0x1  }
0xb5: {  	s8 =	sor.u32 @!p0 s8, s10;
	[sflag:s9] =	ssyncadd.s32 @!p0 $0xFFFFFFFF  }
0xb6: {  	s25 =	simm.s32 $0x1B8E;
	s24 =	sld [smem:$0x3FFE];
	[sflag:s8] =	ssyncadd.remote.s32 @!p0 $0x1  }
0xb7: {  	s26 =	simm.s32 $execute0_lowered;
	[smem:$0x3FD2] =	sst s25  }
0xb8: {  	s9 =	sshll.u32 s26, $0x1;
	_ =	strace $0x8000004F;
	[dreg:$0x1] =	wrdreg $0xFFFFFFFF  }
0xb9: {  	s28 =	simm.s32 $_size_execute0_lowered;
	s7 =	sadd.s32 s7, s9;
	[dreg:$0x0] =	wrdreg $0x0  }
0xba: {  	s9 =	sshll.u32 s28, $0x1;
	[dreg:$0x2] =	wrdreg s7  }
0xbb: {  	[dreg:$0x3] =	wrdreg s9  }
0xbc: {  	[dreg:$0x4] =	wrdreg $0xC0  }
0xbd: {  	_ =	task [dreg:s22], $0x5FFFF  }
0xbe: {  	[dreg:$0x1] =	wrdreg $0xFFFFFFFF  }
0xbf: {  	[dreg:$0x0] =	wrdreg $0x60  }
0xc0: {  	[dreg:$0x2] =	wrdreg s4  }
0xc1: {  	[dreg:$0x3] =	wrdreg s5  }
0xc2: {  	[dreg:$0x4] =	wrdreg s6  }
0xc3: {  	[dreg:$0x5] =	wrdreg s18  }
0xc4: {  	[dreg:$0x6] =	wrdreg s24  }
0xc5: {  	[dreg:$0x7] =	wrdreg $0xC  }
0xc6: {  	_ =	task.clear_ibuf [dreg:s22], $0x8FFFF;
	_ =	strace $0x9000004F  }
0xc7: {  	s29 =	simm.s32 $0xC;
	_ =	strace $0x80000051  }
0xc8: {  	_ =	swait.ge [sflag:s29], $0x1  }
0xc9: {  	[sflag:s29] =	ssyncadd.s32 $0xFFFFFFFF  }
0xca: {  	_ =	strace $0x90000051  }
0xcb: {  	_ =	sfence  }
0xcc: {  	s30 =	sld [smem:$0x0];
	_ =	sdelay $0x2  }
0xcd: {  	s31 =	sshll.u32 s1, $0xD;
	s1 =	sshrl.u32 s1, $0x2  }
0xce: {  	s4 =	sand.u32 $0x4000, s31;
	s1 =	sadd.s32 s1, s30  }
0xcf: {  	s0 =	sor.u32 s4, s0;
	s1 =	sshll.u32 s1, $0x11  }
0xd0: {  	s0 =	sor.u32 s1, s0  }
0xd1: {  	s0 =	sadd.s32 $0x8F2B, s0  }
0xd2: {  	[sflag:s0] =	ssyncadd.remote.s32 $0x1  }
0xd3: {  	_ =	sfence.sel $0xFFFF  }
0xd4: {  	[dreg:$0x0] =	wrdreg $0xFFFFFFFF;
	(pc) =	sbr.abs _section_cstart, $3  }
0xd5: {  	[dreg:$0x1] =	wrdreg $0xFFFFFFFF  }
0xd6: {  	_ =	task.clear_ibuf [dreg:s22], $0x2FFFF;
	_ =	strace $0x9FFFFFFF  }
0xd7: {  	(tm) =	ssettm $0x7FFFFFFF  }
tec
execute0_lowered:
.L_overlay_start_1:
0x0: {  	(tag) =	ssettag $0x1  }
0x1: {  	s0 =	rddreg [dreg:$0x0]  }
0x2: {  	s2 =	rddreg [dreg:$0x1]  }
0x3: {  	s3 =	srdreg.scid;
	s1 =	rddreg [dreg:$0x2]  }
0x4: {  	s4 =	stileid.u32;
	s6 =	rddreg [dreg:$0x4];
	s26 =	simm.s32 $0x100  }
0x5: {  	s16 =	simm.s32 $0x1A00;
	s17 =	simm.s32 $0x2200;
	s18 =	simm.s32 $0x2A00  }
0x6: {  	s19 =	simm.s32 $0x3200;
	s28 =	simm.s32 $0x6A00;
	s29 =	simm.s32 $0x7200  }
0x7: {  	s30 =	simm.s32 $0x7A00;
	s31 =	simm.s32 $0x9200;
	s5 =	sand.u32 $0x1, s3  }
0x8: {  	s4 =	sshll.u32 s4, $0x1;
	s3 =	rddreg [dreg:$0x3];
	s9 =	sadd.s32 $0x1B3600, s6  }
0x9: {  	s11 =	sadd.s32 $0x22B600, s6;
	s4 =	sor.u32 s5, s4;
	s5 =	ssub.s32 $0x2, s5  }
0xa: {  	s7 =	smul.u32 $0xA0, s4;
	s4 =	simm.s32 $0x0;
	s10 =	sshrl.u32 s5, $0x1  }
0xb: {  	s6 =	sadd.s32 $0x200, s1;
	[smem:$0x7FF] =	sst s4;
	s10 =	ssub.s32 s5, s10  }
0xc: {  	s5 =	sadd.s32 $0x100, s1;
	s7 =	sshrl.u32 s7, $0x3;
	_ =	strace $0x80000050  }
0xd: {  	s15 =	smax.u32 s10, $0x1;
	[dreg:$0xc] =	wrdreg s26;
	s8 =	sadd.s32 $0x580, s7  }
0xe: {  	s26 =	simm.s32 $0x6200;
	s21 =	smul.u32 $0x300, s7;
	s0 =	sadd.s32 s0, s8  }
0xf: {  	s7 =	sadd.s32 $0x100, s3;
	s20 =	sadd.s32 s2, s8;
	[dreg:$0x6] =	wrdreg s0  }
0x10: {  	s8 =	sadd.s32 $0x200, s3;
	[dreg:$0x7] =	wrdreg s20;
	s22 =	sadd.s32 s9, s21  }
0x11: {  	s23 =	sadd.s32 s11, s21;
	s2 =	sadd.s32 $0x1E00, s21;
	[dreg:$0x8] =	wrdreg s22  }
0x12: {  	s21 =	simm.s32 $0x3A00;
	s20 =	simm.s32 $0x9A00;
	[dreg:$0x9] =	wrdreg s23  }
0x13: {  	v2 =	vlaneseq.u32;
	s24 =	sadd.s32 s9, s2;
	s25 =	sadd.s32 s11, s2;
	s22 =	simm.s32 $0x4200  }
0x14: {  	vm0 =	vmmov $0xffff;
	v1 =	vshrl.u32 v2, $0x3;
	s23 =	simm.s32 $0x4A00;
	s2 =	simm.s32 $0x3;
	[dreg:$0xa] =	wrdreg s24  }
0x15: {  	v0 =	vand.u32 $0x7, v2;
	v2 =	vor.u32 $0x8, v2;
	v1 =	vmul.u32 $0x8, v1;
	[dreg:$0xb] =	wrdreg s25;
	s24 =	simm.s32 $0x5200;
	s25 =	simm.s32 $0x5A00  }
.LBB2_1:
0x16: {  	s13 =	rddreg [dreg:$0x6];
	s10 =	simm.s32 $0x5  }
0x17: {  	[tilespmem:s4], [sflag:$0x5] =	stream.linear.gather [hbm4b:s13+s4], $0xA0, $0x38;
	[tilespmem:$0x1E200] =	vst v63  }
0x18: {  	_ =	swait.ge [sflag:s10], $0xA0  }
0x19: {  	s9 =	rddreg [dreg:$0x7];
	[sflag:s10] =	ssyncset.done $0x0  }
0x1a: {  	s14 =	rddreg [dreg:$0xc];
	[sflag:s10] =	ssyncadd.s32 $0xFFFFFF60  }
0x1b: {  	[tilespmem:s14], [sflag:$0x5] =	stream.linear.gather [hbm4b:s9+s4], $0xA0, $0x38;
	[tilespmem:$0x1E200] =	vst v63  }
0x1c: {  	_ =	swait.ge [sflag:s10], $0xA0  }
0x1d: {  	[sflag:s10] =	ssyncset.done $0x0  }
0x1e: {  	[sflag:s10] =	ssyncadd.s32 $0xFFFFFF60  }
0x1f: {  	v3 =	vld [tilespmem:$0x0];
	_ =	sdelay $0x4  }
0x20: {  	v4 =	vshrl.u32 v3, $0x3  }
0x21: {  	v4 =	vmul.u32 $0x30, v4  }
0x22: {  	v3 =	vand.u32 $0x7, v3  }
0x23: {  	v3 =	vor.u32 v3, v4  }
0x24: {  	v4 =	vperm.xlane v3, v0;
	_ =	sdelay $0x1  }
0x25: {  	v4 =	vadd.s32 v1, v4;
	_ =	sdelay $0x3  }
0x26: {  	s0 =	simm.s32 $0x200;
	v3 =	vperm.xlane v3, v2  }
0x27: {  	[tilespmem:s0], [sflag:$0x1] =	stream.indirect_vreg.gather [hbm4b:s1+s4], $0x80, v4, vm0, $0xb8;
	[tilespmem:$0x1E200] =	vst v63  }
0x28: {  	s14 =	simm.s32 $0xA00;
	v3 =	vadd.s32 v1, v3  }
0x29: {  	[tilespmem:s14], [sflag:$0x1] =	stream.indirect_vreg.gather [hbm4b:s5+s4], $0x80, v4, vm0, $0xb8;
	[tilespmem:$0x1E200] =	vst v63  }
0x2a: {  	s11 =	simm.s32 $0x1200  }
0x2b: {  	[tilespmem:s11], [sflag:$0x1] =	stream.indirect_vreg.gather [hbm4b:s6+s4], $0x80, v4, vm0, $0xb8;
	[tilespmem:$0x1E200] =	vst v63  }
0x2c: {  	_ = 	snop  }
0x2d: {  	[tilespmem:s16], [sflag:$0x1] =	stream.indirect_vreg.gather [hbm4b:s1+s4], $0x80, v3, vm0, $0xb8;
	[tilespmem:$0x1E200] =	vst v63  }
0x2e: {  	_ = 	snop  }
0x2f: {  	[tilespmem:s17], [sflag:$0x1] =	stream.indirect_vreg.gather [hbm4b:s5+s4], $0x80, v3, vm0, $0xb8;
	[tilespmem:$0x1E200] =	vst v63  }
0x30: {  	_ = 	snop  }
0x31: {  	[tilespmem:s18], [sflag:$0x1] =	stream.indirect_vreg.gather [hbm4b:s6+s4], $0x80, v3, vm0, $0xb8;
	[tilespmem:$0x1E200] =	vst v63  }
0x32: {  	v3 =	vld [tilespmem:$0x10];
	_ =	sdelay $0x4  }
0x33: {  	v45 =	vshrl.u32 v3, $0x3  }
0x34: {  	v4 =	vmul.u32 $0x30, v45  }
0x35: {  	v3 =	vand.u32 $0x7, v3  }
0x36: {  	v3 =	vor.u32 v3, v4  }
0x37: {  	v4 =	vperm.xlane v3, v0;
	_ =	sdelay $0x1  }
0x38: {  	v4 =	vadd.s32 v1, v4;
	_ =	sdelay $0x3  }
0x39: {  	v3 =	vperm.xlane v3, v2  }
0x3a: {  	[tilespmem:s19], [sflag:$0x1] =	stream.indirect_vreg.gather [hbm4b:s1+s4], $0x80, v4, vm0, $0xb8;
	[tilespmem:$0x1E200] =	vst v63  }
0x3b: {  	v3 =	vadd.s32 v1, v3  }
0x3c: {  	[tilespmem:s21], [sflag:$0x1] =	stream.indirect_vreg.gather [hbm4b:s5+s4], $0x80, v4, vm0, $0xb8;
	[tilespmem:$0x1E200] =	vst v63  }
0x3d: {  	_ = 	snop  }
0x3e: {  	[tilespmem:s22], [sflag:$0x1] =	stream.indirect_vreg.gather [hbm4b:s6+s4], $0x80, v4, vm0, $0xb8;
	[tilespmem:$0x1E200] =	vst v63  }
0x3f: {  	_ = 	snop  }
0x40: {  	[tilespmem:s23], [sflag:$0x1] =	stream.indirect_vreg.gather [hbm4b:s1+s4], $0x80, v3, vm0, $0xb8;
	[tilespmem:$0x1E200] =	vst v63  }
0x41: {  	_ = 	snop  }
0x42: {  	[tilespmem:s24], [sflag:$0x1] =	stream.indirect_vreg.gather [hbm4b:s5+s4], $0x80, v3, vm0, $0xb8;
	[tilespmem:$0x1E200] =	vst v63  }
0x43: {  	_ = 	snop  }
0x44: {  	[tilespmem:s25], [sflag:$0x1] =	stream.indirect_vreg.gather [hbm4b:s6+s4], $0x80, v3, vm0, $0xb8;
	[tilespmem:$0x1E200] =	vst v63  }
0x45: {  	v3 =	vld [tilespmem:$0x20];
	_ =	sdelay $0x4  }
0x46: {  	v46 =	vshrl.u32 v3, $0x3  }
0x47: {  	v4 =	vmul.u32 $0x30, v46  }
0x48: {  	v3 =	vand.u32 $0x7, v3  }
0x49: {  	v3 =	vor.u32 v3, v4  }
0x4a: {  	v4 =	vperm.xlane v3, v0;
	_ =	sdelay $0x1  }
0x4b: {  	v4 =	vadd.s32 v1, v4;
	_ =	sdelay $0x3  }
0x4c: {  	v3 =	vperm.xlane v3, v2  }
0x4d: {  	[tilespmem:s26], [sflag:$0x1] =	stream.indirect_vreg.gather [hbm4b:s1+s4], $0x80, v4, vm0, $0xb8;
	[tilespmem:$0x1E200] =	vst v63  }
0x4e: {  	v3 =	vadd.s32 v1, v3  }
0x4f: {  	[tilespmem:s28], [sflag:$0x1] =	stream.indirect_vreg.gather [hbm4b:s5+s4], $0x80, v4, vm0, $0xb8;
	[tilespmem:$0x1E200] =	vst v63  }
0x50: {  	_ = 	snop  }
0x51: {  	[tilespmem:s29], [sflag:$0x1] =	stream.indirect_vreg.gather [hbm4b:s6+s4], $0x80, v4, vm0, $0xb8;
	[tilespmem:$0x1E200] =	vst v63  }
0x52: {  	_ = 	snop  }
0x53: {  	[tilespmem:s30], [sflag:$0x1] =	stream.indirect_vreg.gather [hbm4b:s1+s4], $0x80, v3, vm0, $0xb8;
	[tilespmem:$0x1E200] =	vst v63  }
0x54: {  	s11 =	simm.s32 $0x8200  }
0x55: {  	[tilespmem:s11], [sflag:$0x1] =	stream.indirect_vreg.gather [hbm4b:s5+s4], $0x80, v3, vm0, $0xb8;
	[tilespmem:$0x1E200] =	vst v63  }
0x56: {  	s12 =	simm.s32 $0x8A00  }
0x57: {  	[tilespmem:s12], [sflag:$0x1] =	stream.indirect_vreg.gather [hbm4b:s6+s4], $0x80, v3, vm0, $0xb8;
	[tilespmem:$0x1E200] =	vst v63  }
0x58: {  	v3 =	vld [tilespmem:$0x30];
	_ =	sdelay $0x4  }
0x59: {  	v47 =	vshrl.u32 v3, $0x3  }
0x5a: {  	v4 =	vmul.u32 $0x30, v47  }
0x5b: {  	v3 =	vand.u32 $0x7, v3  }
0x5c: {  	v3 =	vor.u32 v3, v4  }
0x5d: {  	v4 =	vperm.xlane v3, v0;
	_ =	sdelay $0x1  }
0x5e: {  	v4 =	vadd.s32 v1, v4;
	_ =	sdelay $0x3  }
0x5f: {  	v3 =	vperm.xlane v3, v2  }
0x60: {  	[tilespmem:s31], [sflag:$0x1] =	stream.indirect_vreg.gather [hbm4b:s1+s4], $0x80, v4, vm0, $0xb8;
	[tilespmem:$0x1E200] =	vst v63  }
0x61: {  	v3 =	vadd.s32 v1, v3  }
0x62: {  	[tilespmem:s20], [sflag:$0x1] =	stream.indirect_vreg.gather [hbm4b:s5+s4], $0x80, v4, vm0, $0xb8;
	[tilespmem:$0x1E200] =	vst v63  }
0x63: {  	s13 =	simm.s32 $0xA200  }
0x64: {  	[tilespmem:s13], [sflag:$0x1] =	stream.indirect_vreg.gather [hbm4b:s6+s4], $0x80, v4, vm0, $0xb8;
	[tilespmem:$0x1E200] =	vst v63  }
0x65: {  	s9 =	simm.s32 $0xAA00  }
0x66: {  	[tilespmem:s9], [sflag:$0x1] =	stream.indirect_vreg.gather [hbm4b:s1+s4], $0x80, v3, vm0, $0xb8;
	[tilespmem:$0x1E200] =	vst v63  }
0x67: {  	s12 =	simm.s32 $0xB200  }
0x68: {  	[tilespmem:s12], [sflag:$0x1] =	stream.indirect_vreg.gather [hbm4b:s5+s4], $0x80, v3, vm0, $0xb8;
	[tilespmem:$0x1E200] =	vst v63  }
0x69: {  	s10 =	simm.s32 $0xBA00  }
0x6a: {  	[tilespmem:s10], [sflag:$0x1] =	stream.indirect_vreg.gather [hbm4b:s6+s4], $0x80, v3, vm0, $0xb8;
	[tilespmem:$0x1E200] =	vst v63  }
0x6b: {  	v3 =	vld [tilespmem:$0x40];
	_ =	sdelay $0x4  }
0x6c: {  	v48 =	vshrl.u32 v3, $0x3  }
0x6d: {  	v4 =	vmul.u32 $0x30, v48  }
0x6e: {  	v3 =	vand.u32 $0x7, v3  }
0x6f: {  	v3 =	vor.u32 v3, v4  }
0x70: {  	v4 =	vperm.xlane v3, v0;
	_ =	sdelay $0x1  }
0x71: {  	v4 =	vadd.s32 v1, v4;
	_ =	sdelay $0x3  }
0x72: {  	s13 =	simm.s32 $0xC200;
	v3 =	vperm.xlane v3, v2  }
0x73: {  	[tilespmem:s13], [sflag:$0x1] =	stream.indirect_vreg.gather [hbm4b:s1+s4], $0x80, v4, vm0, $0xb8;
	[tilespmem:$0x1E200] =	vst v63  }
0x74: {  	s9 =	simm.s32 $0xCA00;
	v3 =	vadd.s32 v1, v3  }
0x75: {  	[tilespmem:s9], [sflag:$0x1] =	stream.indirect_vreg.gather [hbm4b:s5+s4], $0x80, v4, vm0, $0xb8;
	[tilespmem:$0x1E200] =	vst v63  }
0x76: {  	s10 =	simm.s32 $0xD200  }
0x77: {  	[tilespmem:s10], [sflag:$0x1] =	stream.indirect_vreg.gather [hbm4b:s6+s4], $0x80, v4, vm0, $0xb8;
	[tilespmem:$0x1E200] =	vst v63  }
0x78: {  	s13 =	simm.s32 $0xDA00  }
0x79: {  	[tilespmem:s13], [sflag:$0x1] =	stream.indirect_vreg.gather [hbm4b:s1+s4], $0x80, v3, vm0, $0xb8;
	[tilespmem:$0x1E200] =	vst v63  }
0x7a: {  	s9 =	simm.s32 $0xE200  }
0x7b: {  	[tilespmem:s9], [sflag:$0x1] =	stream.indirect_vreg.gather [hbm4b:s5+s4], $0x80, v3, vm0, $0xb8;
	[tilespmem:$0x1E200] =	vst v63  }
0x7c: {  	s10 =	simm.s32 $0xEA00  }
0x7d: {  	[tilespmem:s10], [sflag:$0x1] =	stream.indirect_vreg.gather [hbm4b:s6+s4], $0x80, v3, vm0, $0xb8;
	[tilespmem:$0x1E200] =	vst v63  }
0x7e: {  	v3 =	vld [tilespmem:$0x100];
	_ =	sdelay $0x4  }
0x7f: {  	v49 =	vshrl.u32 v3, $0x3  }
0x80: {  	v4 =	vmul.u32 $0x30, v49  }
0x81: {  	v3 =	vand.u32 $0x7, v3  }
0x82: {  	v3 =	vor.u32 v3, v4  }
0x83: {  	v4 =	vperm.xlane v3, v0;
	_ =	sdelay $0x1  }
0x84: {  	v4 =	vadd.s32 v1, v4;
	_ =	sdelay $0x3  }
0x85: {  	s10 =	simm.s32 $0xF200;
	v3 =	vperm.xlane v3, v2  }
0x86: {  	[tilespmem:s10], [sflag:$0x2] =	stream.indirect_vreg.gather [hbm4b:s3+s4], $0x80, v4, vm0, $0xb8;
	[tilespmem:$0x1E200] =	vst v63  }
0x87: {  	s13 =	simm.s32 $0xFA00;
	v3 =	vadd.s32 v1, v3  }
0x88: {  	[tilespmem:s13], [sflag:$0x2] =	stream.indirect_vreg.gather [hbm4b:s7+s4], $0x80, v4, vm0, $0xb8;
	[tilespmem:$0x1E200] =	vst v63  }
0x89: {  	s9 =	simm.s32 $0x10200  }
0x8a: {  	[tilespmem:s9], [sflag:$0x2] =	stream.indirect_vreg.gather [hbm4b:s8+s4], $0x80, v4, vm0, $0xb8;
	[tilespmem:$0x1E200] =	vst v63  }
0x8b: {  	s13 =	simm.s32 $0x10A00  }
0x8c: {  	[tilespmem:s13], [sflag:$0x2] =	stream.indirect_vreg.gather [hbm4b:s3+s4], $0x80, v3, vm0, $0xb8;
	[tilespmem:$0x1E200] =	vst v63  }
0x8d: {  	s9 =	simm.s32 $0x11200  }
0x8e: {  	[tilespmem:s9], [sflag:$0x2] =	stream.indirect_vreg.gather [hbm4b:s7+s4], $0x80, v3, vm0, $0xb8;
	[tilespmem:$0x1E200] =	vst v63  }
0x8f: {  	s13 =	simm.s32 $0x11A00  }
0x90: {  	[tilespmem:s13], [sflag:$0x2] =	stream.indirect_vreg.gather [hbm4b:s8+s4], $0x80, v3, vm0, $0xb8;
	[tilespmem:$0x1E200] =	vst v63  }
0x91: {  	v3 =	vld [tilespmem:$0x110];
	_ =	sdelay $0x4  }
0x92: {  	v50 =	vshrl.u32 v3, $0x3  }
0x93: {  	v4 =	vmul.u32 $0x30, v50  }
0x94: {  	v3 =	vand.u32 $0x7, v3  }
0x95: {  	v3 =	vor.u32 v3, v4  }
0x96: {  	v4 =	vperm.xlane v3, v0;
	_ =	sdelay $0x1  }
0x97: {  	v4 =	vadd.s32 v1, v4;
	_ =	sdelay $0x3  }
0x98: {  	s9 =	simm.s32 $0x12200;
	v3 =	vperm.xlane v3, v2  }
0x99: {  	[tilespmem:s9], [sflag:$0x2] =	stream.indirect_vreg.gather [hbm4b:s3+s4], $0x80, v4, vm0, $0xb8;
	[tilespmem:$0x1E200] =	vst v63  }
0x9a: {  	s13 =	simm.s32 $0x12A00;
	v3 =	vadd.s32 v1, v3  }
0x9b: {  	[tilespmem:s13], [sflag:$0x2] =	stream.indirect_vreg.gather [hbm4b:s7+s4], $0x80, v4, vm0, $0xb8;
	[tilespmem:$0x1E200] =	vst v63  }
0x9c: {  	s9 =	simm.s32 $0x13200  }
0x9d: {  	[tilespmem:s9], [sflag:$0x2] =	stream.indirect_vreg.gather [hbm4b:s8+s4], $0x80, v4, vm0, $0xb8;
	[tilespmem:$0x1E200] =	vst v63  }
0x9e: {  	s13 =	simm.s32 $0x13A00  }
0x9f: {  	[tilespmem:s13], [sflag:$0x2] =	stream.indirect_vreg.gather [hbm4b:s3+s4], $0x80, v3, vm0, $0xb8;
	[tilespmem:$0x1E200] =	vst v63  }
0xa0: {  	s9 =	simm.s32 $0x14200  }
0xa1: {  	[tilespmem:s9], [sflag:$0x2] =	stream.indirect_vreg.gather [hbm4b:s7+s4], $0x80, v3, vm0, $0xb8;
	[tilespmem:$0x1E200] =	vst v63  }
0xa2: {  	s13 =	simm.s32 $0x14A00  }
0xa3: {  	[tilespmem:s13], [sflag:$0x2] =	stream.indirect_vreg.gather [hbm4b:s8+s4], $0x80, v3, vm0, $0xb8;
	[tilespmem:$0x1E200] =	vst v63  }
0xa4: {  	v3 =	vld [tilespmem:$0x120];
	_ =	sdelay $0x4  }
0xa5: {  	v51 =	vshrl.u32 v3, $0x3  }
0xa6: {  	v4 =	vmul.u32 $0x30, v51  }
0xa7: {  	v3 =	vand.u32 $0x7, v3  }
0xa8: {  	v3 =	vor.u32 v3, v4  }
0xa9: {  	v4 =	vperm.xlane v3, v0;
	_ =	sdelay $0x1  }
0xaa: {  	v4 =	vadd.s32 v1, v4;
	_ =	sdelay $0x3  }
0xab: {  	s9 =	simm.s32 $0x15200;
	v3 =	vperm.xlane v3, v2  }
0xac: {  	[tilespmem:s9], [sflag:$0x2] =	stream.indirect_vreg.gather [hbm4b:s3+s4], $0x80, v4, vm0, $0xb8;
	[tilespmem:$0x1E200] =	vst v63  }
0xad: {  	s13 =	simm.s32 $0x15A00;
	v3 =	vadd.s32 v1, v3  }
0xae: {  	[tilespmem:s13], [sflag:$0x2] =	stream.indirect_vreg.gather [hbm4b:s7+s4], $0x80, v4, vm0, $0xb8;
	[tilespmem:$0x1E200] =	vst v63  }
0xaf: {  	s9 =	simm.s32 $0x16200  }
0xb0: {  	[tilespmem:s9], [sflag:$0x2] =	stream.indirect_vreg.gather [hbm4b:s8+s4], $0x80, v4, vm0, $0xb8;
	[tilespmem:$0x1E200] =	vst v63  }
0xb1: {  	s13 =	simm.s32 $0x16A00  }
0xb2: {  	[tilespmem:s13], [sflag:$0x2] =	stream.indirect_vreg.gather [hbm4b:s3+s4], $0x80, v3, vm0, $0xb8;
	[tilespmem:$0x1E200] =	vst v63  }
0xb3: {  	s9 =	simm.s32 $0x17200  }
0xb4: {  	[tilespmem:s9], [sflag:$0x2] =	stream.indirect_vreg.gather [hbm4b:s7+s4], $0x80, v3, vm0, $0xb8;
	[tilespmem:$0x1E200] =	vst v63  }
0xb5: {  	s13 =	simm.s32 $0x17A00  }
0xb6: {  	[tilespmem:s13], [sflag:$0x2] =	stream.indirect_vreg.gather [hbm4b:s8+s4], $0x80, v3, vm0, $0xb8;
	[tilespmem:$0x1E200] =	vst v63  }
0xb7: {  	v3 =	vld [tilespmem:$0x130];
	_ =	sdelay $0x4  }
0xb8: {  	v52 =	vshrl.u32 v3, $0x3  }
0xb9: {  	v4 =	vmul.u32 $0x30, v52  }
0xba: {  	v3 =	vand.u32 $0x7, v3  }
0xbb: {  	v3 =	vor.u32 v3, v4  }
0xbc: {  	v4 =	vperm.xlane v3, v0;
	_ =	sdelay $0x1  }
0xbd: {  	v4 =	vadd.s32 v1, v4;
	_ =	sdelay $0x3  }
0xbe: {  	s9 =	simm.s32 $0x18200;
	v3 =	vperm.xlane v3, v2  }
0xbf: {  	[tilespmem:s9], [sflag:$0x2] =	stream.indirect_vreg.gather [hbm4b:s3+s4], $0x80, v4, vm0, $0xb8;
	[tilespmem:$0x1E200] =	vst v63  }
0xc0: {  	s13 =	simm.s32 $0x18A00;
	v3 =	vadd.s32 v1, v3  }
0xc1: {  	[tilespmem:s13], [sflag:$0x2] =	stream.indirect_vreg.gather [hbm4b:s7+s4], $0x80, v4, vm0, $0xb8;
	[tilespmem:$0x1E200] =	vst v63  }
0xc2: {  	s9 =	simm.s32 $0x19200  }
0xc3: {  	[tilespmem:s9], [sflag:$0x2] =	stream.indirect_vreg.gather [hbm4b:s8+s4], $0x80, v4, vm0, $0xb8;
	[tilespmem:$0x1E200] =	vst v63  }
0xc4: {  	s13 =	simm.s32 $0x19A00  }
0xc5: {  	[tilespmem:s13], [sflag:$0x2] =	stream.indirect_vreg.gather [hbm4b:s3+s4], $0x80, v3, vm0, $0xb8;
	[tilespmem:$0x1E200] =	vst v63  }
0xc6: {  	s9 =	simm.s32 $0x1A200  }
0xc7: {  	[tilespmem:s9], [sflag:$0x2] =	stream.indirect_vreg.gather [hbm4b:s7+s4], $0x80, v3, vm0, $0xb8;
	[tilespmem:$0x1E200] =	vst v63  }
0xc8: {  	s13 =	simm.s32 $0x1AA00  }
0xc9: {  	[tilespmem:s13], [sflag:$0x2] =	stream.indirect_vreg.gather [hbm4b:s8+s4], $0x80, v3, vm0, $0xb8;
	[tilespmem:$0x1E200] =	vst v63  }
0xca: {  	v3 =	vld [tilespmem:$0x140];
	_ =	sdelay $0x4  }
0xcb: {  	v53 =	vshrl.u32 v3, $0x3  }
0xcc: {  	v4 =	vmul.u32 $0x30, v53  }
0xcd: {  	v3 =	vand.u32 $0x7, v3  }
0xce: {  	v3 =	vor.u32 v3, v4  }
0xcf: {  	v4 =	vperm.xlane v3, v0;
	_ =	sdelay $0x1  }
0xd0: {  	v4 =	vadd.s32 v1, v4;
	_ =	sdelay $0x3  }
0xd1: {  	s9 =	simm.s32 $0x1B200;
	v3 =	vperm.xlane v3, v2  }
0xd2: {  	[tilespmem:s9], [sflag:$0x2] =	stream.indirect_vreg.gather [hbm4b:s3+s4], $0x80, v4, vm0, $0xb8;
	[tilespmem:$0x1E200] =	vst v63  }
0xd3: {  	s13 =	simm.s32 $0x1BA00;
	v3 =	vadd.s32 v1, v3  }
0xd4: {  	[tilespmem:s13], [sflag:$0x2] =	stream.indirect_vreg.gather [hbm4b:s7+s4], $0x80, v4, vm0, $0xb8;
	[tilespmem:$0x1E200] =	vst v63  }
0xd5: {  	s9 =	simm.s32 $0x1C200  }
0xd6: {  	[tilespmem:s9], [sflag:$0x2] =	stream.indirect_vreg.gather [hbm4b:s8+s4], $0x80, v4, vm0, $0xb8;
	[tilespmem:$0x1E200] =	vst v63  }
0xd7: {  	s13 =	simm.s32 $0x1CA00  }
0xd8: {  	[tilespmem:s13], [sflag:$0x2] =	stream.indirect_vreg.gather [hbm4b:s3+s4], $0x80, v3, vm0, $0xb8;
	[tilespmem:$0x1E200] =	vst v63  }
0xd9: {  	s9 =	simm.s32 $0x1D200  }
0xda: {  	[tilespmem:s9], [sflag:$0x2] =	stream.indirect_vreg.gather [hbm4b:s7+s4], $0x80, v3, vm0, $0xb8;
	[tilespmem:$0x1E200] =	vst v63  }
0xdb: {  	s0 =	simm.s32 $0x1;
	s13 =	simm.s32 $0x1DA00  }
0xdc: {  	[tilespmem:s13], [sflag:$0x2] =	stream.indirect_vreg.gather [hbm4b:s8+s4], $0x80, v3, vm0, $0xb8;
	[tilespmem:$0x1E200] =	vst v63  }
0xdd: {  	_ =	swait.ge [sflag:s0], $0xF000  }
0xde: {  	[sflag:s0] =	ssyncset.done $0x0  }
0xdf: {  	s9 =	simm.s32 $0x200;
	s13 =	rddreg [dreg:$0x8];
	[sflag:s0] =	ssyncadd.s32 $0xFFFF1000  }
0xe0: {  	[hbm4b:s13+s4] =	stream.linear.scatter [tilespmem:s9], [sflag:$0x3], $0xF000, $0x38;
	[tilespmem:$0x1E200] =	vst v63  }
0xe1: {  	_ =	swait.ge [sflag:s2], $0xF000  }
0xe2: {  	[sflag:s2] =	ssyncset.done $0x0  }
0xe3: {  	[sflag:s2] =	ssyncadd.s32 $0xFFFF1000  }
0xe4: {  	v3 =	vld [tilespmem:$0x50];
	_ =	sdelay $0x4  }
0xe5: {  	v54 =	vshrl.u32 v3, $0x3  }
0xe6: {  	v4 =	vmul.u32 $0x30, v54  }
0xe7: {  	v3 =	vand.u32 $0x7, v3  }
0xe8: {  	v3 =	vor.u32 v3, v4  }
0xe9: {  	v4 =	vperm.xlane v3, v0;
	_ =	sdelay $0x1  }
0xea: {  	v4 =	vadd.s32 v1, v4;
	_ =	sdelay $0x3  }
0xeb: {  	v3 =	vperm.xlane v3, v2  }
0xec: {  	[tilespmem:s9], [sflag:$0x1] =	stream.indirect_vreg.gather [hbm4b:s1+s4], $0x80, v4, vm0, $0xb8;
	[tilespmem:$0x1E200] =	vst v63  }
0xed: {  	v3 =	vadd.s32 v1, v3  }
0xee: {  	[tilespmem:s14], [sflag:$0x1] =	stream.indirect_vreg.gather [hbm4b:s5+s4], $0x80, v4, vm0, $0xb8;
	[tilespmem:$0x1E200] =	vst v63  }
0xef: {  	s14 =	simm.s32 $0x1200  }
0xf0: {  	[tilespmem:s14], [sflag:$0x1] =	stream.indirect_vreg.gather [hbm4b:s6+s4], $0x80, v4, vm0, $0xb8;
	[tilespmem:$0x1E200] =	vst v63  }
0xf1: {  	_ = 	snop  }
0xf2: {  	[tilespmem:s16], [sflag:$0x1] =	stream.indirect_vreg.gather [hbm4b:s1+s4], $0x80, v3, vm0, $0xb8;
	[tilespmem:$0x1E200] =	vst v63  }
0xf3: {  	_ = 	snop  }
0xf4: {  	[tilespmem:s17], [sflag:$0x1] =	stream.indirect_vreg.gather [hbm4b:s5+s4], $0x80, v3, vm0, $0xb8;
	[tilespmem:$0x1E200] =	vst v63  }
0xf5: {  	_ = 	snop  }
0xf6: {  	[tilespmem:s18], [sflag:$0x1] =	stream.indirect_vreg.gather [hbm4b:s6+s4], $0x80, v3, vm0, $0xb8;
	[tilespmem:$0x1E200] =	vst v63  }
0xf7: {  	v3 =	vld [tilespmem:$0x60];
	_ =	sdelay $0x4  }
0xf8: {  	v55 =	vshrl.u32 v3, $0x3  }
0xf9: {  	v4 =	vmul.u32 $0x30, v55  }
0xfa: {  	v3 =	vand.u32 $0x7, v3  }
0xfb: {  	v3 =	vor.u32 v3, v4  }
0xfc: {  	v4 =	vperm.xlane v3, v0;
	_ =	sdelay $0x1  }
0xfd: {  	v4 =	vadd.s32 v1, v4;
	_ =	sdelay $0x3  }
0xfe: {  	v3 =	vperm.xlane v3, v2  }
0xff: {  	[tilespmem:s19], [sflag:$0x1] =	stream.indirect_vreg.gather [hbm4b:s1+s4], $0x80, v4, vm0, $0xb8;
	[tilespmem:$0x1E200] =	vst v63  }
0x100: {  	v3 =	vadd.s32 v1, v3  }
0x101: {  	[tilespmem:s21], [sflag:$0x1] =	stream.indirect_vreg.gather [hbm4b:s5+s4], $0x80, v4, vm0, $0xb8;
	[tilespmem:$0x1E200] =	vst v63  }
0x102: {  	_ = 	snop  }
0x103: {  	[tilespmem:s22], [sflag:$0x1] =	stream.indirect_vreg.gather [hbm4b:s6+s4], $0x80, v4, vm0, $0xb8;
	[tilespmem:$0x1E200] =	vst v63  }
0x104: {  	_ = 	snop  }
0x105: {  	[tilespmem:s23], [sflag:$0x1] =	stream.indirect_vreg.gather [hbm4b:s1+s4], $0x80, v3, vm0, $0xb8;
	[tilespmem:$0x1E200] =	vst v63  }
0x106: {  	_ = 	snop  }
0x107: {  	[tilespmem:s24], [sflag:$0x1] =	stream.indirect_vreg.gather [hbm4b:s5+s4], $0x80, v3, vm0, $0xb8;
	[tilespmem:$0x1E200] =	vst v63  }
0x108: {  	_ = 	snop  }
0x109: {  	[tilespmem:s25], [sflag:$0x1] =	stream.indirect_vreg.gather [hbm4b:s6+s4], $0x80, v3, vm0, $0xb8;
	[tilespmem:$0x1E200] =	vst v63  }
0x10a: {  	v3 =	vld [tilespmem:$0x70];
	_ =	sdelay $0x4  }
0x10b: {  	v56 =	vshrl.u32 v3, $0x3  }
0x10c: {  	v4 =	vmul.u32 $0x30, v56  }
0x10d: {  	v3 =	vand.u32 $0x7, v3  }
0x10e: {  	v3 =	vor.u32 v3, v4  }
0x10f: {  	v4 =	vperm.xlane v3, v0;
	_ =	sdelay $0x1  }
0x110: {  	v4 =	vadd.s32 v1, v4;
	_ =	sdelay $0x3  }
0x111: {  	v3 =	vperm.xlane v3, v2  }
0x112: {  	[tilespmem:s26], [sflag:$0x1] =	stream.indirect_vreg.gather [hbm4b:s1+s4], $0x80, v4, vm0, $0xb8;
	[tilespmem:$0x1E200] =	vst v63  }
0x113: {  	v3 =	vadd.s32 v1, v3  }
0x114: {  	[tilespmem:s28], [sflag:$0x1] =	stream.indirect_vreg.gather [hbm4b:s5+s4], $0x80, v4, vm0, $0xb8;
	[tilespmem:$0x1E200] =	vst v63  }
0x115: {  	_ = 	snop  }
0x116: {  	[tilespmem:s29], [sflag:$0x1] =	stream.indirect_vreg.gather [hbm4b:s6+s4], $0x80, v4, vm0, $0xb8;
	[tilespmem:$0x1E200] =	vst v63  }
0x117: {  	_ = 	snop  }
0x118: {  	[tilespmem:s30], [sflag:$0x1] =	stream.indirect_vreg.gather [hbm4b:s1+s4], $0x80, v3, vm0, $0xb8;
	[tilespmem:$0x1E200] =	vst v63  }
0x119: {  	_ = 	snop  }
0x11a: {  	[tilespmem:s11], [sflag:$0x1] =	stream.indirect_vreg.gather [hbm4b:s5+s4], $0x80, v3, vm0, $0xb8;
	[tilespmem:$0x1E200] =	vst v63  }
0x11b: {  	s13 =	simm.s32 $0x8A00  }
0x11c: {  	[tilespmem:s13], [sflag:$0x1] =	stream.indirect_vreg.gather [hbm4b:s6+s4], $0x80, v3, vm0, $0xb8;
	[tilespmem:$0x1E200] =	vst v63  }
0x11d: {  	v3 =	vld [tilespmem:$0x80];
	_ =	sdelay $0x4  }
0x11e: {  	v57 =	vshrl.u32 v3, $0x3  }
0x11f: {  	v4 =	vmul.u32 $0x30, v57  }
0x120: {  	v3 =	vand.u32 $0x7, v3  }
0x121: {  	v3 =	vor.u32 v3, v4  }
0x122: {  	v4 =	vperm.xlane v3, v0;
	_ =	sdelay $0x1  }
0x123: {  	v4 =	vadd.s32 v1, v4;
	_ =	sdelay $0x3  }
0x124: {  	v3 =	vperm.xlane v3, v2  }
0x125: {  	[tilespmem:s31], [sflag:$0x1] =	stream.indirect_vreg.gather [hbm4b:s1+s4], $0x80, v4, vm0, $0xb8;
	[tilespmem:$0x1E200] =	vst v63  }
0x126: {  	v3 =	vadd.s32 v1, v3  }
0x127: {  	[tilespmem:s20], [sflag:$0x1] =	stream.indirect_vreg.gather [hbm4b:s5+s4], $0x80, v4, vm0, $0xb8;
	[tilespmem:$0x1E200] =	vst v63  }
0x128: {  	s14 =	simm.s32 $0xA200  }
0x129: {  	[tilespmem:s14], [sflag:$0x1] =	stream.indirect_vreg.gather [hbm4b:s6+s4], $0x80, v4, vm0, $0xb8;
	[tilespmem:$0x1E200] =	vst v63  }
0x12a: {  	s11 =	simm.s32 $0xAA00  }
0x12b: {  	[tilespmem:s11], [sflag:$0x1] =	stream.indirect_vreg.gather [hbm4b:s1+s4], $0x80, v3, vm0, $0xb8;
	[tilespmem:$0x1E200] =	vst v63  }
0x12c: {  	_ = 	snop  }
0x12d: {  	[tilespmem:s12], [sflag:$0x1] =	stream.indirect_vreg.gather [hbm4b:s5+s4], $0x80, v3, vm0, $0xb8;
	[tilespmem:$0x1E200] =	vst v63  }
0x12e: {  	s13 =	simm.s32 $0xBA00  }
0x12f: {  	[tilespmem:s13], [sflag:$0x1] =	stream.indirect_vreg.gather [hbm4b:s6+s4], $0x80, v3, vm0, $0xb8;
	[tilespmem:$0x1E200] =	vst v63  }
0x130: {  	v3 =	vld [tilespmem:$0x90];
	_ =	sdelay $0x4  }
0x131: {  	v58 =	vshrl.u32 v3, $0x3  }
0x132: {  	v4 =	vmul.u32 $0x30, v58  }
0x133: {  	v3 =	vand.u32 $0x7, v3  }
0x134: {  	v3 =	vor.u32 v3, v4  }
0x135: {  	v4 =	vperm.xlane v3, v0;
	_ =	sdelay $0x1  }
0x136: {  	v4 =	vadd.s32 v1, v4;
	_ =	sdelay $0x3  }
0x137: {  	s14 =	simm.s32 $0xC200;
	v3 =	vperm.xlane v3, v2  }
0x138: {  	[tilespmem:s14], [sflag:$0x1] =	stream.indirect_vreg.gather [hbm4b:s1+s4], $0x80, v4, vm0, $0xb8;
	[tilespmem:$0x1E200] =	vst v63  }
0x139: {  	s11 =	simm.s32 $0xCA00;
	v3 =	vadd.s32 v1, v3  }
0x13a: {  	[tilespmem:s11], [sflag:$0x1] =	stream.indirect_vreg.gather [hbm4b:s5+s4], $0x80, v4, vm0, $0xb8;
	[tilespmem:$0x1E200] =	vst v63  }
0x13b: {  	s12 =	simm.s32 $0xD200  }
0x13c: {  	[tilespmem:s12], [sflag:$0x1] =	stream.indirect_vreg.gather [hbm4b:s6+s4], $0x80, v4, vm0, $0xb8;
	[tilespmem:$0x1E200] =	vst v63  }
0x13d: {  	s13 =	simm.s32 $0xDA00  }
0x13e: {  	[tilespmem:s13], [sflag:$0x1] =	stream.indirect_vreg.gather [hbm4b:s1+s4], $0x80, v3, vm0, $0xb8;
	[tilespmem:$0x1E200] =	vst v63  }
0x13f: {  	s14 =	simm.s32 $0xE200  }
0x140: {  	[tilespmem:s14], [sflag:$0x1] =	stream.indirect_vreg.gather [hbm4b:s5+s4], $0x80, v3, vm0, $0xb8;
	[tilespmem:$0x1E200] =	vst v63  }
0x141: {  	s11 =	simm.s32 $0xEA00  }
0x142: {  	[tilespmem:s11], [sflag:$0x1] =	stream.indirect_vreg.gather [hbm4b:s6+s4], $0x80, v3, vm0, $0xb8;
	[tilespmem:$0x1E200] =	vst v63  }
0x143: {  	s11 =	simm.s32 $0x2  }
0x144: {  	_ =	swait.ge [sflag:s11], $0xF000  }
0x145: {  	[sflag:s11] =	ssyncset.done $0x0  }
0x146: {  	s12 =	rddreg [dreg:$0x9];
	[sflag:s11] =	ssyncadd.s32 $0xFFFF1000  }
0x147: {  	[hbm4b:s12+s4] =	stream.linear.scatter [tilespmem:s10], [sflag:$0x4], $0xF000, $0x38;
	[tilespmem:$0x1E200] =	vst v63  }
0x148: {  	s12 =	simm.s32 $0x4  }
0x149: {  	_ =	swait.ge [sflag:s12], $0xF000  }
0x14a: {  	[sflag:s12] =	ssyncset.done $0x0  }
0x14b: {  	[sflag:s12] =	ssyncadd.s32 $0xFFFF1000  }
0x14c: {  	v3 =	vld [tilespmem:$0x150];
	_ =	sdelay $0x4  }
0x14d: {  	v59 =	vshrl.u32 v3, $0x3  }
0x14e: {  	v4 =	vmul.u32 $0x30, v59  }
0x14f: {  	v3 =	vand.u32 $0x7, v3  }
0x150: {  	v3 =	vor.u32 v3, v4  }
0x151: {  	v4 =	vperm.xlane v3, v0;
	_ =	sdelay $0x1  }
0x152: {  	v4 =	vadd.s32 v1, v4;
	_ =	sdelay $0x3  }
0x153: {  	v3 =	vperm.xlane v3, v2  }
0x154: {  	[tilespmem:s10], [sflag:$0x2] =	stream.indirect_vreg.gather [hbm4b:s3+s4], $0x80, v4, vm0, $0xb8;
	[tilespmem:$0x1E200] =	vst v63  }
0x155: {  	s13 =	simm.s32 $0xFA00;
	v3 =	vadd.s32 v1, v3  }
0x156: {  	[tilespmem:s13], [sflag:$0x2] =	stream.indirect_vreg.gather [hbm4b:s7+s4], $0x80, v4, vm0, $0xb8;
	[tilespmem:$0x1E200] =	vst v63  }
0x157: {  	s14 =	simm.s32 $0x10200  }
0x158: {  	[tilespmem:s14], [sflag:$0x2] =	stream.indirect_vreg.gather [hbm4b:s8+s4], $0x80, v4, vm0, $0xb8;
	[tilespmem:$0x1E200] =	vst v63  }
0x159: {  	s13 =	simm.s32 $0x10A00  }
0x15a: {  	[tilespmem:s13], [sflag:$0x2] =	stream.indirect_vreg.gather [hbm4b:s3+s4], $0x80, v3, vm0, $0xb8;
	[tilespmem:$0x1E200] =	vst v63  }
0x15b: {  	s14 =	simm.s32 $0x11200  }
0x15c: {  	[tilespmem:s14], [sflag:$0x2] =	stream.indirect_vreg.gather [hbm4b:s7+s4], $0x80, v3, vm0, $0xb8;
	[tilespmem:$0x1E200] =	vst v63  }
0x15d: {  	s13 =	simm.s32 $0x11A00  }
0x15e: {  	[tilespmem:s13], [sflag:$0x2] =	stream.indirect_vreg.gather [hbm4b:s8+s4], $0x80, v3, vm0, $0xb8;
	[tilespmem:$0x1E200] =	vst v63  }
0x15f: {  	v3 =	vld [tilespmem:$0x160];
	_ =	sdelay $0x4  }
0x160: {  	v60 =	vshrl.u32 v3, $0x3  }
0x161: {  	v4 =	vmul.u32 $0x30, v60  }
0x162: {  	v3 =	vand.u32 $0x7, v3  }
0x163: {  	v3 =	vor.u32 v3, v4  }
0x164: {  	v4 =	vperm.xlane v3, v0;
	_ =	sdelay $0x1  }
0x165: {  	v4 =	vadd.s32 v1, v4;
	_ =	sdelay $0x3  }
0x166: {  	s14 =	simm.s32 $0x12200;
	v3 =	vperm.xlane v3, v2  }
0x167: {  	[tilespmem:s14], [sflag:$0x2] =	stream.indirect_vreg.gather [hbm4b:s3+s4], $0x80, v4, vm0, $0xb8;
	[tilespmem:$0x1E200] =	vst v63  }
0x168: {  	s13 =	simm.s32 $0x12A00;
	v3 =	vadd.s32 v1, v3  }
0x169: {  	[tilespmem:s13], [sflag:$0x2] =	stream.indirect_vreg.gather [hbm4b:s7+s4], $0x80, v4, vm0, $0xb8;
	[tilespmem:$0x1E200] =	vst v63  }
0x16a: {  	s14 =	simm.s32 $0x13200  }
0x16b: {  	[tilespmem:s14], [sflag:$0x2] =	stream.indirect_vreg.gather [hbm4b:s8+s4], $0x80, v4, vm0, $0xb8;
	[tilespmem:$0x1E200] =	vst v63  }
0x16c: {  	s13 =	simm.s32 $0x13A00  }
0x16d: {  	[tilespmem:s13], [sflag:$0x2] =	stream.indirect_vreg.gather [hbm4b:s3+s4], $0x80, v3, vm0, $0xb8;
	[tilespmem:$0x1E200] =	vst v63  }
0x16e: {  	s14 =	simm.s32 $0x14200  }
0x16f: {  	[tilespmem:s14], [sflag:$0x2] =	stream.indirect_vreg.gather [hbm4b:s7+s4], $0x80, v3, vm0, $0xb8;
	[tilespmem:$0x1E200] =	vst v63  }
0x170: {  	s13 =	simm.s32 $0x14A00  }
0x171: {  	[tilespmem:s13], [sflag:$0x2] =	stream.indirect_vreg.gather [hbm4b:s8+s4], $0x80, v3, vm0, $0xb8;
	[tilespmem:$0x1E200] =	vst v63  }
0x172: {  	v3 =	vld [tilespmem:$0x170];
	_ =	sdelay $0x4  }
0x173: {  	v61 =	vshrl.u32 v3, $0x3  }
0x174: {  	v4 =	vmul.u32 $0x30, v61  }
0x175: {  	v3 =	vand.u32 $0x7, v3  }
0x176: {  	v3 =	vor.u32 v3, v4  }
0x177: {  	v4 =	vperm.xlane v3, v0;
	_ =	sdelay $0x1  }
0x178: {  	v4 =	vadd.s32 v1, v4;
	_ =	sdelay $0x3  }
0x179: {  	s14 =	simm.s32 $0x15200;
	v3 =	vperm.xlane v3, v2  }
0x17a: {  	[tilespmem:s14], [sflag:$0x2] =	stream.indirect_vreg.gather [hbm4b:s3+s4], $0x80, v4, vm0, $0xb8;
	[tilespmem:$0x1E200] =	vst v63  }
0x17b: {  	s13 =	simm.s32 $0x15A00;
	v3 =	vadd.s32 v1, v3  }
0x17c: {  	[tilespmem:s13], [sflag:$0x2] =	stream.indirect_vreg.gather [hbm4b:s7+s4], $0x80, v4, vm0, $0xb8;
	[tilespmem:$0x1E200] =	vst v63  }
0x17d: {  	s14 =	simm.s32 $0x16200  }
0x17e: {  	[tilespmem:s14], [sflag:$0x2] =	stream.indirect_vreg.gather [hbm4b:s8+s4], $0x80, v4, vm0, $0xb8;
	[tilespmem:$0x1E200] =	vst v63  }
0x17f: {  	s13 =	simm.s32 $0x16A00  }
0x180: {  	[tilespmem:s13], [sflag:$0x2] =	stream.indirect_vreg.gather [hbm4b:s3+s4], $0x80, v3, vm0, $0xb8;
	[tilespmem:$0x1E200] =	vst v63  }
0x181: {  	s14 =	simm.s32 $0x17200  }
0x182: {  	[tilespmem:s14], [sflag:$0x2] =	stream.indirect_vreg.gather [hbm4b:s7+s4], $0x80, v3, vm0, $0xb8;
	[tilespmem:$0x1E200] =	vst v63  }
0x183: {  	s13 =	simm.s32 $0x17A00  }
0x184: {  	[tilespmem:s13], [sflag:$0x2] =	stream.indirect_vreg.gather [hbm4b:s8+s4], $0x80, v3, vm0, $0xb8;
	[tilespmem:$0x1E200] =	vst v63  }
0x185: {  	v3 =	vld [tilespmem:$0x180];
	_ =	sdelay $0x4  }
0x186: {  	v62 =	vshrl.u32 v3, $0x3  }
0x187: {  	v4 =	vmul.u32 $0x30, v62  }
0x188: {  	v3 =	vand.u32 $0x7, v3  }
0x189: {  	v3 =	vor.u32 v3, v4  }
0x18a: {  	v4 =	vperm.xlane v3, v0;
	_ =	sdelay $0x1  }
0x18b: {  	v4 =	vadd.s32 v1, v4;
	_ =	sdelay $0x3  }
0x18c: {  	s14 =	simm.s32 $0x18200;
	v3 =	vperm.xlane v3, v2  }
0x18d: {  	[tilespmem:s14], [sflag:$0x2] =	stream.indirect_vreg.gather [hbm4b:s3+s4], $0x80, v4, vm0, $0xb8;
	[tilespmem:$0x1E200] =	vst v63  }
0x18e: {  	s13 =	simm.s32 $0x18A00;
	v3 =	vadd.s32 v1, v3  }
0x18f: {  	[tilespmem:s13], [sflag:$0x2] =	stream.indirect_vreg.gather [hbm4b:s7+s4], $0x80, v4, vm0, $0xb8;
	[tilespmem:$0x1E200] =	vst v63  }
0x190: {  	s14 =	simm.s32 $0x19200  }
0x191: {  	[tilespmem:s14], [sflag:$0x2] =	stream.indirect_vreg.gather [hbm4b:s8+s4], $0x80, v4, vm0, $0xb8;
	[tilespmem:$0x1E200] =	vst v63  }
0x192: {  	s13 =	simm.s32 $0x19A00  }
0x193: {  	[tilespmem:s13], [sflag:$0x2] =	stream.indirect_vreg.gather [hbm4b:s3+s4], $0x80, v3, vm0, $0xb8;
	[tilespmem:$0x1E200] =	vst v63  }
0x194: {  	s14 =	simm.s32 $0x1A200  }
0x195: {  	[tilespmem:s14], [sflag:$0x2] =	stream.indirect_vreg.gather [hbm4b:s7+s4], $0x80, v3, vm0, $0xb8;
	[tilespmem:$0x1E200] =	vst v63  }
0x196: {  	s13 =	simm.s32 $0x1AA00  }
0x197: {  	[tilespmem:s13], [sflag:$0x2] =	stream.indirect_vreg.gather [hbm4b:s8+s4], $0x80, v3, vm0, $0xb8;
	[tilespmem:$0x1E200] =	vst v63  }
0x198: {  	v3 =	vld [tilespmem:$0x190];
	_ =	sdelay $0x4  }
0x199: {  	v63 =	vshrl.u32 v3, $0x3  }
0x19a: {  	v4 =	vmul.u32 $0x30, v63  }
0x19b: {  	v3 =	vand.u32 $0x7, v3  }
0x19c: {  	v3 =	vor.u32 v3, v4  }
0x19d: {  	v4 =	vperm.xlane v3, v0;
	_ =	sdelay $0x1  }
0x19e: {  	v4 =	vadd.s32 v1, v4;
	_ =	sdelay $0x3  }
0x19f: {  	s14 =	simm.s32 $0x1B200;
	v3 =	vperm.xlane v3, v2  }
0x1a0: {  	[tilespmem:s14], [sflag:$0x2] =	stream.indirect_vreg.gather [hbm4b:s3+s4], $0x80, v4, vm0, $0xb8;
	[tilespmem:$0x1E200] =	vst v63  }
0x1a1: {  	s13 =	simm.s32 $0x1BA00;
	v3 =	vadd.s32 v1, v3  }
0x1a2: {  	[tilespmem:s13], [sflag:$0x2] =	stream.indirect_vreg.gather [hbm4b:s7+s4], $0x80, v4, vm0, $0xb8;
	[tilespmem:$0x1E200] =	vst v63  }
0x1a3: {  	s14 =	simm.s32 $0x1C200  }
0x1a4: {  	[tilespmem:s14], [sflag:$0x2] =	stream.indirect_vreg.gather [hbm4b:s8+s4], $0x80, v4, vm0, $0xb8;
	[tilespmem:$0x1E200] =	vst v63  }
0x1a5: {  	s13 =	simm.s32 $0x1CA00  }
0x1a6: {  	[tilespmem:s13], [sflag:$0x2] =	stream.indirect_vreg.gather [hbm4b:s3+s4], $0x80, v3, vm0, $0xb8;
	[tilespmem:$0x1E200] =	vst v63  }
0x1a7: {  	s14 =	simm.s32 $0x1D200  }
0x1a8: {  	[tilespmem:s14], [sflag:$0x2] =	stream.indirect_vreg.gather [hbm4b:s7+s4], $0x80, v3, vm0, $0xb8;
	[tilespmem:$0x1E200] =	vst v63  }
0x1a9: {  	s13 =	simm.s32 $0x1DA00  }
0x1aa: {  	[tilespmem:s13], [sflag:$0x2] =	stream.indirect_vreg.gather [hbm4b:s8+s4], $0x80, v3, vm0, $0xb8;
	[tilespmem:$0x1E200] =	vst v63  }
0x1ab: {  	_ =	swait.ge [sflag:s0], $0xF000  }
0x1ac: {  	[sflag:s0] =	ssyncset.done $0x0  }
0x1ad: {  	s9 =	simm.s32 $0x200;
	s14 =	rddreg [dreg:$0xa];
	[sflag:s0] =	ssyncadd.s32 $0xFFFF1000  }
0x1ae: {  	[hbm4b:s14+s4] =	stream.linear.scatter [tilespmem:s9], [sflag:$0x3], $0xF000, $0x38;
	[tilespmem:$0x1E200] =	vst v63  }
0x1af: {  	_ =	swait.ge [sflag:s11], $0xF000  }
0x1b0: {  	[sflag:s11] =	ssyncset.done $0x0  }
0x1b1: {  	s14 =	rddreg [dreg:$0xb];
	[sflag:s11] =	ssyncadd.s32 $0xFFFF1000  }
0x1b2: {  	[hbm4b:s14+s4] =	stream.linear.scatter [tilespmem:s10], [sflag:$0x4], $0xF000, $0x38;
	[tilespmem:$0x1E200] =	vst v63  }
0x1b3: {  	p0 =	sne.s32 s15, $0x1;
	_ =	swait.ge [sflag:s2], $0xF000  }
.Ltmp0:
0x1b4: {  	[sflag:s2] =	ssyncset.done $0x0;
	(pc) =	sbr.rel @p0 .LBB2_1-.Ltmp0, $4  }
0x1b5: {  	[sflag:s2] =	ssyncadd.s32 $0xFFFF1000  }
0x1b6: {  	_ =	swait.ge [sflag:s12], $0xF000  }
0x1b7: {  	[sflag:s12] =	ssyncset.done $0x0  }
0x1b8: {  	s15 =	sadd.s32 $0xFFFFFFFF, s15;
	[sflag:s12] =	ssyncadd.s32 $0xFFFF1000  }
0x1b9: {  	_ =	sfence.sel $0x180000  }
0x1ba: {  	[bflag:$0x0] =	sbarrier.arrive $0xFFFF  }
0x1bb: {  	_ =	strace $0x90000050  }
0x1bc: {  	s0 =	stileid.u32;
	[bflag:$0x2] =	sbarrier.arrive $0xFFFF  }
0x1bd: {  	p0 =	sne.s32 s0, $0x0;
	s0 =	rddreg [dreg:$0x5]  }
0x1be: {  	s0 =	sadd.s32 @!p0 $0x100000, s0  }
0x1bf: {  	[sflag:s0] =	ssyncadd.tile.s32 @!p0 $0x1;
	_ =	shalt  }
.Lfunc_end2:
_tile_overlayer_lowered:
.L_overlay_start_2:
0x1c0: {  	(tag) =	ssettag $0x2  }
0x1c1: {  	s0 =	rddreg [dreg:$0x0];
	s2 =	stileid.u32  }
0x1c2: {  	s1 =	rddreg [dreg:$0x1];
	p0 =	sne.s32 s2, $0x0  }
0x1c3: {  	s3 =	rddreg [dreg:$0x2];
	[bflag:$0x3] =	sbarrier.arrive $0xFFFF;
	s2 =	simm.s32 @!p0 $0x1C05  }
0x1c4: {  	[timem:s3], [sflag:s2] =	dma.local @!p0 [hbm:s0], s1  }
0x1c5: {  	s0 =	simm.s32 @!p0 $0x5  }
0x1c6: {  	_ =	swait.ge @!p0 [sflag:s0], s1  }
0x1c7: {  	s1 =	ssub.s32 @!p0 $0x0, s1;
	[sflag:s0] =	ssyncset.done @!p0 $0x0  }
0x1c8: {  	[sflag:s0] =	ssyncadd.s32 @!p0 s1  }
0x1c9: {  	[bflag:$0x3] =	sbarrier.arrive $0xFFFF  }
0x1ca: {  	_ =	shalt  }

</sc_bundles>
